<compile_context>
chip_gen: v7x
topology: tpu7x:2x2x1
jax: 0.10.2.dev20260603
libtpu: 0.0.44.dev20260713+nightly
codegen_flags: <defaults>
</compile_context>

<pallas_src>
import functools

import jax
import jax.numpy as jnp
from jax import lax
from jax.experimental import pallas as pl
from jax.experimental.pallas import tpu as pltpu
from jax.experimental.pallas import tpu_sc as plsc

NSEL = 300
CAP = 256
KEY_SLACK = 256
NC, NS, L = 2, 16, 16


def _fkey(x):
    b = lax.bitcast_convert_type(x, jnp.int32)
    return b ^ (lax.shift_right_arithmetic(b, 31) & jnp.int32(0x7FFFFFFF))


def _qmax_body(x_ref, o_ref):
    o_ref[...] = jnp.max(x_ref[...], axis=2)[:, None, :]


def _thresh_body(qm_ref, tk_ref):
    nb = qm_ref.shape[0]
    key = _fkey(qm_ref[...])

    def it(_, carry):
        lo, hi = carry
        mid = lo + lax.shift_right_logical(hi - lo, 1)
        cnt = jnp.sum((key >= mid).astype(jnp.int32), axis=1, keepdims=True)
        ge = cnt >= NSEL
        return jnp.where(ge, mid, lo), jnp.where(ge, hi, mid)

    lo0 = jnp.full((nb, 1), jnp.iinfo(jnp.int32).min, jnp.int32)
    hi0 = jnp.full((nb, 1), jnp.iinfo(jnp.int32).max, jnp.int32)
    lo, _ = lax.fori_loop(0, 32, it, (lo0, hi0))
    tkr = lo - KEY_SLACK
    tf = lax.bitcast_convert_type(
        tkr ^ (lax.shift_right_arithmetic(tkr, 31) & jnp.int32(0x7FFFFFFF)),
        jnp.float32)
    tk_ref[...] = jnp.broadcast_to(tf, (nb, 128))


def _select_body(nq, nc, logits_hbm, bboxf_hbm, qmax_hbm, tkey_hbm,
                 cvals_hbm, cflat_hbm, cboxf_hbm,
                 tk_v, qm_v, qsel_v, grp_v, vals_v, flat_v,
                 bq_v, eidx_v, cb_v, sem):
    qh = nq // 2
    nslots = 16 * 2 * CAP
    wid = lax.axis_index("s") * NC + lax.axis_index("c")
    b = wid // 2
    h = wid % 2
    slot0 = (b * 2 + h) * CAP
    lanes = lax.iota(jnp.int32, L)

    pltpu.sync_copy(tkey_hbm.at[pl.ds(b * 128, L)], tk_v)
    tk = tk_v[...]
    pltpu.sync_copy(qmax_hbm.at[pl.ds(b * nq + h * qh, qh)], qm_v)

    def pre(j, _):
        spread = ((lanes + j * L) * 797) % nq
        qsel_v[pl.ds(j * L, L)] = spread
        vals_v[pl.ds(j * L, L)] = jnp.full((L,), -jnp.inf, jnp.float32)
        flat_v[pl.ds(j * L, L)] = spread * nc
        return 0
    lax.fori_loop(0, (CAP + L) // L, pre, 0)

    def scan(j, off):
        m = qm_v[pl.ds(j * L, L)] >= tk
        cum = plsc.cumsum(m.astype(jnp.int32))
        qloc = lanes + (j * L + h * qh)
        plsc.store_scatter(qsel_v, [off + cum - 1], qloc, mask=m)
        return jnp.minimum(off + jnp.max(cum), CAP)
    nsel = lax.fori_loop(0, qh // L, scan, 0)

    nchunk = (nc + L - 1) // L
    gc = grp_v.shape[0]

    def chunk_fn(ci, coff):
        base = ci * gc
        n_here = jnp.minimum(nsel - base, gc)

        def fire(i, _):
            qv = plsc.load_gather(qsel_v, [jnp.full((L,), base + i, jnp.int32)])
            g = (jnp.max(qv) // 8) * 8
            pltpu.make_async_copy(
                logits_hbm.at[pl.ds(pl.multiple_of(b * nq + g, 8), 8)],
                grp_v.at[i], sem).start()
            return 0
        lax.fori_loop(0, n_here, fire, 0)

        def drain(i, _):
            pltpu.make_async_copy(
                logits_hbm.at[pl.ds(0, 8)], grp_v.at[0], sem).wait()
            return 0
        lax.fori_loop(0, n_here, drain, 0)

        def row(i, coff):
            qv = plsc.load_gather(qsel_v, [jnp.full((L,), base + i, jnp.int32)])
            s = jnp.max(qv) % 8
            for j in range(nchunk):
                c0 = min(j * L, nc - L)
                x = grp_v[i, s, pl.ds(c0, L)]
                m = x >= tk
                if c0 < j * L:
                    m = m & (lanes >= (j * L - c0))
                cum = plsc.cumsum(m.astype(jnp.int32))
                pos = coff + cum - 1
                plsc.store_scatter(vals_v, [pos], x, mask=m)
                plsc.store_scatter(flat_v, [pos],
                                   qv * nc + (lanes + c0), mask=m)
                coff = jnp.minimum(coff + jnp.max(cum), CAP)
            return coff
        return lax.fori_loop(0, n_here, row, coff)

    lax.fori_loop(0, (nsel + gc - 1) // gc, chunk_fn, 0)

    def mkbq(j, _):
        f = flat_v[pl.ds(j * L, L)]
        bq_v[pl.ds(j * L, L)] = (jnp.minimum(f // nc, nq - 1) + b * nq) * 4
        return 0
    lax.fori_loop(0, CAP // L, mkbq, 0)

    def mkeidx(j, _):
        e = lanes + j * L
        eidx_v[pl.ds(j * L, L)] = (
            plsc.load_gather(bq_v, [lax.div(e, 4)]) + lax.rem(e, 4))
        return 0
    lax.fori_loop(0, 4 * CAP // L, mkeidx, 0)
    pltpu.async_copy(bboxf_hbm.at[eidx_v], cb_v, sem).wait()
    pltpu.sync_copy(cb_v, cboxf_hbm.at[pl.ds(slot0 * 4, CAP * 4)])

    pltpu.sync_copy(vals_v.at[pl.ds(0, CAP)], cvals_hbm.at[pl.ds(slot0, CAP)])
    pltpu.sync_copy(flat_v.at[pl.ds(0, CAP)], cflat_hbm.at[pl.ds(slot0, CAP)])


def _rank_body(nc, cv_ref, cf_ref, cx_ref, cy_ref, cw_ref, ch_ref, sf_ref,
               lab_ref, sc_ref, x1_ref, y1_ref, x2_ref, y2_ref):
    nb, m = cv_ref.shape
    s = jax.nn.sigmoid(cv_ref[...])
    f = cf_ref[...]
    key = _fkey(s)

    chunks = []
    for i0 in range(0, m, 128):
        ka = key[:, i0:i0 + 128][:, :, None]
        fa = f[:, i0:i0 + 128][:, :, None]
        kb = key[:, None, :]
        fb = f[:, None, :]
        beats = (kb > ka) | ((kb == ka) & (fb < fa))
        chunks.append(jnp.sum(beats.astype(jnp.int32), axis=2))
    rank = jnp.concatenate(chunks, axis=1)

    sw = sf_ref[...][:, 0:1]
    sh = sf_ref[...][:, 1:2]
    cx = cx_ref[...]
    cy = cy_ref[...]
    w = cw_ref[...]
    h = ch_ref[...]
    x1 = (cx - 0.5 * w) * sw
    y1 = (cy - 0.5 * h) * sh
    x2 = (cx + 0.5 * w) * sw
    y2 = (cy + 0.5 * h) * sh

    for k0 in range(0, NSEL, 100):
        kc = min(100, NSEL - k0)
        kk = jax.lax.broadcasted_iota(jnp.int32, (nb, kc, m), 1) + k0
        e = rank[:, None, :] == kk

        def emit(plane, zero):
            return jnp.sum(jnp.where(e, plane[:, None, :], zero), axis=2)

        sc_ref[:, k0:k0 + kc] = emit(s, 0.0)
        lab_ref[:, k0:k0 + kc] = emit(f, 0) % nc
        x1_ref[:, k0:k0 + kc] = emit(x1, 0.0)
        y1_ref[:, k0:k0 + kc] = emit(y1, 0.0)
        x2_ref[:, k0:k0 + kc] = emit(x2, 0.0)
        y2_ref[:, k0:k0 + kc] = emit(y2, 0.0)


@jax.jit
def kernel(out_logits, out_bbox, orig_target_sizes):
    nb, nq, nc = out_logits.shape
    f32 = jnp.float32
    i32 = jnp.int32
    nslots = nb * 2 * CAP

    nblk = 2
    bq = nq // nblk
    qmax = pl.pallas_call(
        _qmax_body,
        grid=(nb, nblk),
        in_specs=[pl.BlockSpec((1, bq, nc), lambda b, j: (b, j, 0))],
        out_specs=pl.BlockSpec((1, 1, bq), lambda b, j: (b * nblk + j, 0, 0)),
        out_shape=jax.ShapeDtypeStruct((nb * nblk, 1, bq), f32),
    )(out_logits)

    tkey = pl.pallas_call(
        _thresh_body,
        out_shape=jax.ShapeDtypeStruct((nb, 128), f32),
    )(qmax.reshape(nb, nq))

    logits2d = out_logits.reshape(nb * nq, nc)
    bboxf = out_bbox.reshape(nb * nq * 4)
    qmax1 = qmax.reshape(nb * nq)
    tkey1 = tkey.reshape(nb * 128)

    mesh = plsc.VectorSubcoreMesh(core_axis_name="c", subcore_axis_name="s")
    cvals, cflat, cboxf = pl.kernel(
        functools.partial(_select_body, nq, nc),
        out_type=[
            jax.ShapeDtypeStruct((nslots,), f32),
            jax.ShapeDtypeStruct((nslots,), i32),
            jax.ShapeDtypeStruct((4 * nslots,), f32),
        ],
        mesh=mesh,
        compiler_params=pltpu.CompilerParams(needs_layout_passes=False, skip_device_barrier=True),
        scratch_types=[
            pltpu.VMEM((L,), f32),
            pltpu.VMEM((nq // 2,), f32),
            pltpu.VMEM((CAP + L,), i32),
            pltpu.VMEM((16, 8, nc), f32),
            pltpu.VMEM((CAP + L,), f32),
            pltpu.VMEM((CAP + L,), i32),
            pltpu.VMEM((CAP,), i32),
            pltpu.VMEM((4 * CAP,), i32),
            pltpu.VMEM((4 * CAP,), f32),
            pltpu.SemaphoreType.DMA,
        ],
    )(logits2d, bboxf, qmax1, tkey1)

    sizes = orig_target_sizes.astype(f32)
    boxes4 = cboxf.reshape(nb, 2 * CAP, 4)

    outs = pl.pallas_call(
        functools.partial(_rank_body, nc),
        out_shape=[
            jax.ShapeDtypeStruct((nb, NSEL), i32),
            jax.ShapeDtypeStruct((nb, NSEL), f32),
            jax.ShapeDtypeStruct((nb, NSEL), f32),
            jax.ShapeDtypeStruct((nb, NSEL), f32),
            jax.ShapeDtypeStruct((nb, NSEL), f32),
            jax.ShapeDtypeStruct((nb, NSEL), f32),
        ],
    )(cvals.reshape(nb, 2 * CAP), cflat.reshape(nb, 2 * CAP),
      boxes4[..., 0], boxes4[..., 1], boxes4[..., 2], boxes4[..., 3], sizes)

    labels, scores, x1, y1, x2, y2 = outs
    boxes = jnp.stack([x1, y1, x2, y2], axis=-1)
    return (labels, boxes, scores)

# --- scband reference (transcript-rebuilt; emitter-appended) ---
"""Pipeline reference for scband-model-41961830482170 (READ-ONLY COPY).

The authoritative reference and input builder live on the scoring server;
editing this copy changes nothing except your own understanding.
"""

import jax, jax.numpy as jnp
import numpy as np

NUM_SELECT = 300

def setup_inputs(seed: int = 0) -> dict:
    key = jax.random.key(seed)
    k1, k2, k3 = jax.random.split(key, 3)
    out_logits = jax.random.normal(k1, (16, 20000, 91), dtype=jnp.float32)
    out_bbox = jax.random.uniform(k2, (16, 20000, 4), dtype=jnp.float32)
    orig_target_sizes = jax.random.randint(k3, (16, 2), 1, 1333).astype(jnp.int32)
    return {"out_logits": out_logits, "out_bbox": out_bbox, "orig_target_sizes": orig_target_sizes}

def reference(out_logits, out_bbox, orig_target_sizes):
    B, Q, C = out_logits.shape
    prob = jax.nn.sigmoid(out_logits)
    flat = prob.reshape(B, Q * C)
    topk_values, topk_indexes = jax.lax.top_k(flat, NUM_SELECT)
    scores = topk_values
    topk_boxes = topk_indexes // C
    labels = topk_indexes % C
    cx = out_bbox[..., 0]
    cy = out_bbox[..., 1]
    w = out_bbox[..., 2]
    h = out_bbox[..., 3]
    boxes_xyxy = jnp.stack([cx - 0.5 * w, cy - 0.5 * h, cx + 0.5 * w, cy + 0.5 * h], axis=-1)
    gather_idx = jnp.broadcast_to(topk_boxes[:, :, None], (B, NUM_SELECT, 4))
    boxes = jnp.take_along_axis(boxes_xyxy, gather_idx, axis=1)
    img_w = orig_target_sizes[:, 0].astype(jnp.float32)
    img_h = orig_target_sizes[:, 1].astype(jnp.float32)
    scale_fct = jnp.stack([img_w, img_h, img_w, img_h], axis=1)
    boxes = boxes * scale_fct[:, None, :]
    return (labels, boxes, scores)

if __name__ == "__main__":
    import jax
    _d = setup_inputs()
    print(jax.jit(kernel)(*tuple(_d.values())))

</pallas_src>

<mosaic_0001>
#map = affine_map<(d0, d1) -> (0, 0)>
#map1 = affine_map<(d0, d1) -> (0)>
module attributes {stable_mosaic.version = 14 : i64} {
  func.func @_select_body(%arg0: i32, %arg1: i32, %arg2: memref<320000x91xf32, #tpu.memory_space<hbm>>, %arg3: memref<1280000xf32, #tpu.memory_space<hbm>>, %arg4: memref<320000xf32, #tpu.memory_space<hbm>>, %arg5: memref<2048xf32, #tpu.memory_space<hbm>>, %arg6: memref<8192xf32, #tpu.memory_space<hbm>>, %arg7: memref<8192xi32, #tpu.memory_space<hbm>>, %arg8: memref<32768xf32, #tpu.memory_space<hbm>>, %arg9: memref<16xf32, #tpu.memory_space<vmem>>, %arg10: memref<10000xf32, #tpu.memory_space<vmem>>, %arg11: memref<272xi32, #tpu.memory_space<vmem>>, %arg12: memref<16x8x91xf32, #tpu.memory_space<vmem>>, %arg13: memref<272xf32, #tpu.memory_space<vmem>>, %arg14: memref<272xi32, #tpu.memory_space<vmem>>, %arg15: memref<256xi32, #tpu.memory_space<vmem>>, %arg16: memref<1024xi32, #tpu.memory_space<vmem>>, %arg17: memref<1024xf32, #tpu.memory_space<vmem>>, %arg18: memref<!tpu.dma_semaphore, #tpu.memory_space<semaphore_mem>>) attributes {dimension_semantics = [#tpu.dimension_semantics<core_parallel>, #tpu.dimension_semantics<subcore_parallel>], iteration_bounds = array<i64: 2, 16>, scalar_prefetch = 0 : i64, scratch_operands = 10 : i64, tpu.core_type = #tpu.core_type<sc_vector_subcore>, window_params = [{transform_indices = #map}, {transform_indices = #map1}, {transform_indices = #map1}, {transform_indices = #map1}, {transform_indices = #map1}, {transform_indices = #map1}, {transform_indices = #map1}]} {
    %mul3A = arith.constant 2 : i32
    %mul3A_0 = arith.muli %arg1, %mul3A : i32
    %add3A = arith.addi %mul3A_0, %arg0 : i32
    %jit3A = arith.constant 2 : i32
    %div3A = arith.divsi %add3A, %jit3A : i32
    %sign3A = arith.constant 0 : i32
    %sign3A_1 = arith.cmpi sgt, %add3A, %sign3A : i32
    %sign3A_2 = arith.extui %sign3A_1 : i1 to i32
    %sign3A_3 = arith.constant 0 : i32
    %sign3A_4 = arith.cmpi slt, %add3A, %sign3A_3 : i32
    %sign3A_5 = arith.extui %sign3A_4 : i1 to i32
    %sign3A_6 = arith.subi %sign3A_2, %sign3A_5 : i32
    %sign3A_7 = arith.constant 0 : i32
    %sign3A_8 = arith.cmpi sgt, %jit3A, %sign3A_7 : i32
    %sign3A_9 = arith.extui %sign3A_8 : i1 to i32
    %sign3A_10 = arith.constant 0 : i32
    %sign3A_11 = arith.cmpi slt, %jit3A, %sign3A_10 : i32
    %sign3A_12 = arith.extui %sign3A_11 : i1 to i32
    %sign3A_13 = arith.subi %sign3A_9, %sign3A_12 : i32
    %ne3A = arith.cmpi ne, %sign3A_6, %sign3A_13 : i32
    %rem3A = arith.remsi %add3A, %jit3A : i32
    %ne3A_14 = arith.constant 0 : i32
    %ne3A_15 = arith.cmpi ne, %rem3A, %ne3A_14 : i32
    %and3A = arith.andi %ne3A, %ne3A_15 : i1
    %sub3A = arith.constant 1 : i32
    %sub3A_16 = arith.subi %div3A, %sub3A : i32
    %select_n3A = arith.select %and3A, %sub3A_16, %div3A : i32
    %jit3A_17 = arith.constant 2 : i32
    %eq3A = arith.constant 0 : i32
    %eq3A_18 = arith.cmpi eq, %jit3A_17, %eq3A : i32
    %jit3A_19 = arith.constant 1 : i32
    %select_n3A_20 = arith.select %eq3A_18, %jit3A_19, %jit3A_17 : i32
    %rem3A_21 = arith.remsi %add3A, %select_n3A_20 : i32
    %ne3A_22 = arith.constant 0 : i32
    %ne3A_23 = arith.cmpi ne, %rem3A_21, %ne3A_22 : i32
    %lt3A = arith.constant 0 : i32
    %lt3A_24 = arith.cmpi slt, %rem3A_21, %lt3A : i32
    %lt3A_25 = arith.constant 0 : i32
    %lt3A_26 = arith.cmpi slt, %select_n3A_20, %lt3A_25 : i32
    %ne3A_27 = arith.xori %lt3A_24, %lt3A_26 : i1
    %and3A_28 = arith.andi %ne3A_27, %ne3A_23 : i1
    %add3A_29 = arith.addi %rem3A_21, %select_n3A_20 : i32
    %select_n3A_30 = arith.select %and3A_28, %add3A_29, %rem3A_21 : i32
    %mul3A_31 = arith.constant 2 : i32
    %mul3A_32 = arith.muli %select_n3A, %mul3A_31 : i32
    %add3A_33 = arith.addi %mul3A_32, %select_n3A_30 : i32
    %mul3A_34 = arith.constant 256 : i32
    %mul3A_35 = arith.muli %add3A_33, %mul3A_34 : i32
    %iota3A = tpu.iota {dimensions = array<i32: 0>} : vector<16xi32>
    %mul3A_36 = arith.constant 128 : i32
    %mul3A_37 = arith.muli %select_n3A, %mul3A_36 : i32
    "tpu.region"() ({
      %run_scoped3A = tpu.sem_alloc : memref<!tpu.dma_semaphore, #tpu.memory_space<semaphore_mem>>
      %dma_start3A_114 = tpu.memref_slice %arg5[%mul3A_37] : memref<2048xf32, #tpu.memory_space<hbm>> -> memref<16xf32, #tpu.memory_space<hbm>>
      %dma_start3A_115 = tpu.memref_slice %arg5[%mul3A_37] : memref<2048xf32, #tpu.memory_space<hbm>> -> memref<16xf32, #tpu.memory_space<hbm>>
      tpu.enqueue_dma source(%dma_start3A_115 : memref<16xf32, #tpu.memory_space<hbm>>) target(%arg9 : memref<16xf32, #tpu.memory_space<vmem>>) target_semaphore(%run_scoped3A : memref<!tpu.dma_semaphore, #tpu.memory_space<semaphore_mem>>)
      %dma_wait3A_116 = tpu.memref_slice %arg5[%mul3A_37] : memref<2048xf32, #tpu.memory_space<hbm>> -> memref<16xf32, #tpu.memory_space<hbm>>
      %dma_wait3A_117 = tpu.memref_slice %arg5[%mul3A_37] : memref<2048xf32, #tpu.memory_space<hbm>> -> memref<16xf32, #tpu.memory_space<hbm>>
      tpu.wait_dma2 semaphore(%run_scoped3A : memref<!tpu.dma_semaphore, #tpu.memory_space<semaphore_mem>>) src(%dma_wait3A_117 : memref<16xf32, #tpu.memory_space<hbm>>) dst(%arg9 : memref<16xf32, #tpu.memory_space<vmem>>)
      tpu.yield
    }) : () -> ()
    %get3A = arith.constant 0 : index
    %get3A_38 = tpu.vector_load %arg9[%get3A] {strides = array<i32>} : memref<16xf32, #tpu.memory_space<vmem>>, vector<16xf32>,
    %mul3A_39 = arith.constant 20000 : i32
    %mul3A_40 = arith.muli %select_n3A, %mul3A_39 : i32
    %mul3A_41 = arith.constant 10000 : i32
    %mul3A_42 = arith.muli %select_n3A_30, %mul3A_41 : i32
    %add3A_43 = arith.addi %mul3A_40, %mul3A_42 : i32
    "tpu.region"() ({
      %run_scoped3A = tpu.sem_alloc : memref<!tpu.dma_semaphore, #tpu.memory_space<semaphore_mem>>
      %dma_start3A_114 = tpu.memref_slice %arg4[%add3A_43] : memref<320000xf32, #tpu.memory_space<hbm>> -> memref<10000xf32, #tpu.memory_space<hbm>>
      %dma_start3A_115 = tpu.memref_slice %arg4[%add3A_43] : memref<320000xf32, #tpu.memory_space<hbm>> -> memref<10000xf32, #tpu.memory_space<hbm>>
      tpu.enqueue_dma source(%dma_start3A_115 : memref<10000xf32, #tpu.memory_space<hbm>>) target(%arg10 : memref<10000xf32, #tpu.memory_space<vmem>>) target_semaphore(%run_scoped3A : memref<!tpu.dma_semaphore, #tpu.memory_space<semaphore_mem>>)
      %dma_wait3A_116 = tpu.memref_slice %arg4[%add3A_43] : memref<320000xf32, #tpu.memory_space<hbm>> -> memref<10000xf32, #tpu.memory_space<hbm>>
      %dma_wait3A_117 = tpu.memref_slice %arg4[%add3A_43] : memref<320000xf32, #tpu.memory_space<hbm>> -> memref<10000xf32, #tpu.memory_space<hbm>>
      tpu.wait_dma2 semaphore(%run_scoped3A : memref<!tpu.dma_semaphore, #tpu.memory_space<semaphore_mem>>) src(%dma_wait3A_117 : memref<10000xf32, #tpu.memory_space<hbm>>) dst(%arg10 : memref<10000xf32, #tpu.memory_space<vmem>>)
      tpu.yield
    }) : () -> ()
    %scan3A = arith.constant 0 : i32
    %scan3A_44 = arith.constant 0 : i32
    %scan3A_45 = arith.constant 17 : i32
    %scan3A_46 = arith.addi %scan3A_44, %scan3A_45 : i32
    %scan3A_47 = arith.constant 1 : i32
    %scan3A_48 = scf.for %scan3A_114 = %scan3A_44 to %scan3A_46 step %scan3A_47 iter_args(%scan3A_115 = %scan3A) -> (i32)  : i32 {
      %mul3A_116 = arith.constant 16 : i32
      %mul3A_117 = arith.muli %scan3A_114, %mul3A_116 : i32
      %add3A_118 = vector.broadcast %mul3A_117 : i32 to vector<16xi32>
      %add3A_119 = arith.addi %iota3A, %add3A_118 : vector<16xi32>
      %mul3A_120 = arith.constant 797 : i32
      %mul3A_121 = vector.broadcast %mul3A_120 : i32 to vector<16xi32>
      %mul3A_122 = arith.muli %add3A_119, %mul3A_121 : vector<16xi32>
      %jit3A_123 = arith.constant 20000 : i32
      %eq3A_124 = arith.constant 0 : i32
      %eq3A_125 = arith.cmpi eq, %jit3A_123, %eq3A_124 : i32
      %jit3A_126 = arith.constant 1 : i32
      %select_n3A_127 = arith.select %eq3A_125, %jit3A_126, %jit3A_123 : i32
      %rem3A_128 = vector.broadcast %select_n3A_127 : i32 to vector<16xi32>
      %rem3A_129 = arith.remsi %mul3A_122, %rem3A_128 : vector<16xi32>
      %ne3A_130 = arith.constant 0 : i32
      %ne3A_131 = vector.broadcast %ne3A_130 : i32 to vector<16xi32>
      %ne3A_132 = arith.cmpi ne, %rem3A_129, %ne3A_131 : vector<16xi32>
      %lt3A_133 = arith.constant 0 : i32
      %lt3A_134 = vector.broadcast %lt3A_133 : i32 to vector<16xi32>
      %lt3A_135 = arith.cmpi slt, %rem3A_129, %lt3A_134 : vector<16xi32>
      %lt3A_136 = arith.constant 0 : i32
      %lt3A_137 = arith.cmpi slt, %select_n3A_127, %lt3A_136 : i32
      %ne3A_138 = vector.broadcast %lt3A_137 : i1 to vector<16xi1>
      %ne3A_139 = vector.broadcast %ne3A_138 : vector<16xi1> to vector<16xi1>
      %ne3A_140 = arith.xori %lt3A_135, %ne3A_139 : vector<16xi1>
      %and3A_141 = arith.andi %ne3A_140, %ne3A_132 : vector<16xi1>
      %add3A_142 = vector.broadcast %select_n3A_127 : i32 to vector<16xi32>
      %add3A_143 = arith.addi %rem3A_129, %add3A_142 : vector<16xi32>
      %select_n3A_144 = arith.select %and3A_141, %add3A_143, %rem3A_129 : vector<16xi1>, vector<16xi32>
      %mul3A_145 = arith.constant 16 : i32
      %mul3A_146 = arith.muli %scan3A_114, %mul3A_145 : i32
      %swap3A = arith.index_cast %mul3A_146 : i32 to index
      %swap3A_147 = tpu.vector_load %arg11[%swap3A] {strides = array<i32>} : memref<272xi32, #tpu.memory_space<vmem>>, vector<16xi32>,
      tpu.vector_store %arg11[%swap3A], %select_n3A_144 {strides = array<i32>} : memref<272xi32, #tpu.memory_space<vmem>>, vector<16xi32>,
      %broadcast_in_dim3A = arith.constant 0xFF800000 : f32
      %broadcast_in_dim3A_148 = vector.broadcast %broadcast_in_dim3A : f32 to vector<16xf32>
      %mul3A_149 = arith.constant 16 : i32
      %mul3A_150 = arith.muli %scan3A_114, %mul3A_149 : i32
      %swap3A_151 = arith.index_cast %mul3A_150 : i32 to index
      %swap3A_152 = tpu.vector_load %arg13[%swap3A_151] {strides = array<i32>} : memref<272xf32, #tpu.memory_space<vmem>>, vector<16xf32>,
      tpu.vector_store %arg13[%swap3A_151], %broadcast_in_dim3A_148 {strides = array<i32>} : memref<272xf32, #tpu.memory_space<vmem>>, vector<16xf32>,
      %mul3A_153 = arith.constant 91 : i32
      %mul3A_154 = vector.broadcast %mul3A_153 : i32 to vector<16xi32>
      %mul3A_155 = arith.muli %select_n3A_144, %mul3A_154 : vector<16xi32>
      %mul3A_156 = arith.constant 16 : i32
      %mul3A_157 = arith.muli %scan3A_114, %mul3A_156 : i32
      %swap3A_158 = arith.index_cast %mul3A_157 : i32 to index
      %swap3A_159 = tpu.vector_load %arg14[%swap3A_158] {strides = array<i32>} : memref<272xi32, #tpu.memory_space<vmem>>, vector<16xi32>,
      tpu.vector_store %arg14[%swap3A_158], %mul3A_155 {strides = array<i32>} : memref<272xi32, #tpu.memory_space<vmem>>, vector<16xi32>,
      %scan3A_160 = arith.constant 0 : i32
      scf.yield %scan3A_160 : i32
    }
    %scan3A_49 = arith.constant 17 : i32
    %scan3A_50 = arith.constant 0 : i32
    %scan3A_51 = arith.constant 0 : i32
    %scan3A_52 = arith.constant 625 : i32
    %scan3A_53 = arith.addi %scan3A_51, %scan3A_52 : i32
    %scan3A_54 = arith.constant 1 : i32
    %scan3A_55 = scf.for %scan3A_114 = %scan3A_51 to %scan3A_53 step %scan3A_54 iter_args(%scan3A_115 = %scan3A_50) -> (i32)  : i32 {
      %mul3A_116 = arith.constant 16 : i32
      %mul3A_117 = arith.muli %scan3A_114, %mul3A_116 : i32
      %get3A_118 = arith.index_cast %mul3A_117 : i32 to index
      %get3A_119 = tpu.vector_load %arg10[%get3A_118] {strides = array<i32>} : memref<10000xf32, #tpu.memory_space<vmem>>, vector<16xf32>,
      %ge3A = arith.cmpf oge, %get3A_119, %get3A_38 : vector<16xf32>
      %convert_element_type3A = arith.extui %ge3A : vector<16xi1> to vector<16xi32>
      %broadcast_in_dim3A = arith.constant true
      %broadcast_in_dim3A_120 = vector.broadcast %broadcast_in_dim3A : i1 to vector<16xi1>
      %masked_cumsum3A = tpu.scan <sum>, %convert_element_type3A masked %broadcast_in_dim3A_120 : vector<16xi32>, vector<16xi1> -> vector<16xi32>
      %mul3A_121 = arith.constant 16 : i32
      %mul3A_122 = arith.muli %scan3A_114, %mul3A_121 : i32
      %mul3A_123 = arith.constant 10000 : i32
      %mul3A_124 = arith.muli %select_n3A_30, %mul3A_123 : i32
      %add3A_125 = arith.addi %mul3A_122, %mul3A_124 : i32
      %add3A_126 = vector.broadcast %add3A_125 : i32 to vector<16xi32>
      %add3A_127 = arith.addi %iota3A, %add3A_126 : vector<16xi32>
      %add3A_128 = vector.broadcast %scan3A_115 : i32 to vector<16xi32>
      %add3A_129 = arith.addi %add3A_128, %masked_cumsum3A : vector<16xi32>
      %sub3A_130 = arith.constant 1 : i32
      %sub3A_131 = vector.broadcast %sub3A_130 : i32 to vector<16xi32>
      %sub3A_132 = arith.subi %add3A_129, %sub3A_131 : vector<16xi32>
      tpu.vector_store_idx %arg11[%sub3A_132], %add3A_127 masked %ge3A : memref<272xi32, #tpu.memory_space<vmem>>[vector<16xi32>], vector<16xi32>, vector<16xi1>
      %reduce_max3A = arith.constant true
      %reduce_max3A_133 = vector.broadcast %reduce_max3A : i1 to vector<16xi1>
      %reduce_max3A_134 = arith.constant -2147483648 : i32
      %reduce_max3A_135 = vector.broadcast %reduce_max3A_134 : i32 to vector<16xi32>
      %reduce_max3A_136 = arith.xori %masked_cumsum3A, %reduce_max3A_135 : vector<16xi32>
      %reduce_max3A_137 = tpu.scan <max>, %reduce_max3A_136 masked %reduce_max3A_133 : vector<16xi32>, vector<16xi1> -> vector<16xi32>
      %reduce_max3A_138 = arith.xori %reduce_max3A_137, %reduce_max3A_135 : vector<16xi32>
      %reduce_max3A_139 = vector.extract %reduce_max3A_138[15] : i32 from vector<16xi32>
      %add3A_140 = arith.addi %scan3A_115, %reduce_max3A_139 : i32
      %min3A = arith.constant 256 : i32
      %min3A_141 = arith.minsi %add3A_140, %min3A : i32
      scf.yield %min3A_141 : i32
    }
    %scan3A_56 = arith.constant 625 : i32
    %add3A_57 = arith.constant 16 : i32
    %add3A_58 = arith.addi %scan3A_55, %add3A_57 : i32
    %sub3A_59 = arith.constant 1 : i32
    %sub3A_60 = arith.subi %add3A_58, %sub3A_59 : i32
    %jit3A_61 = arith.constant 16 : i32
    %div3A_62 = arith.divsi %sub3A_60, %jit3A_61 : i32
    %sign3A_63 = arith.constant 0 : i32
    %sign3A_64 = arith.cmpi sgt, %sub3A_60, %sign3A_63 : i32
    %sign3A_65 = arith.extui %sign3A_64 : i1 to i32
    %sign3A_66 = arith.constant 0 : i32
    %sign3A_67 = arith.cmpi slt, %sub3A_60, %sign3A_66 : i32
    %sign3A_68 = arith.extui %sign3A_67 : i1 to i32
    %sign3A_69 = arith.subi %sign3A_65, %sign3A_68 : i32
    %sign3A_70 = arith.constant 0 : i32
    %sign3A_71 = arith.cmpi sgt, %jit3A_61, %sign3A_70 : i32
    %sign3A_72 = arith.extui %sign3A_71 : i1 to i32
    %sign3A_73 = arith.constant 0 : i32
    %sign3A_74 = arith.cmpi slt, %jit3A_61, %sign3A_73 : i32
    %sign3A_75 = arith.extui %sign3A_74 : i1 to i32
    %sign3A_76 = arith.subi %sign3A_72, %sign3A_75 : i32
    %ne3A_77 = arith.cmpi ne, %sign3A_69, %sign3A_76 : i32
    %rem3A_78 = arith.remsi %sub3A_60, %jit3A_61 : i32
    %ne3A_79 = arith.constant 0 : i32
    %ne3A_80 = arith.cmpi ne, %rem3A_78, %ne3A_79 : i32
    %and3A_81 = arith.andi %ne3A_77, %ne3A_80 : i1
    %sub3A_82 = arith.constant 1 : i32
    %sub3A_83 = arith.subi %div3A_62, %sub3A_82 : i32
    %select_n3A_84 = arith.select %and3A_81, %sub3A_83, %div3A_62 : i32
    %while3A = arith.constant 0 : i32
    %while3A_85 = arith.constant 0 : i32
    %while3A_86 = arith.subi %select_n3A_84, %while3A : i32
    %while3A_87 = arith.addi %while3A, %while3A_86 : i32
    %while3A_88 = arith.constant 1 : i32
    %while3A_89 = arith.divsi %while3A_86, %while3A_88 : i32
    %while3A_90 = arith.muli %while3A_89, %while3A_88 : i32
    %while3A_91 = arith.addi %while3A, %while3A_90 : i32
    %while3A_92 = arith.constant 1 : i32
    %while3A_93 = scf.for %while3A_114 = %while3A to %while3A_91 step %while3A_92 iter_args(%while3A_115 = %while3A_85) -> (i32)  : i32 {
      %mul3A_116 = arith.constant 16 : i32
      %mul3A_117 = arith.muli %while3A_114, %mul3A_116 : i32
      %sub3A_118 = arith.subi %scan3A_55, %mul3A_117 : i32
      %min3A = arith.constant 16 : i32
      %min3A_119 = arith.minsi %sub3A_118, %min3A : i32
      %while3A_120 = arith.constant 0 : i32
      %while3A_121 = arith.constant 0 : i32
      %while3A_122 = arith.subi %min3A_119, %while3A_120 : i32
      %while3A_123 = arith.addi %while3A_120, %while3A_122 : i32
      %while3A_124 = arith.constant 1 : i32
      %while3A_125 = arith.divsi %while3A_122, %while3A_124 : i32
      %while3A_126 = arith.muli %while3A_125, %while3A_124 : i32
      %while3A_127 = arith.addi %while3A_120, %while3A_126 : i32
      %while3A_128 = arith.constant 1 : i32
      %while3A_129 = scf.for %while3A_155 = %while3A_120 to %while3A_127 step %while3A_128 iter_args(%while3A_156 = %while3A_121) -> (i32)  : i32 {
        %add3A_157 = arith.addi %mul3A_117, %while3A_155 : i32
        %broadcast_in_dim3A = vector.broadcast %add3A_157 : i32 to vector<16xi32>
        %gather3A = tpu.vector_load_idx %arg11[%broadcast_in_dim3A] : memref<272xi32, #tpu.memory_space<vmem>>[vector<16xi32>], vector<16xi32>,
        %reduce_max3A = arith.constant true
        %reduce_max3A_158 = vector.broadcast %reduce_max3A : i1 to vector<16xi1>
        %reduce_max3A_159 = arith.constant -2147483648 : i32
        %reduce_max3A_160 = vector.broadcast %reduce_max3A_159 : i32 to vector<16xi32>
        %reduce_max3A_161 = arith.xori %gather3A, %reduce_max3A_160 : vector<16xi32>
        %reduce_max3A_162 = tpu.scan <max>, %reduce_max3A_161 masked %reduce_max3A_158 : vector<16xi32>, vector<16xi1> -> vector<16xi32>
        %reduce_max3A_163 = arith.xori %reduce_max3A_162, %reduce_max3A_160 : vector<16xi32>
        %reduce_max3A_164 = vector.extract %reduce_max3A_163[15] : i32 from vector<16xi32>
        %jit3A_165 = arith.constant 8 : i32
        %div3A_166 = arith.divsi %reduce_max3A_164, %jit3A_165 : i32
        %sign3A_167 = arith.constant 0 : i32
        %sign3A_168 = arith.cmpi sgt, %reduce_max3A_164, %sign3A_167 : i32
        %sign3A_169 = arith.extui %sign3A_168 : i1 to i32
        %sign3A_170 = arith.constant 0 : i32
        %sign3A_171 = arith.cmpi slt, %reduce_max3A_164, %sign3A_170 : i32
        %sign3A_172 = arith.extui %sign3A_171 : i1 to i32
        %sign3A_173 = arith.subi %sign3A_169, %sign3A_172 : i32
        %sign3A_174 = arith.constant 0 : i32
        %sign3A_175 = arith.cmpi sgt, %jit3A_165, %sign3A_174 : i32
        %sign3A_176 = arith.extui %sign3A_175 : i1 to i32
        %sign3A_177 = arith.constant 0 : i32
        %sign3A_178 = arith.cmpi slt, %jit3A_165, %sign3A_177 : i32
        %sign3A_179 = arith.extui %sign3A_178 : i1 to i32
        %sign3A_180 = arith.subi %sign3A_176, %sign3A_179 : i32
        %ne3A_181 = arith.cmpi ne, %sign3A_173, %sign3A_180 : i32
        %rem3A_182 = arith.remsi %reduce_max3A_164, %jit3A_165 : i32
        %ne3A_183 = arith.constant 0 : i32
        %ne3A_184 = arith.cmpi ne, %rem3A_182, %ne3A_183 : i32
        %and3A_185 = arith.andi %ne3A_181, %ne3A_184 : i1
        %sub3A_186 = arith.constant 1 : i32
        %sub3A_187 = arith.subi %div3A_166, %sub3A_186 : i32
        %select_n3A_188 = arith.select %and3A_185, %sub3A_187, %div3A_166 : i32
        %mul3A_189 = arith.constant 8 : i32
        %mul3A_190 = arith.muli %select_n3A_188, %mul3A_189 : i32
        %mul3A_191 = arith.constant 20000 : i32
        %mul3A_192 = arith.muli %select_n3A, %mul3A_191 : i32
        %add3A_193 = arith.addi %mul3A_192, %mul3A_190 : i32
        %multiple_of3A = tpu.assume_multiple %add3A_193, 8 : i32
        %dma_start3A_194 = arith.constant 0 : i32
        %dma_start3A_195 = arith.constant 0 : i32
        %dma_start3A_196 = tpu.memref_slice %arg12[%while3A_155, %dma_start3A_194, %dma_start3A_195] : memref<16x8x91xf32, #tpu.memory_space<vmem>> -> memref<1x8x91xf32, #tpu.memory_space<vmem>>
        %dma_start3A_197 = tpu.memref_squeeze %dma_start3A_196 : memref<1x8x91xf32, #tpu.memory_space<vmem>> -> memref<8x91xf32, #tpu.memory_space<vmem>>
        %dma_start3A_198 = arith.constant 0 : i32
        %dma_start3A_199 = tpu.memref_slice %arg2[%multiple_of3A, %dma_start3A_198] : memref<320000x91xf32, #tpu.memory_space<hbm>> -> memref<8x91xf32, #tpu.memory_space<hbm>>
        %dma_start3A_200 = arith.constant 0 : i32
        %dma_start3A_201 = arith.constant 0 : i32
        %dma_start3A_202 = tpu.memref_slice %arg12[%while3A_155, %dma_start3A_200, %dma_start3A_201] : memref<16x8x91xf32, #tpu.memory_space<vmem>> -> memref<1x8x91xf32, #tpu.memory_space<vmem>>
        %dma_start3A_203 = tpu.memref_squeeze %dma_start3A_202 : memref<1x8x91xf32, #tpu.memory_space<vmem>> -> memref<8x91xf32, #tpu.memory_space<vmem>>
        %dma_start3A_204 = arith.constant 0 : i32
        %dma_start3A_205 = tpu.memref_slice %arg2[%multiple_of3A, %dma_start3A_204] : memref<320000x91xf32, #tpu.memory_space<hbm>> -> memref<8x91xf32, #tpu.memory_space<hbm>>
        tpu.enqueue_dma source(%dma_start3A_205 : memref<8x91xf32, #tpu.memory_space<hbm>>) target(%dma_start3A_203 : memref<8x91xf32, #tpu.memory_space<vmem>>) target_semaphore(%arg18 : memref<!tpu.dma_semaphore, #tpu.memory_space<semaphore_mem>>)
        %while3A_206 = arith.constant 0 : i32
        scf.yield %while3A_206 : i32
      }
      %while3A_130 = arith.constant 1 : i32
      %while3A_131 = scf.for %while3A_155 = %while3A_127 to %while3A_123 step %while3A_130 iter_args(%while3A_156 = %while3A_129) -> (i32)  : i32 {
        %add3A_157 = arith.addi %mul3A_117, %while3A_155 : i32
        %broadcast_in_dim3A = vector.broadcast %add3A_157 : i32 to vector<16xi32>
        %gather3A = tpu.vector_load_idx %arg11[%broadcast_in_dim3A] : memref<272xi32, #tpu.memory_space<vmem>>[vector<16xi32>], vector<16xi32>,
        %reduce_max3A = arith.constant true
        %reduce_max3A_158 = vector.broadcast %reduce_max3A : i1 to vector<16xi1>
        %reduce_max3A_159 = arith.constant -2147483648 : i32
        %reduce_max3A_160 = vector.broadcast %reduce_max3A_159 : i32 to vector<16xi32>
        %reduce_max3A_161 = arith.xori %gather3A, %reduce_max3A_160 : vector<16xi32>
        %reduce_max3A_162 = tpu.scan <max>, %reduce_max3A_161 masked %reduce_max3A_158 : vector<16xi32>, vector<16xi1> -> vector<16xi32>
        %reduce_max3A_163 = arith.xori %reduce_max3A_162, %reduce_max3A_160 : vector<16xi32>
        %reduce_max3A_164 = vector.extract %reduce_max3A_163[15] : i32 from vector<16xi32>
        %jit3A_165 = arith.constant 8 : i32
        %div3A_166 = arith.divsi %reduce_max3A_164, %jit3A_165 : i32
        %sign3A_167 = arith.constant 0 : i32
        %sign3A_168 = arith.cmpi sgt, %reduce_max3A_164, %sign3A_167 : i32
        %sign3A_169 = arith.extui %sign3A_168 : i1 to i32
        %sign3A_170 = arith.constant 0 : i32
        %sign3A_171 = arith.cmpi slt, %reduce_max3A_164, %sign3A_170 : i32
        %sign3A_172 = arith.extui %sign3A_171 : i1 to i32
        %sign3A_173 = arith.subi %sign3A_169, %sign3A_172 : i32
        %sign3A_174 = arith.constant 0 : i32
        %sign3A_175 = arith.cmpi sgt, %jit3A_165, %sign3A_174 : i32
        %sign3A_176 = arith.extui %sign3A_175 : i1 to i32
        %sign3A_177 = arith.constant 0 : i32
        %sign3A_178 = arith.cmpi slt, %jit3A_165, %sign3A_177 : i32
        %sign3A_179 = arith.extui %sign3A_178 : i1 to i32
        %sign3A_180 = arith.subi %sign3A_176, %sign3A_179 : i32
        %ne3A_181 = arith.cmpi ne, %sign3A_173, %sign3A_180 : i32
        %rem3A_182 = arith.remsi %reduce_max3A_164, %jit3A_165 : i32
        %ne3A_183 = arith.constant 0 : i32
        %ne3A_184 = arith.cmpi ne, %rem3A_182, %ne3A_183 : i32
        %and3A_185 = arith.andi %ne3A_181, %ne3A_184 : i1
        %sub3A_186 = arith.constant 1 : i32
        %sub3A_187 = arith.subi %div3A_166, %sub3A_186 : i32
        %select_n3A_188 = arith.select %and3A_185, %sub3A_187, %div3A_166 : i32
        %mul3A_189 = arith.constant 8 : i32
        %mul3A_190 = arith.muli %select_n3A_188, %mul3A_189 : i32
        %mul3A_191 = arith.constant 20000 : i32
        %mul3A_192 = arith.muli %select_n3A, %mul3A_191 : i32
        %add3A_193 = arith.addi %mul3A_192, %mul3A_190 : i32
        %multiple_of3A = tpu.assume_multiple %add3A_193, 8 : i32
        %dma_start3A_194 = arith.constant 0 : i32
        %dma_start3A_195 = arith.constant 0 : i32
        %dma_start3A_196 = tpu.memref_slice %arg12[%while3A_155, %dma_start3A_194, %dma_start3A_195] : memref<16x8x91xf32, #tpu.memory_space<vmem>> -> memref<1x8x91xf32, #tpu.memory_space<vmem>>
        %dma_start3A_197 = tpu.memref_squeeze %dma_start3A_196 : memref<1x8x91xf32, #tpu.memory_space<vmem>> -> memref<8x91xf32, #tpu.memory_space<vmem>>
        %dma_start3A_198 = arith.constant 0 : i32
        %dma_start3A_199 = tpu.memref_slice %arg2[%multiple_of3A, %dma_start3A_198] : memref<320000x91xf32, #tpu.memory_space<hbm>> -> memref<8x91xf32, #tpu.memory_space<hbm>>
        %dma_start3A_200 = arith.constant 0 : i32
        %dma_start3A_201 = arith.constant 0 : i32
        %dma_start3A_202 = tpu.memref_slice %arg12[%while3A_155, %dma_start3A_200, %dma_start3A_201] : memref<16x8x91xf32, #tpu.memory_space<vmem>> -> memref<1x8x91xf32, #tpu.memory_space<vmem>>
        %dma_start3A_203 = tpu.memref_squeeze %dma_start3A_202 : memref<1x8x91xf32, #tpu.memory_space<vmem>> -> memref<8x91xf32, #tpu.memory_space<vmem>>
        %dma_start3A_204 = arith.constant 0 : i32
        %dma_start3A_205 = tpu.memref_slice %arg2[%multiple_of3A, %dma_start3A_204] : memref<320000x91xf32, #tpu.memory_space<hbm>> -> memref<8x91xf32, #tpu.memory_space<hbm>>
        tpu.enqueue_dma source(%dma_start3A_205 : memref<8x91xf32, #tpu.memory_space<hbm>>) target(%dma_start3A_203 : memref<8x91xf32, #tpu.memory_space<vmem>>) target_semaphore(%arg18 : memref<!tpu.dma_semaphore, #tpu.memory_space<semaphore_mem>>)
        %while3A_206 = arith.constant 0 : i32
        scf.yield %while3A_206 : i32
      }
      %while3A_132 = arith.constant 0 : i32
      %while3A_133 = arith.constant 0 : i32
      %while3A_134 = arith.subi %min3A_119, %while3A_132 : i32
      %while3A_135 = arith.addi %while3A_132, %while3A_134 : i32
      %while3A_136 = arith.constant 1 : i32
      %while3A_137 = arith.divsi %while3A_134, %while3A_136 : i32
      %while3A_138 = arith.muli %while3A_137, %while3A_136 : i32
      %while3A_139 = arith.addi %while3A_132, %while3A_138 : i32
      %while3A_140 = arith.constant 1 : i32
      %while3A_141 = scf.for %while3A_155 = %while3A_132 to %while3A_139 step %while3A_140 iter_args(%while3A_156 = %while3A_133) -> (i32)  : i32 {
        %dma_wait3A_157 = arith.constant 0 : i32
        %dma_wait3A_158 = arith.constant 0 : i32
        %dma_wait3A_159 = arith.constant 0 : i32
        %dma_wait3A_160 = tpu.memref_slice %arg12[%dma_wait3A_157, %dma_wait3A_158, %dma_wait3A_159] : memref<16x8x91xf32, #tpu.memory_space<vmem>> -> memref<1x8x91xf32, #tpu.memory_space<vmem>>
        %dma_wait3A_161 = tpu.memref_squeeze %dma_wait3A_160 : memref<1x8x91xf32, #tpu.memory_space<vmem>> -> memref<8x91xf32, #tpu.memory_space<vmem>>
        %dma_wait3A_162 = arith.constant 0 : i32
        %dma_wait3A_163 = arith.constant 0 : i32
        %dma_wait3A_164 = tpu.memref_slice %arg2[%dma_wait3A_162, %dma_wait3A_163] : memref<320000x91xf32, #tpu.memory_space<hbm>> -> memref<8x91xf32, #tpu.memory_space<hbm>>
        %dma_wait3A_165 = arith.constant 0 : i32
        %dma_wait3A_166 = arith.constant 0 : i32
        %dma_wait3A_167 = tpu.memref_slice %arg12[%dma_wait3A_157, %dma_wait3A_165, %dma_wait3A_166] : memref<16x8x91xf32, #tpu.memory_space<vmem>> -> memref<1x8x91xf32, #tpu.memory_space<vmem>>
        %dma_wait3A_168 = tpu.memref_squeeze %dma_wait3A_167 : memref<1x8x91xf32, #tpu.memory_space<vmem>> -> memref<8x91xf32, #tpu.memory_space<vmem>>
        %dma_wait3A_169 = arith.constant 0 : i32
        %dma_wait3A_170 = arith.constant 0 : i32
        %dma_wait3A_171 = tpu.memref_slice %arg2[%dma_wait3A_169, %dma_wait3A_170] : memref<320000x91xf32, #tpu.memory_space<hbm>> -> memref<8x91xf32, #tpu.memory_space<hbm>>
        tpu.wait_dma2 semaphore(%arg18 : memref<!tpu.dma_semaphore, #tpu.memory_space<semaphore_mem>>) src(%dma_wait3A_171 : memref<8x91xf32, #tpu.memory_space<hbm>>) dst(%dma_wait3A_168 : memref<8x91xf32, #tpu.memory_space<vmem>>)
        %while3A_172 = arith.constant 0 : i32
        scf.yield %while3A_172 : i32
      }
      %while3A_142 = arith.constant 1 : i32
      %while3A_143 = scf.for %while3A_155 = %while3A_139 to %while3A_135 step %while3A_142 iter_args(%while3A_156 = %while3A_141) -> (i32)  : i32 {
        %dma_wait3A_157 = arith.constant 0 : i32
        %dma_wait3A_158 = arith.constant 0 : i32
        %dma_wait3A_159 = arith.constant 0 : i32
        %dma_wait3A_160 = tpu.memref_slice %arg12[%dma_wait3A_157, %dma_wait3A_158, %dma_wait3A_159] : memref<16x8x91xf32, #tpu.memory_space<vmem>> -> memref<1x8x91xf32, #tpu.memory_space<vmem>>
        %dma_wait3A_161 = tpu.memref_squeeze %dma_wait3A_160 : memref<1x8x91xf32, #tpu.memory_space<vmem>> -> memref<8x91xf32, #tpu.memory_space<vmem>>
        %dma_wait3A_162 = arith.constant 0 : i32
        %dma_wait3A_163 = arith.constant 0 : i32
        %dma_wait3A_164 = tpu.memref_slice %arg2[%dma_wait3A_162, %dma_wait3A_163] : memref<320000x91xf32, #tpu.memory_space<hbm>> -> memref<8x91xf32, #tpu.memory_space<hbm>>
        %dma_wait3A_165 = arith.constant 0 : i32
        %dma_wait3A_166 = arith.constant 0 : i32
        %dma_wait3A_167 = tpu.memref_slice %arg12[%dma_wait3A_157, %dma_wait3A_165, %dma_wait3A_166] : memref<16x8x91xf32, #tpu.memory_space<vmem>> -> memref<1x8x91xf32, #tpu.memory_space<vmem>>
        %dma_wait3A_168 = tpu.memref_squeeze %dma_wait3A_167 : memref<1x8x91xf32, #tpu.memory_space<vmem>> -> memref<8x91xf32, #tpu.memory_space<vmem>>
        %dma_wait3A_169 = arith.constant 0 : i32
        %dma_wait3A_170 = arith.constant 0 : i32
        %dma_wait3A_171 = tpu.memref_slice %arg2[%dma_wait3A_169, %dma_wait3A_170] : memref<320000x91xf32, #tpu.memory_space<hbm>> -> memref<8x91xf32, #tpu.memory_space<hbm>>
        tpu.wait_dma2 semaphore(%arg18 : memref<!tpu.dma_semaphore, #tpu.memory_space<semaphore_mem>>) src(%dma_wait3A_171 : memref<8x91xf32, #tpu.memory_space<hbm>>) dst(%dma_wait3A_168 : memref<8x91xf32, #tpu.memory_space<vmem>>)
        %while3A_172 = arith.constant 0 : i32
        scf.yield %while3A_172 : i32
      }
      %while3A_144 = arith.constant 0 : i32
      %while3A_145 = arith.subi %min3A_119, %while3A_144 : i32
      %while3A_146 = arith.addi %while3A_144, %while3A_145 : i32
      %while3A_147 = arith.constant 1 : i32
      %while3A_148 = arith.divsi %while3A_145, %while3A_147 : i32
      %while3A_149 = arith.muli %while3A_148, %while3A_147 : i32
      %while3A_150 = arith.addi %while3A_144, %while3A_149 : i32
      %while3A_151 = arith.constant 1 : i32
      %while3A_152 = scf.for %while3A_155 = %while3A_144 to %while3A_150 step %while3A_151 iter_args(%while3A_156 = %while3A_115) -> (i32)  : i32 {
        %add3A_157 = arith.addi %mul3A_117, %while3A_155 : i32
        %broadcast_in_dim3A = vector.broadcast %add3A_157 : i32 to vector<16xi32>
        %gather3A = tpu.vector_load_idx %arg11[%broadcast_in_dim3A] : memref<272xi32, #tpu.memory_space<vmem>>[vector<16xi32>], vector<16xi32>,
        %reduce_max3A = arith.constant true
        %reduce_max3A_158 = vector.broadcast %reduce_max3A : i1 to vector<16xi1>
        %reduce_max3A_159 = arith.constant -2147483648 : i32
        %reduce_max3A_160 = vector.broadcast %reduce_max3A_159 : i32 to vector<16xi32>
        %reduce_max3A_161 = arith.xori %gather3A, %reduce_max3A_160 : vector<16xi32>
        %reduce_max3A_162 = tpu.scan <max>, %reduce_max3A_161 masked %reduce_max3A_158 : vector<16xi32>, vector<16xi1> -> vector<16xi32>
        %reduce_max3A_163 = arith.xori %reduce_max3A_162, %reduce_max3A_160 : vector<16xi32>
        %reduce_max3A_164 = vector.extract %reduce_max3A_163[15] : i32 from vector<16xi32>
        %jit3A_165 = arith.constant 8 : i32
        %eq3A_166 = arith.constant 0 : i32
        %eq3A_167 = arith.cmpi eq, %jit3A_165, %eq3A_166 : i32
        %jit3A_168 = arith.constant 1 : i32
        %select_n3A_169 = arith.select %eq3A_167, %jit3A_168, %jit3A_165 : i32
        %rem3A_170 = arith.remsi %reduce_max3A_164, %select_n3A_169 : i32
        %ne3A_171 = arith.constant 0 : i32
        %ne3A_172 = arith.cmpi ne, %rem3A_170, %ne3A_171 : i32
        %lt3A_173 = arith.constant 0 : i32
        %lt3A_174 = arith.cmpi slt, %rem3A_170, %lt3A_173 : i32
        %lt3A_175 = arith.constant 0 : i32
        %lt3A_176 = arith.cmpi slt, %select_n3A_169, %lt3A_175 : i32
        %ne3A_177 = arith.xori %lt3A_174, %lt3A_176 : i1
        %and3A_178 = arith.andi %ne3A_177, %ne3A_172 : i1
        %add3A_179 = arith.addi %rem3A_170, %select_n3A_169 : i32
        %select_n3A_180 = arith.select %and3A_178, %add3A_179, %rem3A_170 : i32
        %get3A_181 = arith.index_cast %while3A_155 : i32 to index
        %get3A_182 = arith.index_cast %select_n3A_180 : i32 to index
        %get3A_183 = arith.constant 0 : index
        %get3A_184 = tpu.vector_load %arg12[%get3A_181, %get3A_182, %get3A_183] {strides = array<i32>} : memref<16x8x91xf32, #tpu.memory_space<vmem>>, vector<16xf32>,
        %ge3A = arith.cmpf oge, %get3A_184, %get3A_38 : vector<16xf32>
        %convert_element_type3A = arith.extui %ge3A : vector<16xi1> to vector<16xi32>
        %broadcast_in_dim3A_185 = arith.constant true
        %broadcast_in_dim3A_186 = vector.broadcast %broadcast_in_dim3A_185 : i1 to vector<16xi1>
        %masked_cumsum3A = tpu.scan <sum>, %convert_element_type3A masked %broadcast_in_dim3A_186 : vector<16xi32>, vector<16xi1> -> vector<16xi32>
        %add3A_187 = vector.broadcast %while3A_156 : i32 to vector<16xi32>
        %add3A_188 = arith.addi %add3A_187, %masked_cumsum3A : vector<16xi32>
        %sub3A_189 = arith.constant 1 : i32
        %sub3A_190 = vector.broadcast %sub3A_189 : i32 to vector<16xi32>
        %sub3A_191 = arith.subi %add3A_188, %sub3A_190 : vector<16xi32>
        tpu.vector_store_idx %arg13[%sub3A_191], %get3A_184 masked %ge3A : memref<272xf32, #tpu.memory_space<vmem>>[vector<16xi32>], vector<16xf32>, vector<16xi1>
        %mul3A_192 = arith.constant 91 : i32
        %mul3A_193 = vector.broadcast %mul3A_192 : i32 to vector<16xi32>
        %mul3A_194 = arith.muli %gather3A, %mul3A_193 : vector<16xi32>
        %add3A_195 = arith.constant 0 : i32
        %add3A_196 = vector.broadcast %add3A_195 : i32 to vector<16xi32>
        %add3A_197 = arith.addi %iota3A, %add3A_196 : vector<16xi32>
        %add3A_198 = arith.addi %mul3A_194, %add3A_197 : vector<16xi32>
        tpu.vector_store_idx %arg14[%sub3A_191], %add3A_198 masked %ge3A : memref<272xi32, #tpu.memory_space<vmem>>[vector<16xi32>], vector<16xi32>, vector<16xi1>
        %reduce_max3A_199 = arith.constant true
        %reduce_max3A_200 = vector.broadcast %reduce_max3A_199 : i1 to vector<16xi1>
        %reduce_max3A_201 = arith.constant -2147483648 : i32
        %reduce_max3A_202 = vector.broadcast %reduce_max3A_201 : i32 to vector<16xi32>
        %reduce_max3A_203 = arith.xori %masked_cumsum3A, %reduce_max3A_202 : vector<16xi32>
        %reduce_max3A_204 = tpu.scan <max>, %reduce_max3A_203 masked %reduce_max3A_200 : vector<16xi32>, vector<16xi1> -> vector<16xi32>
        %reduce_max3A_205 = arith.xori %reduce_max3A_204, %reduce_max3A_202 : vector<16xi32>
        %reduce_max3A_206 = vector.extract %reduce_max3A_205[15] : i32 from vector<16xi32>
        %add3A_207 = arith.addi %while3A_156, %reduce_max3A_206 : i32
        %min3A_208 = arith.constant 256 : i32
        %min3A_209 = arith.minsi %add3A_207, %min3A_208 : i32
        %get3A_210 = arith.index_cast %while3A_155 : i32 to index
        %get3A_211 = arith.index_cast %select_n3A_180 : i32 to index
        %get3A_212 = arith.constant 16 : index
        %get3A_213 = tpu.vector_load %arg12[%get3A_210, %get3A_211, %get3A_212] {strides = array<i32>} : memref<16x8x91xf32, #tpu.memory_space<vmem>>, vector<16xf32>,
        %ge3A_214 = arith.cmpf oge, %get3A_213, %get3A_38 : vector<16xf32>
        %convert_element_type3A_215 = arith.extui %ge3A_214 : vector<16xi1> to vector<16xi32>
        %broadcast_in_dim3A_216 = arith.constant true
        %broadcast_in_dim3A_217 = vector.broadcast %broadcast_in_dim3A_216 : i1 to vector<16xi1>
        %masked_cumsum3A_218 = tpu.scan <sum>, %convert_element_type3A_215 masked %broadcast_in_dim3A_217 : vector<16xi32>, vector<16xi1> -> vector<16xi32>
        %add3A_219 = vector.broadcast %min3A_209 : i32 to vector<16xi32>
        %add3A_220 = arith.addi %add3A_219, %masked_cumsum3A_218 : vector<16xi32>
        %sub3A_221 = arith.constant 1 : i32
        %sub3A_222 = vector.broadcast %sub3A_221 : i32 to vector<16xi32>
        %sub3A_223 = arith.subi %add3A_220, %sub3A_222 : vector<16xi32>
        tpu.vector_store_idx %arg13[%sub3A_223], %get3A_213 masked %ge3A_214 : memref<272xf32, #tpu.memory_space<vmem>>[vector<16xi32>], vector<16xf32>, vector<16xi1>
        %mul3A_224 = arith.constant 91 : i32
        %mul3A_225 = vector.broadcast %mul3A_224 : i32 to vector<16xi32>
        %mul3A_226 = arith.muli %gather3A, %mul3A_225 : vector<16xi32>
        %add3A_227 = arith.constant 16 : i32
        %add3A_228 = vector.broadcast %add3A_227 : i32 to vector<16xi32>
        %add3A_229 = arith.addi %iota3A, %add3A_228 : vector<16xi32>
        %add3A_230 = arith.addi %mul3A_226, %add3A_229 : vector<16xi32>
        tpu.vector_store_idx %arg14[%sub3A_223], %add3A_230 masked %ge3A_214 : memref<272xi32, #tpu.memory_space<vmem>>[vector<16xi32>], vector<16xi32>, vector<16xi1>
        %reduce_max3A_231 = arith.constant true
        %reduce_max3A_232 = vector.broadcast %reduce_max3A_231 : i1 to vector<16xi1>
        %reduce_max3A_233 = arith.constant -2147483648 : i32
        %reduce_max3A_234 = vector.broadcast %reduce_max3A_233 : i32 to vector<16xi32>
        %reduce_max3A_235 = arith.xori %masked_cumsum3A_218, %reduce_max3A_234 : vector<16xi32>
        %reduce_max3A_236 = tpu.scan <max>, %reduce_max3A_235 masked %reduce_max3A_232 : vector<16xi32>, vector<16xi1> -> vector<16xi32>
        %reduce_max3A_237 = arith.xori %reduce_max3A_236, %reduce_max3A_234 : vector<16xi32>
        %reduce_max3A_238 = vector.extract %reduce_max3A_237[15] : i32 from vector<16xi32>
        %add3A_239 = arith.addi %min3A_209, %reduce_max3A_238 : i32
        %min3A_240 = arith.constant 256 : i32
        %min3A_241 = arith.minsi %add3A_239, %min3A_240 : i32
        %get3A_242 = arith.index_cast %while3A_155 : i32 to index
        %get3A_243 = arith.index_cast %select_n3A_180 : i32 to index
        %get3A_244 = arith.constant 32 : index
        %get3A_245 = tpu.vector_load %arg12[%get3A_242, %get3A_243, %get3A_244] {strides = array<i32>} : memref<16x8x91xf32, #tpu.memory_space<vmem>>, vector<16xf32>,
        %ge3A_246 = arith.cmpf oge, %get3A_245, %get3A_38 : vector<16xf32>
        %convert_element_type3A_247 = arith.extui %ge3A_246 : vector<16xi1> to vector<16xi32>
        %broadcast_in_dim3A_248 = arith.constant true
        %broadcast_in_dim3A_249 = vector.broadcast %broadcast_in_dim3A_248 : i1 to vector<16xi1>
        %masked_cumsum3A_250 = tpu.scan <sum>, %convert_element_type3A_247 masked %broadcast_in_dim3A_249 : vector<16xi32>, vector<16xi1> -> vector<16xi32>
        %add3A_251 = vector.broadcast %min3A_241 : i32 to vector<16xi32>
        %add3A_252 = arith.addi %add3A_251, %masked_cumsum3A_250 : vector<16xi32>
        %sub3A_253 = arith.constant 1 : i32
        %sub3A_254 = vector.broadcast %sub3A_253 : i32 to vector<16xi32>
        %sub3A_255 = arith.subi %add3A_252, %sub3A_254 : vector<16xi32>
        tpu.vector_store_idx %arg13[%sub3A_255], %get3A_245 masked %ge3A_246 : memref<272xf32, #tpu.memory_space<vmem>>[vector<16xi32>], vector<16xf32>, vector<16xi1>
        %mul3A_256 = arith.constant 91 : i32
        %mul3A_257 = vector.broadcast %mul3A_256 : i32 to vector<16xi32>
        %mul3A_258 = arith.muli %gather3A, %mul3A_257 : vector<16xi32>
        %add3A_259 = arith.constant 32 : i32
        %add3A_260 = vector.broadcast %add3A_259 : i32 to vector<16xi32>
        %add3A_261 = arith.addi %iota3A, %add3A_260 : vector<16xi32>
        %add3A_262 = arith.addi %mul3A_258, %add3A_261 : vector<16xi32>
        tpu.vector_store_idx %arg14[%sub3A_255], %add3A_262 masked %ge3A_246 : memref<272xi32, #tpu.memory_space<vmem>>[vector<16xi32>], vector<16xi32>, vector<16xi1>
        %reduce_max3A_263 = arith.constant true
        %reduce_max3A_264 = vector.broadcast %reduce_max3A_263 : i1 to vector<16xi1>
        %reduce_max3A_265 = arith.constant -2147483648 : i32
        %reduce_max3A_266 = vector.broadcast %reduce_max3A_265 : i32 to vector<16xi32>
        %reduce_max3A_267 = arith.xori %masked_cumsum3A_250, %reduce_max3A_266 : vector<16xi32>
        %reduce_max3A_268 = tpu.scan <max>, %reduce_max3A_267 masked %reduce_max3A_264 : vector<16xi32>, vector<16xi1> -> vector<16xi32>
        %reduce_max3A_269 = arith.xori %reduce_max3A_268, %reduce_max3A_266 : vector<16xi32>
        %reduce_max3A_270 = vector.extract %reduce_max3A_269[15] : i32 from vector<16xi32>
        %add3A_271 = arith.addi %min3A_241, %reduce_max3A_270 : i32
        %min3A_272 = arith.constant 256 : i32
        %min3A_273 = arith.minsi %add3A_271, %min3A_272 : i32
        %get3A_274 = arith.index_cast %while3A_155 : i32 to index
        %get3A_275 = arith.index_cast %select_n3A_180 : i32 to index
        %get3A_276 = arith.constant 48 : index
        %get3A_277 = tpu.vector_load %arg12[%get3A_274, %get3A_275, %get3A_276] {strides = array<i32>} : memref<16x8x91xf32, #tpu.memory_space<vmem>>, vector<16xf32>,
        %ge3A_278 = arith.cmpf oge, %get3A_277, %get3A_38 : vector<16xf32>
        %convert_element_type3A_279 = arith.extui %ge3A_278 : vector<16xi1> to vector<16xi32>
        %broadcast_in_dim3A_280 = arith.constant true
        %broadcast_in_dim3A_281 = vector.broadcast %broadcast_in_dim3A_280 : i1 to vector<16xi1>
        %masked_cumsum3A_282 = tpu.scan <sum>, %convert_element_type3A_279 masked %broadcast_in_dim3A_281 : vector<16xi32>, vector<16xi1> -> vector<16xi32>
        %add3A_283 = vector.broadcast %min3A_273 : i32 to vector<16xi32>
        %add3A_284 = arith.addi %add3A_283, %masked_cumsum3A_282 : vector<16xi32>
        %sub3A_285 = arith.constant 1 : i32
        %sub3A_286 = vector.broadcast %sub3A_285 : i32 to vector<16xi32>
        %sub3A_287 = arith.subi %add3A_284, %sub3A_286 : vector<16xi32>
        tpu.vector_store_idx %arg13[%sub3A_287], %get3A_277 masked %ge3A_278 : memref<272xf32, #tpu.memory_space<vmem>>[vector<16xi32>], vector<16xf32>, vector<16xi1>
        %mul3A_288 = arith.constant 91 : i32
        %mul3A_289 = vector.broadcast %mul3A_288 : i32 to vector<16xi32>
        %mul3A_290 = arith.muli %gather3A, %mul3A_289 : vector<16xi32>
        %add3A_291 = arith.constant 48 : i32
        %add3A_292 = vector.broadcast %add3A_291 : i32 to vector<16xi32>
        %add3A_293 = arith.addi %iota3A, %add3A_292 : vector<16xi32>
        %add3A_294 = arith.addi %mul3A_290, %add3A_293 : vector<16xi32>
        tpu.vector_store_idx %arg14[%sub3A_287], %add3A_294 masked %ge3A_278 : memref<272xi32, #tpu.memory_space<vmem>>[vector<16xi32>], vector<16xi32>, vector<16xi1>
        %reduce_max3A_295 = arith.constant true
        %reduce_max3A_296 = vector.broadcast %reduce_max3A_295 : i1 to vector<16xi1>
        %reduce_max3A_297 = arith.constant -2147483648 : i32
        %reduce_max3A_298 = vector.broadcast %reduce_max3A_297 : i32 to vector<16xi32>
        %reduce_max3A_299 = arith.xori %masked_cumsum3A_282, %reduce_max3A_298 : vector<16xi32>
        %reduce_max3A_300 = tpu.scan <max>, %reduce_max3A_299 masked %reduce_max3A_296 : vector<16xi32>, vector<16xi1> -> vector<16xi32>
        %reduce_max3A_301 = arith.xori %reduce_max3A_300, %reduce_max3A_298 : vector<16xi32>
        %reduce_max3A_302 = vector.extract %reduce_max3A_301[15] : i32 from vector<16xi32>
        %add3A_303 = arith.addi %min3A_273, %reduce_max3A_302 : i32
        %min3A_304 = arith.constant 256 : i32
        %min3A_305 = arith.minsi %add3A_303, %min3A_304 : i32
        %get3A_306 = arith.index_cast %while3A_155 : i32 to index
        %get3A_307 = arith.index_cast %select_n3A_180 : i32 to index
        %get3A_308 = arith.constant 64 : index
        %get3A_309 = tpu.vector_load %arg12[%get3A_306, %get3A_307, %get3A_308] {strides = array<i32>} : memref<16x8x91xf32, #tpu.memory_space<vmem>>, vector<16xf32>,
        %ge3A_310 = arith.cmpf oge, %get3A_309, %get3A_38 : vector<16xf32>
        %convert_element_type3A_311 = arith.extui %ge3A_310 : vector<16xi1> to vector<16xi32>
        %broadcast_in_dim3A_312 = arith.constant true
        %broadcast_in_dim3A_313 = vector.broadcast %broadcast_in_dim3A_312 : i1 to vector<16xi1>
        %masked_cumsum3A_314 = tpu.scan <sum>, %convert_element_type3A_311 masked %broadcast_in_dim3A_313 : vector<16xi32>, vector<16xi1> -> vector<16xi32>
        %add3A_315 = vector.broadcast %min3A_305 : i32 to vector<16xi32>
        %add3A_316 = arith.addi %add3A_315, %masked_cumsum3A_314 : vector<16xi32>
        %sub3A_317 = arith.constant 1 : i32
        %sub3A_318 = vector.broadcast %sub3A_317 : i32 to vector<16xi32>
        %sub3A_319 = arith.subi %add3A_316, %sub3A_318 : vector<16xi32>
        tpu.vector_store_idx %arg13[%sub3A_319], %get3A_309 masked %ge3A_310 : memref<272xf32, #tpu.memory_space<vmem>>[vector<16xi32>], vector<16xf32>, vector<16xi1>
        %mul3A_320 = arith.constant 91 : i32
        %mul3A_321 = vector.broadcast %mul3A_320 : i32 to vector<16xi32>
        %mul3A_322 = arith.muli %gather3A, %mul3A_321 : vector<16xi32>
        %add3A_323 = arith.constant 64 : i32
        %add3A_324 = vector.broadcast %add3A_323 : i32 to vector<16xi32>
        %add3A_325 = arith.addi %iota3A, %add3A_324 : vector<16xi32>
        %add3A_326 = arith.addi %mul3A_322, %add3A_325 : vector<16xi32>
        tpu.vector_store_idx %arg14[%sub3A_319], %add3A_326 masked %ge3A_310 : memref<272xi32, #tpu.memory_space<vmem>>[vector<16xi32>], vector<16xi32>, vector<16xi1>
        %reduce_max3A_327 = arith.constant true
        %reduce_max3A_328 = vector.broadcast %reduce_max3A_327 : i1 to vector<16xi1>
        %reduce_max3A_329 = arith.constant -2147483648 : i32
        %reduce_max3A_330 = vector.broadcast %reduce_max3A_329 : i32 to vector<16xi32>
        %reduce_max3A_331 = arith.xori %masked_cumsum3A_314, %reduce_max3A_330 : vector<16xi32>
        %reduce_max3A_332 = tpu.scan <max>, %reduce_max3A_331 masked %reduce_max3A_328 : vector<16xi32>, vector<16xi1> -> vector<16xi32>
        %reduce_max3A_333 = arith.xori %reduce_max3A_332, %reduce_max3A_330 : vector<16xi32>
        %reduce_max3A_334 = vector.extract %reduce_max3A_333[15] : i32 from vector<16xi32>
        %add3A_335 = arith.addi %min3A_305, %reduce_max3A_334 : i32
        %min3A_336 = arith.constant 256 : i32
        %min3A_337 = arith.minsi %add3A_335, %min3A_336 : i32
        %get3A_338 = arith.index_cast %while3A_155 : i32 to index
        %get3A_339 = arith.index_cast %select_n3A_180 : i32 to index
        %get3A_340 = arith.constant 75 : index
        %get3A_341 = tpu.vector_load %arg12[%get3A_338, %get3A_339, %get3A_340] {strides = array<i32>} : memref<16x8x91xf32, #tpu.memory_space<vmem>>, vector<16xf32>,
        %ge3A_342 = arith.cmpf oge, %get3A_341, %get3A_38 : vector<16xf32>
        %ge3A_343 = arith.constant 5 : i32
        %ge3A_344 = vector.broadcast %ge3A_343 : i32 to vector<16xi32>
        %ge3A_345 = arith.cmpi sge, %iota3A, %ge3A_344 : vector<16xi32>
        %and3A_346 = arith.andi %ge3A_342, %ge3A_345 : vector<16xi1>
        %convert_element_type3A_347 = arith.extui %and3A_346 : vector<16xi1> to vector<16xi32>
        %broadcast_in_dim3A_348 = arith.constant true
        %broadcast_in_dim3A_349 = vector.broadcast %broadcast_in_dim3A_348 : i1 to vector<16xi1>
        %masked_cumsum3A_350 = tpu.scan <sum>, %convert_element_type3A_347 masked %broadcast_in_dim3A_349 : vector<16xi32>, vector<16xi1> -> vector<16xi32>
        %add3A_351 = vector.broadcast %min3A_337 : i32 to vector<16xi32>
        %add3A_352 = arith.addi %add3A_351, %masked_cumsum3A_350 : vector<16xi32>
        %sub3A_353 = arith.constant 1 : i32
        %sub3A_354 = vector.broadcast %sub3A_353 : i32 to vector<16xi32>
        %sub3A_355 = arith.subi %add3A_352, %sub3A_354 : vector<16xi32>
        tpu.vector_store_idx %arg13[%sub3A_355], %get3A_341 masked %and3A_346 : memref<272xf32, #tpu.memory_space<vmem>>[vector<16xi32>], vector<16xf32>, vector<16xi1>
        %mul3A_356 = arith.constant 91 : i32
        %mul3A_357 = vector.broadcast %mul3A_356 : i32 to vector<16xi32>
        %mul3A_358 = arith.muli %gather3A, %mul3A_357 : vector<16xi32>
        %add3A_359 = arith.constant 75 : i32
        %add3A_360 = vector.broadcast %add3A_359 : i32 to vector<16xi32>
        %add3A_361 = arith.addi %iota3A, %add3A_360 : vector<16xi32>
        %add3A_362 = arith.addi %mul3A_358, %add3A_361 : vector<16xi32>
        tpu.vector_store_idx %arg14[%sub3A_355], %add3A_362 masked %and3A_346 : memref<272xi32, #tpu.memory_space<vmem>>[vector<16xi32>], vector<16xi32>, vector<16xi1>
        %reduce_max3A_363 = arith.constant true
        %reduce_max3A_364 = vector.broadcast %reduce_max3A_363 : i1 to vector<16xi1>
        %reduce_max3A_365 = arith.constant -2147483648 : i32
        %reduce_max3A_366 = vector.broadcast %reduce_max3A_365 : i32 to vector<16xi32>
        %reduce_max3A_367 = arith.xori %masked_cumsum3A_350, %reduce_max3A_366 : vector<16xi32>
        %reduce_max3A_368 = tpu.scan <max>, %reduce_max3A_367 masked %reduce_max3A_364 : vector<16xi32>, vector<16xi1> -> vector<16xi32>
        %reduce_max3A_369 = arith.xori %reduce_max3A_368, %reduce_max3A_366 : vector<16xi32>
        %reduce_max3A_370 = vector.extract %reduce_max3A_369[15] : i32 from vector<16xi32>
        %add3A_371 = arith.addi %min3A_337, %reduce_max3A_370 : i32
        %min3A_372 = arith.constant 256 : i32
        %min3A_373 = arith.minsi %add3A_371, %min3A_372 : i32
        scf.yield %min3A_373 : i32
      }
      %while3A_153 = arith.constant 1 : i32
      %while3A_154 = scf.for %while3A_155 = %while3A_150 to %while3A_146 step %while3A_153 iter_args(%while3A_156 = %while3A_152) -> (i32)  : i32 {
        %add3A_157 = arith.addi %mul3A_117, %while3A_155 : i32
        %broadcast_in_dim3A = vector.broadcast %add3A_157 : i32 to vector<16xi32>
        %gather3A = tpu.vector_load_idx %arg11[%broadcast_in_dim3A] : memref<272xi32, #tpu.memory_space<vmem>>[vector<16xi32>], vector<16xi32>,
        %reduce_max3A = arith.constant true
        %reduce_max3A_158 = vector.broadcast %reduce_max3A : i1 to vector<16xi1>
        %reduce_max3A_159 = arith.constant -2147483648 : i32
        %reduce_max3A_160 = vector.broadcast %reduce_max3A_159 : i32 to vector<16xi32>
        %reduce_max3A_161 = arith.xori %gather3A, %reduce_max3A_160 : vector<16xi32>
        %reduce_max3A_162 = tpu.scan <max>, %reduce_max3A_161 masked %reduce_max3A_158 : vector<16xi32>, vector<16xi1> -> vector<16xi32>
        %reduce_max3A_163 = arith.xori %reduce_max3A_162, %reduce_max3A_160 : vector<16xi32>
        %reduce_max3A_164 = vector.extract %reduce_max3A_163[15] : i32 from vector<16xi32>
        %jit3A_165 = arith.constant 8 : i32
        %eq3A_166 = arith.constant 0 : i32
        %eq3A_167 = arith.cmpi eq, %jit3A_165, %eq3A_166 : i32
        %jit3A_168 = arith.constant 1 : i32
        %select_n3A_169 = arith.select %eq3A_167, %jit3A_168, %jit3A_165 : i32
        %rem3A_170 = arith.remsi %reduce_max3A_164, %select_n3A_169 : i32
        %ne3A_171 = arith.constant 0 : i32
        %ne3A_172 = arith.cmpi ne, %rem3A_170, %ne3A_171 : i32
        %lt3A_173 = arith.constant 0 : i32
        %lt3A_174 = arith.cmpi slt, %rem3A_170, %lt3A_173 : i32
        %lt3A_175 = arith.constant 0 : i32
        %lt3A_176 = arith.cmpi slt, %select_n3A_169, %lt3A_175 : i32
        %ne3A_177 = arith.xori %lt3A_174, %lt3A_176 : i1
        %and3A_178 = arith.andi %ne3A_177, %ne3A_172 : i1
        %add3A_179 = arith.addi %rem3A_170, %select_n3A_169 : i32
        %select_n3A_180 = arith.select %and3A_178, %add3A_179, %rem3A_170 : i32
        %get3A_181 = arith.index_cast %while3A_155 : i32 to index
        %get3A_182 = arith.index_cast %select_n3A_180 : i32 to index
        %get3A_183 = arith.constant 0 : index
        %get3A_184 = tpu.vector_load %arg12[%get3A_181, %get3A_182, %get3A_183] {strides = array<i32>} : memref<16x8x91xf32, #tpu.memory_space<vmem>>, vector<16xf32>,
        %ge3A = arith.cmpf oge, %get3A_184, %get3A_38 : vector<16xf32>
        %convert_element_type3A = arith.extui %ge3A : vector<16xi1> to vector<16xi32>
        %broadcast_in_dim3A_185 = arith.constant true
        %broadcast_in_dim3A_186 = vector.broadcast %broadcast_in_dim3A_185 : i1 to vector<16xi1>
        %masked_cumsum3A = tpu.scan <sum>, %convert_element_type3A masked %broadcast_in_dim3A_186 : vector<16xi32>, vector<16xi1> -> vector<16xi32>
        %add3A_187 = vector.broadcast %while3A_156 : i32 to vector<16xi32>
        %add3A_188 = arith.addi %add3A_187, %masked_cumsum3A : vector<16xi32>
        %sub3A_189 = arith.constant 1 : i32
        %sub3A_190 = vector.broadcast %sub3A_189 : i32 to vector<16xi32>
        %sub3A_191 = arith.subi %add3A_188, %sub3A_190 : vector<16xi32>
        tpu.vector_store_idx %arg13[%sub3A_191], %get3A_184 masked %ge3A : memref<272xf32, #tpu.memory_space<vmem>>[vector<16xi32>], vector<16xf32>, vector<16xi1>
        %mul3A_192 = arith.constant 91 : i32
        %mul3A_193 = vector.broadcast %mul3A_192 : i32 to vector<16xi32>
        %mul3A_194 = arith.muli %gather3A, %mul3A_193 : vector<16xi32>
        %add3A_195 = arith.constant 0 : i32
        %add3A_196 = vector.broadcast %add3A_195 : i32 to vector<16xi32>
        %add3A_197 = arith.addi %iota3A, %add3A_196 : vector<16xi32>
        %add3A_198 = arith.addi %mul3A_194, %add3A_197 : vector<16xi32>
        tpu.vector_store_idx %arg14[%sub3A_191], %add3A_198 masked %ge3A : memref<272xi32, #tpu.memory_space<vmem>>[vector<16xi32>], vector<16xi32>, vector<16xi1>
        %reduce_max3A_199 = arith.constant true
        %reduce_max3A_200 = vector.broadcast %reduce_max3A_199 : i1 to vector<16xi1>
        %reduce_max3A_201 = arith.constant -2147483648 : i32
        %reduce_max3A_202 = vector.broadcast %reduce_max3A_201 : i32 to vector<16xi32>
        %reduce_max3A_203 = arith.xori %masked_cumsum3A, %reduce_max3A_202 : vector<16xi32>
        %reduce_max3A_204 = tpu.scan <max>, %reduce_max3A_203 masked %reduce_max3A_200 : vector<16xi32>, vector<16xi1> -> vector<16xi32>
        %reduce_max3A_205 = arith.xori %reduce_max3A_204, %reduce_max3A_202 : vector<16xi32>
        %reduce_max3A_206 = vector.extract %reduce_max3A_205[15] : i32 from vector<16xi32>
        %add3A_207 = arith.addi %while3A_156, %reduce_max3A_206 : i32
        %min3A_208 = arith.constant 256 : i32
        %min3A_209 = arith.minsi %add3A_207, %min3A_208 : i32
        %get3A_210 = arith.index_cast %while3A_155 : i32 to index
        %get3A_211 = arith.index_cast %select_n3A_180 : i32 to index
        %get3A_212 = arith.constant 16 : index
        %get3A_213 = tpu.vector_load %arg12[%get3A_210, %get3A_211, %get3A_212] {strides = array<i32>} : memref<16x8x91xf32, #tpu.memory_space<vmem>>, vector<16xf32>,
        %ge3A_214 = arith.cmpf oge, %get3A_213, %get3A_38 : vector<16xf32>
        %convert_element_type3A_215 = arith.extui %ge3A_214 : vector<16xi1> to vector<16xi32>
        %broadcast_in_dim3A_216 = arith.constant true
        %broadcast_in_dim3A_217 = vector.broadcast %broadcast_in_dim3A_216 : i1 to vector<16xi1>
        %masked_cumsum3A_218 = tpu.scan <sum>, %convert_element_type3A_215 masked %broadcast_in_dim3A_217 : vector<16xi32>, vector<16xi1> -> vector<16xi32>
        %add3A_219 = vector.broadcast %min3A_209 : i32 to vector<16xi32>
        %add3A_220 = arith.addi %add3A_219, %masked_cumsum3A_218 : vector<16xi32>
        %sub3A_221 = arith.constant 1 : i32
        %sub3A_222 = vector.broadcast %sub3A_221 : i32 to vector<16xi32>
        %sub3A_223 = arith.subi %add3A_220, %sub3A_222 : vector<16xi32>
        tpu.vector_store_idx %arg13[%sub3A_223], %get3A_213 masked %ge3A_214 : memref<272xf32, #tpu.memory_space<vmem>>[vector<16xi32>], vector<16xf32>, vector<16xi1>
        %mul3A_224 = arith.constant 91 : i32
        %mul3A_225 = vector.broadcast %mul3A_224 : i32 to vector<16xi32>
        %mul3A_226 = arith.muli %gather3A, %mul3A_225 : vector<16xi32>
        %add3A_227 = arith.constant 16 : i32
        %add3A_228 = vector.broadcast %add3A_227 : i32 to vector<16xi32>
        %add3A_229 = arith.addi %iota3A, %add3A_228 : vector<16xi32>
        %add3A_230 = arith.addi %mul3A_226, %add3A_229 : vector<16xi32>
        tpu.vector_store_idx %arg14[%sub3A_223], %add3A_230 masked %ge3A_214 : memref<272xi32, #tpu.memory_space<vmem>>[vector<16xi32>], vector<16xi32>, vector<16xi1>
        %reduce_max3A_231 = arith.constant true
        %reduce_max3A_232 = vector.broadcast %reduce_max3A_231 : i1 to vector<16xi1>
        %reduce_max3A_233 = arith.constant -2147483648 : i32
        %reduce_max3A_234 = vector.broadcast %reduce_max3A_233 : i32 to vector<16xi32>
        %reduce_max3A_235 = arith.xori %masked_cumsum3A_218, %reduce_max3A_234 : vector<16xi32>
        %reduce_max3A_236 = tpu.scan <max>, %reduce_max3A_235 masked %reduce_max3A_232 : vector<16xi32>, vector<16xi1> -> vector<16xi32>
        %reduce_max3A_237 = arith.xori %reduce_max3A_236, %reduce_max3A_234 : vector<16xi32>
        %reduce_max3A_238 = vector.extract %reduce_max3A_237[15] : i32 from vector<16xi32>
        %add3A_239 = arith.addi %min3A_209, %reduce_max3A_238 : i32
        %min3A_240 = arith.constant 256 : i32
        %min3A_241 = arith.minsi %add3A_239, %min3A_240 : i32
        %get3A_242 = arith.index_cast %while3A_155 : i32 to index
        %get3A_243 = arith.index_cast %select_n3A_180 : i32 to index
        %get3A_244 = arith.constant 32 : index
        %get3A_245 = tpu.vector_load %arg12[%get3A_242, %get3A_243, %get3A_244] {strides = array<i32>} : memref<16x8x91xf32, #tpu.memory_space<vmem>>, vector<16xf32>,
        %ge3A_246 = arith.cmpf oge, %get3A_245, %get3A_38 : vector<16xf32>
        %convert_element_type3A_247 = arith.extui %ge3A_246 : vector<16xi1> to vector<16xi32>
        %broadcast_in_dim3A_248 = arith.constant true
        %broadcast_in_dim3A_249 = vector.broadcast %broadcast_in_dim3A_248 : i1 to vector<16xi1>
        %masked_cumsum3A_250 = tpu.scan <sum>, %convert_element_type3A_247 masked %broadcast_in_dim3A_249 : vector<16xi32>, vector<16xi1> -> vector<16xi32>
        %add3A_251 = vector.broadcast %min3A_241 : i32 to vector<16xi32>
        %add3A_252 = arith.addi %add3A_251, %masked_cumsum3A_250 : vector<16xi32>
        %sub3A_253 = arith.constant 1 : i32
        %sub3A_254 = vector.broadcast %sub3A_253 : i32 to vector<16xi32>
        %sub3A_255 = arith.subi %add3A_252, %sub3A_254 : vector<16xi32>
        tpu.vector_store_idx %arg13[%sub3A_255], %get3A_245 masked %ge3A_246 : memref<272xf32, #tpu.memory_space<vmem>>[vector<16xi32>], vector<16xf32>, vector<16xi1>
        %mul3A_256 = arith.constant 91 : i32
        %mul3A_257 = vector.broadcast %mul3A_256 : i32 to vector<16xi32>
        %mul3A_258 = arith.muli %gather3A, %mul3A_257 : vector<16xi32>
        %add3A_259 = arith.constant 32 : i32
        %add3A_260 = vector.broadcast %add3A_259 : i32 to vector<16xi32>
        %add3A_261 = arith.addi %iota3A, %add3A_260 : vector<16xi32>
        %add3A_262 = arith.addi %mul3A_258, %add3A_261 : vector<16xi32>
        tpu.vector_store_idx %arg14[%sub3A_255], %add3A_262 masked %ge3A_246 : memref<272xi32, #tpu.memory_space<vmem>>[vector<16xi32>], vector<16xi32>, vector<16xi1>
        %reduce_max3A_263 = arith.constant true
        %reduce_max3A_264 = vector.broadcast %reduce_max3A_263 : i1 to vector<16xi1>
        %reduce_max3A_265 = arith.constant -2147483648 : i32
        %reduce_max3A_266 = vector.broadcast %reduce_max3A_265 : i32 to vector<16xi32>
        %reduce_max3A_267 = arith.xori %masked_cumsum3A_250, %reduce_max3A_266 : vector<16xi32>
        %reduce_max3A_268 = tpu.scan <max>, %reduce_max3A_267 masked %reduce_max3A_264 : vector<16xi32>, vector<16xi1> -> vector<16xi32>
        %reduce_max3A_269 = arith.xori %reduce_max3A_268, %reduce_max3A_266 : vector<16xi32>
        %reduce_max3A_270 = vector.extract %reduce_max3A_269[15] : i32 from vector<16xi32>
        %add3A_271 = arith.addi %min3A_241, %reduce_max3A_270 : i32
        %min3A_272 = arith.constant 256 : i32
        %min3A_273 = arith.minsi %add3A_271, %min3A_272 : i32
        %get3A_274 = arith.index_cast %while3A_155 : i32 to index
        %get3A_275 = arith.index_cast %select_n3A_180 : i32 to index
        %get3A_276 = arith.constant 48 : index
        %get3A_277 = tpu.vector_load %arg12[%get3A_274, %get3A_275, %get3A_276] {strides = array<i32>} : memref<16x8x91xf32, #tpu.memory_space<vmem>>, vector<16xf32>,
        %ge3A_278 = arith.cmpf oge, %get3A_277, %get3A_38 : vector<16xf32>
        %convert_element_type3A_279 = arith.extui %ge3A_278 : vector<16xi1> to vector<16xi32>
        %broadcast_in_dim3A_280 = arith.constant true
        %broadcast_in_dim3A_281 = vector.broadcast %broadcast_in_dim3A_280 : i1 to vector<16xi1>
        %masked_cumsum3A_282 = tpu.scan <sum>, %convert_element_type3A_279 masked %broadcast_in_dim3A_281 : vector<16xi32>, vector<16xi1> -> vector<16xi32>
        %add3A_283 = vector.broadcast %min3A_273 : i32 to vector<16xi32>
        %add3A_284 = arith.addi %add3A_283, %masked_cumsum3A_282 : vector<16xi32>
        %sub3A_285 = arith.constant 1 : i32
        %sub3A_286 = vector.broadcast %sub3A_285 : i32 to vector<16xi32>
        %sub3A_287 = arith.subi %add3A_284, %sub3A_286 : vector<16xi32>
        tpu.vector_store_idx %arg13[%sub3A_287], %get3A_277 masked %ge3A_278 : memref<272xf32, #tpu.memory_space<vmem>>[vector<16xi32>], vector<16xf32>, vector<16xi1>
        %mul3A_288 = arith.constant 91 : i32
        %mul3A_289 = vector.broadcast %mul3A_288 : i32 to vector<16xi32>
        %mul3A_290 = arith.muli %gather3A, %mul3A_289 : vector<16xi32>
        %add3A_291 = arith.constant 48 : i32
        %add3A_292 = vector.broadcast %add3A_291 : i32 to vector<16xi32>
        %add3A_293 = arith.addi %iota3A, %add3A_292 : vector<16xi32>
        %add3A_294 = arith.addi %mul3A_290, %add3A_293 : vector<16xi32>
        tpu.vector_store_idx %arg14[%sub3A_287], %add3A_294 masked %ge3A_278 : memref<272xi32, #tpu.memory_space<vmem>>[vector<16xi32>], vector<16xi32>, vector<16xi1>
        %reduce_max3A_295 = arith.constant true
        %reduce_max3A_296 = vector.broadcast %reduce_max3A_295 : i1 to vector<16xi1>
        %reduce_max3A_297 = arith.constant -2147483648 : i32
        %reduce_max3A_298 = vector.broadcast %reduce_max3A_297 : i32 to vector<16xi32>
        %reduce_max3A_299 = arith.xori %masked_cumsum3A_282, %reduce_max3A_298 : vector<16xi32>
        %reduce_max3A_300 = tpu.scan <max>, %reduce_max3A_299 masked %reduce_max3A_296 : vector<16xi32>, vector<16xi1> -> vector<16xi32>
        %reduce_max3A_301 = arith.xori %reduce_max3A_300, %reduce_max3A_298 : vector<16xi32>
        %reduce_max3A_302 = vector.extract %reduce_max3A_301[15] : i32 from vector<16xi32>
        %add3A_303 = arith.addi %min3A_273, %reduce_max3A_302 : i32
        %min3A_304 = arith.constant 256 : i32
        %min3A_305 = arith.minsi %add3A_303, %min3A_304 : i32
        %get3A_306 = arith.index_cast %while3A_155 : i32 to index
        %get3A_307 = arith.index_cast %select_n3A_180 : i32 to index
        %get3A_308 = arith.constant 64 : index
        %get3A_309 = tpu.vector_load %arg12[%get3A_306, %get3A_307, %get3A_308] {strides = array<i32>} : memref<16x8x91xf32, #tpu.memory_space<vmem>>, vector<16xf32>,
        %ge3A_310 = arith.cmpf oge, %get3A_309, %get3A_38 : vector<16xf32>
        %convert_element_type3A_311 = arith.extui %ge3A_310 : vector<16xi1> to vector<16xi32>
        %broadcast_in_dim3A_312 = arith.constant true
        %broadcast_in_dim3A_313 = vector.broadcast %broadcast_in_dim3A_312 : i1 to vector<16xi1>
        %masked_cumsum3A_314 = tpu.scan <sum>, %convert_element_type3A_311 masked %broadcast_in_dim3A_313 : vector<16xi32>, vector<16xi1> -> vector<16xi32>
        %add3A_315 = vector.broadcast %min3A_305 : i32 to vector<16xi32>
        %add3A_316 = arith.addi %add3A_315, %masked_cumsum3A_314 : vector<16xi32>
        %sub3A_317 = arith.constant 1 : i32
        %sub3A_318 = vector.broadcast %sub3A_317 : i32 to vector<16xi32>
        %sub3A_319 = arith.subi %add3A_316, %sub3A_318 : vector<16xi32>
        tpu.vector_store_idx %arg13[%sub3A_319], %get3A_309 masked %ge3A_310 : memref<272xf32, #tpu.memory_space<vmem>>[vector<16xi32>], vector<16xf32>, vector<16xi1>
        %mul3A_320 = arith.constant 91 : i32
        %mul3A_321 = vector.broadcast %mul3A_320 : i32 to vector<16xi32>
        %mul3A_322 = arith.muli %gather3A, %mul3A_321 : vector<16xi32>
        %add3A_323 = arith.constant 64 : i32
        %add3A_324 = vector.broadcast %add3A_323 : i32 to vector<16xi32>
        %add3A_325 = arith.addi %iota3A, %add3A_324 : vector<16xi32>
        %add3A_326 = arith.addi %mul3A_322, %add3A_325 : vector<16xi32>
        tpu.vector_store_idx %arg14[%sub3A_319], %add3A_326 masked %ge3A_310 : memref<272xi32, #tpu.memory_space<vmem>>[vector<16xi32>], vector<16xi32>, vector<16xi1>
        %reduce_max3A_327 = arith.constant true
        %reduce_max3A_328 = vector.broadcast %reduce_max3A_327 : i1 to vector<16xi1>
        %reduce_max3A_329 = arith.constant -2147483648 : i32
        %reduce_max3A_330 = vector.broadcast %reduce_max3A_329 : i32 to vector<16xi32>
        %reduce_max3A_331 = arith.xori %masked_cumsum3A_314, %reduce_max3A_330 : vector<16xi32>
        %reduce_max3A_332 = tpu.scan <max>, %reduce_max3A_331 masked %reduce_max3A_328 : vector<16xi32>, vector<16xi1> -> vector<16xi32>
        %reduce_max3A_333 = arith.xori %reduce_max3A_332, %reduce_max3A_330 : vector<16xi32>
        %reduce_max3A_334 = vector.extract %reduce_max3A_333[15] : i32 from vector<16xi32>
        %add3A_335 = arith.addi %min3A_305, %reduce_max3A_334 : i32
        %min3A_336 = arith.constant 256 : i32
        %min3A_337 = arith.minsi %add3A_335, %min3A_336 : i32
        %get3A_338 = arith.index_cast %while3A_155 : i32 to index
        %get3A_339 = arith.index_cast %select_n3A_180 : i32 to index
        %get3A_340 = arith.constant 75 : index
        %get3A_341 = tpu.vector_load %arg12[%get3A_338, %get3A_339, %get3A_340] {strides = array<i32>} : memref<16x8x91xf32, #tpu.memory_space<vmem>>, vector<16xf32>,
        %ge3A_342 = arith.cmpf oge, %get3A_341, %get3A_38 : vector<16xf32>
        %ge3A_343 = arith.constant 5 : i32
        %ge3A_344 = vector.broadcast %ge3A_343 : i32 to vector<16xi32>
        %ge3A_345 = arith.cmpi sge, %iota3A, %ge3A_344 : vector<16xi32>
        %and3A_346 = arith.andi %ge3A_342, %ge3A_345 : vector<16xi1>
        %convert_element_type3A_347 = arith.extui %and3A_346 : vector<16xi1> to vector<16xi32>
        %broadcast_in_dim3A_348 = arith.constant true
        %broadcast_in_dim3A_349 = vector.broadcast %broadcast_in_dim3A_348 : i1 to vector<16xi1>
        %masked_cumsum3A_350 = tpu.scan <sum>, %convert_element_type3A_347 masked %broadcast_in_dim3A_349 : vector<16xi32>, vector<16xi1> -> vector<16xi32>
        %add3A_351 = vector.broadcast %min3A_337 : i32 to vector<16xi32>
        %add3A_352 = arith.addi %add3A_351, %masked_cumsum3A_350 : vector<16xi32>
        %sub3A_353 = arith.constant 1 : i32
        %sub3A_354 = vector.broadcast %sub3A_353 : i32 to vector<16xi32>
        %sub3A_355 = arith.subi %add3A_352, %sub3A_354 : vector<16xi32>
        tpu.vector_store_idx %arg13[%sub3A_355], %get3A_341 masked %and3A_346 : memref<272xf32, #tpu.memory_space<vmem>>[vector<16xi32>], vector<16xf32>, vector<16xi1>
        %mul3A_356 = arith.constant 91 : i32
        %mul3A_357 = vector.broadcast %mul3A_356 : i32 to vector<16xi32>
        %mul3A_358 = arith.muli %gather3A, %mul3A_357 : vector<16xi32>
        %add3A_359 = arith.constant 75 : i32
        %add3A_360 = vector.broadcast %add3A_359 : i32 to vector<16xi32>
        %add3A_361 = arith.addi %iota3A, %add3A_360 : vector<16xi32>
        %add3A_362 = arith.addi %mul3A_358, %add3A_361 : vector<16xi32>
        tpu.vector_store_idx %arg14[%sub3A_355], %add3A_362 masked %and3A_346 : memref<272xi32, #tpu.memory_space<vmem>>[vector<16xi32>], vector<16xi32>, vector<16xi1>
        %reduce_max3A_363 = arith.constant true
        %reduce_max3A_364 = vector.broadcast %reduce_max3A_363 : i1 to vector<16xi1>
        %reduce_max3A_365 = arith.constant -2147483648 : i32
        %reduce_max3A_366 = vector.broadcast %reduce_max3A_365 : i32 to vector<16xi32>
        %reduce_max3A_367 = arith.xori %masked_cumsum3A_350, %reduce_max3A_366 : vector<16xi32>
        %reduce_max3A_368 = tpu.scan <max>, %reduce_max3A_367 masked %reduce_max3A_364 : vector<16xi32>, vector<16xi1> -> vector<16xi32>
        %reduce_max3A_369 = arith.xori %reduce_max3A_368, %reduce_max3A_366 : vector<16xi32>
        %reduce_max3A_370 = vector.extract %reduce_max3A_369[15] : i32 from vector<16xi32>
        %add3A_371 = arith.addi %min3A_337, %reduce_max3A_370 : i32
        %min3A_372 = arith.constant 256 : i32
        %min3A_373 = arith.minsi %add3A_371, %min3A_372 : i32
        scf.yield %min3A_373 : i32
      }
      scf.yield %while3A_154 : i32
    }
    %while3A_94 = arith.constant 1 : i32
    %while3A_95 = scf.for %while3A_114 = %while3A_91 to %while3A_87 step %while3A_94 iter_args(%while3A_115 = %while3A_93) -> (i32)  : i32 {
      %mul3A_116 = arith.constant 16 : i32
      %mul3A_117 = arith.muli %while3A_114, %mul3A_116 : i32
      %sub3A_118 = arith.subi %scan3A_55, %mul3A_117 : i32
      %min3A = arith.constant 16 : i32
      %min3A_119 = arith.minsi %sub3A_118, %min3A : i32
      %while3A_120 = arith.constant 0 : i32
      %while3A_121 = arith.constant 0 : i32
      %while3A_122 = arith.subi %min3A_119, %while3A_120 : i32
      %while3A_123 = arith.addi %while3A_120, %while3A_122 : i32
      %while3A_124 = arith.constant 1 : i32
      %while3A_125 = arith.divsi %while3A_122, %while3A_124 : i32
      %while3A_126 = arith.muli %while3A_125, %while3A_124 : i32
      %while3A_127 = arith.addi %while3A_120, %while3A_126 : i32
      %while3A_128 = arith.constant 1 : i32
      %while3A_129 = scf.for %while3A_155 = %while3A_120 to %while3A_127 step %while3A_128 iter_args(%while3A_156 = %while3A_121) -> (i32)  : i32 {
        %add3A_157 = arith.addi %mul3A_117, %while3A_155 : i32
        %broadcast_in_dim3A = vector.broadcast %add3A_157 : i32 to vector<16xi32>
        %gather3A = tpu.vector_load_idx %arg11[%broadcast_in_dim3A] : memref<272xi32, #tpu.memory_space<vmem>>[vector<16xi32>], vector<16xi32>,
        %reduce_max3A = arith.constant true
        %reduce_max3A_158 = vector.broadcast %reduce_max3A : i1 to vector<16xi1>
        %reduce_max3A_159 = arith.constant -2147483648 : i32
        %reduce_max3A_160 = vector.broadcast %reduce_max3A_159 : i32 to vector<16xi32>
        %reduce_max3A_161 = arith.xori %gather3A, %reduce_max3A_160 : vector<16xi32>
        %reduce_max3A_162 = tpu.scan <max>, %reduce_max3A_161 masked %reduce_max3A_158 : vector<16xi32>, vector<16xi1> -> vector<16xi32>
        %reduce_max3A_163 = arith.xori %reduce_max3A_162, %reduce_max3A_160 : vector<16xi32>
        %reduce_max3A_164 = vector.extract %reduce_max3A_163[15] : i32 from vector<16xi32>
        %jit3A_165 = arith.constant 8 : i32
        %div3A_166 = arith.divsi %reduce_max3A_164, %jit3A_165 : i32
        %sign3A_167 = arith.constant 0 : i32
        %sign3A_168 = arith.cmpi sgt, %reduce_max3A_164, %sign3A_167 : i32
        %sign3A_169 = arith.extui %sign3A_168 : i1 to i32
        %sign3A_170 = arith.constant 0 : i32
        %sign3A_171 = arith.cmpi slt, %reduce_max3A_164, %sign3A_170 : i32
        %sign3A_172 = arith.extui %sign3A_171 : i1 to i32
        %sign3A_173 = arith.subi %sign3A_169, %sign3A_172 : i32
        %sign3A_174 = arith.constant 0 : i32
        %sign3A_175 = arith.cmpi sgt, %jit3A_165, %sign3A_174 : i32
        %sign3A_176 = arith.extui %sign3A_175 : i1 to i32
        %sign3A_177 = arith.constant 0 : i32
        %sign3A_178 = arith.cmpi slt, %jit3A_165, %sign3A_177 : i32
        %sign3A_179 = arith.extui %sign3A_178 : i1 to i32
        %sign3A_180 = arith.subi %sign3A_176, %sign3A_179 : i32
        %ne3A_181 = arith.cmpi ne, %sign3A_173, %sign3A_180 : i32
        %rem3A_182 = arith.remsi %reduce_max3A_164, %jit3A_165 : i32
        %ne3A_183 = arith.constant 0 : i32
        %ne3A_184 = arith.cmpi ne, %rem3A_182, %ne3A_183 : i32
        %and3A_185 = arith.andi %ne3A_181, %ne3A_184 : i1
        %sub3A_186 = arith.constant 1 : i32
        %sub3A_187 = arith.subi %div3A_166, %sub3A_186 : i32
        %select_n3A_188 = arith.select %and3A_185, %sub3A_187, %div3A_166 : i32
        %mul3A_189 = arith.constant 8 : i32
        %mul3A_190 = arith.muli %select_n3A_188, %mul3A_189 : i32
        %mul3A_191 = arith.constant 20000 : i32
        %mul3A_192 = arith.muli %select_n3A, %mul3A_191 : i32
        %add3A_193 = arith.addi %mul3A_192, %mul3A_190 : i32
        %multiple_of3A = tpu.assume_multiple %add3A_193, 8 : i32
        %dma_start3A_194 = arith.constant 0 : i32
        %dma_start3A_195 = arith.constant 0 : i32
        %dma_start3A_196 = tpu.memref_slice %arg12[%while3A_155, %dma_start3A_194, %dma_start3A_195] : memref<16x8x91xf32, #tpu.memory_space<vmem>> -> memref<1x8x91xf32, #tpu.memory_space<vmem>>
        %dma_start3A_197 = tpu.memref_squeeze %dma_start3A_196 : memref<1x8x91xf32, #tpu.memory_space<vmem>> -> memref<8x91xf32, #tpu.memory_space<vmem>>
        %dma_start3A_198 = arith.constant 0 : i32
        %dma_start3A_199 = tpu.memref_slice %arg2[%multiple_of3A, %dma_start3A_198] : memref<320000x91xf32, #tpu.memory_space<hbm>> -> memref<8x91xf32, #tpu.memory_space<hbm>>
        %dma_start3A_200 = arith.constant 0 : i32
        %dma_start3A_201 = arith.constant 0 : i32
        %dma_start3A_202 = tpu.memref_slice %arg12[%while3A_155, %dma_start3A_200, %dma_start3A_201] : memref<16x8x91xf32, #tpu.memory_space<vmem>> -> memref<1x8x91xf32, #tpu.memory_space<vmem>>
        %dma_start3A_203 = tpu.memref_squeeze %dma_start3A_202 : memref<1x8x91xf32, #tpu.memory_space<vmem>> -> memref<8x91xf32, #tpu.memory_space<vmem>>
        %dma_start3A_204 = arith.constant 0 : i32
        %dma_start3A_205 = tpu.memref_slice %arg2[%multiple_of3A, %dma_start3A_204] : memref<320000x91xf32, #tpu.memory_space<hbm>> -> memref<8x91xf32, #tpu.memory_space<hbm>>
        tpu.enqueue_dma source(%dma_start3A_205 : memref<8x91xf32, #tpu.memory_space<hbm>>) target(%dma_start3A_203 : memref<8x91xf32, #tpu.memory_space<vmem>>) target_semaphore(%arg18 : memref<!tpu.dma_semaphore, #tpu.memory_space<semaphore_mem>>)
        %while3A_206 = arith.constant 0 : i32
        scf.yield %while3A_206 : i32
      }
      %while3A_130 = arith.constant 1 : i32
      %while3A_131 = scf.for %while3A_155 = %while3A_127 to %while3A_123 step %while3A_130 iter_args(%while3A_156 = %while3A_129) -> (i32)  : i32 {
        %add3A_157 = arith.addi %mul3A_117, %while3A_155 : i32
        %broadcast_in_dim3A = vector.broadcast %add3A_157 : i32 to vector<16xi32>
        %gather3A = tpu.vector_load_idx %arg11[%broadcast_in_dim3A] : memref<272xi32, #tpu.memory_space<vmem>>[vector<16xi32>], vector<16xi32>,
        %reduce_max3A = arith.constant true
        %reduce_max3A_158 = vector.broadcast %reduce_max3A : i1 to vector<16xi1>
        %reduce_max3A_159 = arith.constant -2147483648 : i32
        %reduce_max3A_160 = vector.broadcast %reduce_max3A_159 : i32 to vector<16xi32>
        %reduce_max3A_161 = arith.xori %gather3A, %reduce_max3A_160 : vector<16xi32>
        %reduce_max3A_162 = tpu.scan <max>, %reduce_max3A_161 masked %reduce_max3A_158 : vector<16xi32>, vector<16xi1> -> vector<16xi32>
        %reduce_max3A_163 = arith.xori %reduce_max3A_162, %reduce_max3A_160 : vector<16xi32>
        %reduce_max3A_164 = vector.extract %reduce_max3A_163[15] : i32 from vector<16xi32>
        %jit3A_165 = arith.constant 8 : i32
        %div3A_166 = arith.divsi %reduce_max3A_164, %jit3A_165 : i32
        %sign3A_167 = arith.constant 0 : i32
        %sign3A_168 = arith.cmpi sgt, %reduce_max3A_164, %sign3A_167 : i32
        %sign3A_169 = arith.extui %sign3A_168 : i1 to i32
        %sign3A_170 = arith.constant 0 : i32
        %sign3A_171 = arith.cmpi slt, %reduce_max3A_164, %sign3A_170 : i32
        %sign3A_172 = arith.extui %sign3A_171 : i1 to i32
        %sign3A_173 = arith.subi %sign3A_169, %sign3A_172 : i32
        %sign3A_174 = arith.constant 0 : i32
        %sign3A_175 = arith.cmpi sgt, %jit3A_165, %sign3A_174 : i32
        %sign3A_176 = arith.extui %sign3A_175 : i1 to i32
        %sign3A_177 = arith.constant 0 : i32
        %sign3A_178 = arith.cmpi slt, %jit3A_165, %sign3A_177 : i32
        %sign3A_179 = arith.extui %sign3A_178 : i1 to i32
        %sign3A_180 = arith.subi %sign3A_176, %sign3A_179 : i32
        %ne3A_181 = arith.cmpi ne, %sign3A_173, %sign3A_180 : i32
        %rem3A_182 = arith.remsi %reduce_max3A_164, %jit3A_165 : i32
        %ne3A_183 = arith.constant 0 : i32
        %ne3A_184 = arith.cmpi ne, %rem3A_182, %ne3A_183 : i32
        %and3A_185 = arith.andi %ne3A_181, %ne3A_184 : i1
        %sub3A_186 = arith.constant 1 : i32
        %sub3A_187 = arith.subi %div3A_166, %sub3A_186 : i32
        %select_n3A_188 = arith.select %and3A_185, %sub3A_187, %div3A_166 : i32
        %mul3A_189 = arith.constant 8 : i32
        %mul3A_190 = arith.muli %select_n3A_188, %mul3A_189 : i32
        %mul3A_191 = arith.constant 20000 : i32
        %mul3A_192 = arith.muli %select_n3A, %mul3A_191 : i32
        %add3A_193 = arith.addi %mul3A_192, %mul3A_190 : i32
        %multiple_of3A = tpu.assume_multiple %add3A_193, 8 : i32
        %dma_start3A_194 = arith.constant 0 : i32
        %dma_start3A_195 = arith.constant 0 : i32
        %dma_start3A_196 = tpu.memref_slice %arg12[%while3A_155, %dma_start3A_194, %dma_start3A_195] : memref<16x8x91xf32, #tpu.memory_space<vmem>> -> memref<1x8x91xf32, #tpu.memory_space<vmem>>
        %dma_start3A_197 = tpu.memref_squeeze %dma_start3A_196 : memref<1x8x91xf32, #tpu.memory_space<vmem>> -> memref<8x91xf32, #tpu.memory_space<vmem>>
        %dma_start3A_198 = arith.constant 0 : i32
        %dma_start3A_199 = tpu.memref_slice %arg2[%multiple_of3A, %dma_start3A_198] : memref<320000x91xf32, #tpu.memory_space<hbm>> -> memref<8x91xf32, #tpu.memory_space<hbm>>
        %dma_start3A_200 = arith.constant 0 : i32
        %dma_start3A_201 = arith.constant 0 : i32
        %dma_start3A_202 = tpu.memref_slice %arg12[%while3A_155, %dma_start3A_200, %dma_start3A_201] : memref<16x8x91xf32, #tpu.memory_space<vmem>> -> memref<1x8x91xf32, #tpu.memory_space<vmem>>
        %dma_start3A_203 = tpu.memref_squeeze %dma_start3A_202 : memref<1x8x91xf32, #tpu.memory_space<vmem>> -> memref<8x91xf32, #tpu.memory_space<vmem>>
        %dma_start3A_204 = arith.constant 0 : i32
        %dma_start3A_205 = tpu.memref_slice %arg2[%multiple_of3A, %dma_start3A_204] : memref<320000x91xf32, #tpu.memory_space<hbm>> -> memref<8x91xf32, #tpu.memory_space<hbm>>
        tpu.enqueue_dma source(%dma_start3A_205 : memref<8x91xf32, #tpu.memory_space<hbm>>) target(%dma_start3A_203 : memref<8x91xf32, #tpu.memory_space<vmem>>) target_semaphore(%arg18 : memref<!tpu.dma_semaphore, #tpu.memory_space<semaphore_mem>>)
        %while3A_206 = arith.constant 0 : i32
        scf.yield %while3A_206 : i32
      }
      %while3A_132 = arith.constant 0 : i32
      %while3A_133 = arith.constant 0 : i32
      %while3A_134 = arith.subi %min3A_119, %while3A_132 : i32
      %while3A_135 = arith.addi %while3A_132, %while3A_134 : i32
      %while3A_136 = arith.constant 1 : i32
      %while3A_137 = arith.divsi %while3A_134, %while3A_136 : i32
      %while3A_138 = arith.muli %while3A_137, %while3A_136 : i32
      %while3A_139 = arith.addi %while3A_132, %while3A_138 : i32
      %while3A_140 = arith.constant 1 : i32
      %while3A_141 = scf.for %while3A_155 = %while3A_132 to %while3A_139 step %while3A_140 iter_args(%while3A_156 = %while3A_133) -> (i32)  : i32 {
        %dma_wait3A_157 = arith.constant 0 : i32
        %dma_wait3A_158 = arith.constant 0 : i32
        %dma_wait3A_159 = arith.constant 0 : i32
        %dma_wait3A_160 = tpu.memref_slice %arg12[%dma_wait3A_157, %dma_wait3A_158, %dma_wait3A_159] : memref<16x8x91xf32, #tpu.memory_space<vmem>> -> memref<1x8x91xf32, #tpu.memory_space<vmem>>
        %dma_wait3A_161 = tpu.memref_squeeze %dma_wait3A_160 : memref<1x8x91xf32, #tpu.memory_space<vmem>> -> memref<8x91xf32, #tpu.memory_space<vmem>>
        %dma_wait3A_162 = arith.constant 0 : i32
        %dma_wait3A_163 = arith.constant 0 : i32
        %dma_wait3A_164 = tpu.memref_slice %arg2[%dma_wait3A_162, %dma_wait3A_163] : memref<320000x91xf32, #tpu.memory_space<hbm>> -> memref<8x91xf32, #tpu.memory_space<hbm>>
        %dma_wait3A_165 = arith.constant 0 : i32
        %dma_wait3A_166 = arith.constant 0 : i32
        %dma_wait3A_167 = tpu.memref_slice %arg12[%dma_wait3A_157, %dma_wait3A_165, %dma_wait3A_166] : memref<16x8x91xf32, #tpu.memory_space<vmem>> -> memref<1x8x91xf32, #tpu.memory_space<vmem>>
        %dma_wait3A_168 = tpu.memref_squeeze %dma_wait3A_167 : memref<1x8x91xf32, #tpu.memory_space<vmem>> -> memref<8x91xf32, #tpu.memory_space<vmem>>
        %dma_wait3A_169 = arith.constant 0 : i32
        %dma_wait3A_170 = arith.constant 0 : i32
        %dma_wait3A_171 = tpu.memref_slice %arg2[%dma_wait3A_169, %dma_wait3A_170] : memref<320000x91xf32, #tpu.memory_space<hbm>> -> memref<8x91xf32, #tpu.memory_space<hbm>>
        tpu.wait_dma2 semaphore(%arg18 : memref<!tpu.dma_semaphore, #tpu.memory_space<semaphore_mem>>) src(%dma_wait3A_171 : memref<8x91xf32, #tpu.memory_space<hbm>>) dst(%dma_wait3A_168 : memref<8x91xf32, #tpu.memory_space<vmem>>)
        %while3A_172 = arith.constant 0 : i32
        scf.yield %while3A_172 : i32
      }
      %while3A_142 = arith.constant 1 : i32
      %while3A_143 = scf.for %while3A_155 = %while3A_139 to %while3A_135 step %while3A_142 iter_args(%while3A_156 = %while3A_141) -> (i32)  : i32 {
        %dma_wait3A_157 = arith.constant 0 : i32
        %dma_wait3A_158 = arith.constant 0 : i32
        %dma_wait3A_159 = arith.constant 0 : i32
        %dma_wait3A_160 = tpu.memref_slice %arg12[%dma_wait3A_157, %dma_wait3A_158, %dma_wait3A_159] : memref<16x8x91xf32, #tpu.memory_space<vmem>> -> memref<1x8x91xf32, #tpu.memory_space<vmem>>
        %dma_wait3A_161 = tpu.memref_squeeze %dma_wait3A_160 : memref<1x8x91xf32, #tpu.memory_space<vmem>> -> memref<8x91xf32, #tpu.memory_space<vmem>>
        %dma_wait3A_162 = arith.constant 0 : i32
        %dma_wait3A_163 = arith.constant 0 : i32
        %dma_wait3A_164 = tpu.memref_slice %arg2[%dma_wait3A_162, %dma_wait3A_163] : memref<320000x91xf32, #tpu.memory_space<hbm>> -> memref<8x91xf32, #tpu.memory_space<hbm>>
        %dma_wait3A_165 = arith.constant 0 : i32
        %dma_wait3A_166 = arith.constant 0 : i32
        %dma_wait3A_167 = tpu.memref_slice %arg12[%dma_wait3A_157, %dma_wait3A_165, %dma_wait3A_166] : memref<16x8x91xf32, #tpu.memory_space<vmem>> -> memref<1x8x91xf32, #tpu.memory_space<vmem>>
        %dma_wait3A_168 = tpu.memref_squeeze %dma_wait3A_167 : memref<1x8x91xf32, #tpu.memory_space<vmem>> -> memref<8x91xf32, #tpu.memory_space<vmem>>
        %dma_wait3A_169 = arith.constant 0 : i32
        %dma_wait3A_170 = arith.constant 0 : i32
        %dma_wait3A_171 = tpu.memref_slice %arg2[%dma_wait3A_169, %dma_wait3A_170] : memref<320000x91xf32, #tpu.memory_space<hbm>> -> memref<8x91xf32, #tpu.memory_space<hbm>>
        tpu.wait_dma2 semaphore(%arg18 : memref<!tpu.dma_semaphore, #tpu.memory_space<semaphore_mem>>) src(%dma_wait3A_171 : memref<8x91xf32, #tpu.memory_space<hbm>>) dst(%dma_wait3A_168 : memref<8x91xf32, #tpu.memory_space<vmem>>)
        %while3A_172 = arith.constant 0 : i32
        scf.yield %while3A_172 : i32
      }
      %while3A_144 = arith.constant 0 : i32
      %while3A_145 = arith.subi %min3A_119, %while3A_144 : i32
      %while3A_146 = arith.addi %while3A_144, %while3A_145 : i32
      %while3A_147 = arith.constant 1 : i32
      %while3A_148 = arith.divsi %while3A_145, %while3A_147 : i32
      %while3A_149 = arith.muli %while3A_148, %while3A_147 : i32
      %while3A_150 = arith.addi %while3A_144, %while3A_149 : i32
      %while3A_151 = arith.constant 1 : i32
      %while3A_152 = scf.for %while3A_155 = %while3A_144 to %while3A_150 step %while3A_151 iter_args(%while3A_156 = %while3A_115) -> (i32)  : i32 {
        %add3A_157 = arith.addi %mul3A_117, %while3A_155 : i32
        %broadcast_in_dim3A = vector.broadcast %add3A_157 : i32 to vector<16xi32>
        %gather3A = tpu.vector_load_idx %arg11[%broadcast_in_dim3A] : memref<272xi32, #tpu.memory_space<vmem>>[vector<16xi32>], vector<16xi32>,
        %reduce_max3A = arith.constant true
        %reduce_max3A_158 = vector.broadcast %reduce_max3A : i1 to vector<16xi1>
        %reduce_max3A_159 = arith.constant -2147483648 : i32
        %reduce_max3A_160 = vector.broadcast %reduce_max3A_159 : i32 to vector<16xi32>
        %reduce_max3A_161 = arith.xori %gather3A, %reduce_max3A_160 : vector<16xi32>
        %reduce_max3A_162 = tpu.scan <max>, %reduce_max3A_161 masked %reduce_max3A_158 : vector<16xi32>, vector<16xi1> -> vector<16xi32>
        %reduce_max3A_163 = arith.xori %reduce_max3A_162, %reduce_max3A_160 : vector<16xi32>
        %reduce_max3A_164 = vector.extract %reduce_max3A_163[15] : i32 from vector<16xi32>
        %jit3A_165 = arith.constant 8 : i32
        %eq3A_166 = arith.constant 0 : i32
        %eq3A_167 = arith.cmpi eq, %jit3A_165, %eq3A_166 : i32
        %jit3A_168 = arith.constant 1 : i32
        %select_n3A_169 = arith.select %eq3A_167, %jit3A_168, %jit3A_165 : i32
        %rem3A_170 = arith.remsi %reduce_max3A_164, %select_n3A_169 : i32
        %ne3A_171 = arith.constant 0 : i32
        %ne3A_172 = arith.cmpi ne, %rem3A_170, %ne3A_171 : i32
        %lt3A_173 = arith.constant 0 : i32
        %lt3A_174 = arith.cmpi slt, %rem3A_170, %lt3A_173 : i32
        %lt3A_175 = arith.constant 0 : i32
        %lt3A_176 = arith.cmpi slt, %select_n3A_169, %lt3A_175 : i32
        %ne3A_177 = arith.xori %lt3A_174, %lt3A_176 : i1
        %and3A_178 = arith.andi %ne3A_177, %ne3A_172 : i1
        %add3A_179 = arith.addi %rem3A_170, %select_n3A_169 : i32
        %select_n3A_180 = arith.select %and3A_178, %add3A_179, %rem3A_170 : i32
        %get3A_181 = arith.index_cast %while3A_155 : i32 to index
        %get3A_182 = arith.index_cast %select_n3A_180 : i32 to index
        %get3A_183 = arith.constant 0 : index
        %get3A_184 = tpu.vector_load %arg12[%get3A_181, %get3A_182, %get3A_183] {strides = array<i32>} : memref<16x8x91xf32, #tpu.memory_space<vmem>>, vector<16xf32>,
        %ge3A = arith.cmpf oge, %get3A_184, %get3A_38 : vector<16xf32>
        %convert_element_type3A = arith.extui %ge3A : vector<16xi1> to vector<16xi32>
        %broadcast_in_dim3A_185 = arith.constant true
        %broadcast_in_dim3A_186 = vector.broadcast %broadcast_in_dim3A_185 : i1 to vector<16xi1>
        %masked_cumsum3A = tpu.scan <sum>, %convert_element_type3A masked %broadcast_in_dim3A_186 : vector<16xi32>, vector<16xi1> -> vector<16xi32>
        %add3A_187 = vector.broadcast %while3A_156 : i32 to vector<16xi32>
        %add3A_188 = arith.addi %add3A_187, %masked_cumsum3A : vector<16xi32>
        %sub3A_189 = arith.constant 1 : i32
        %sub3A_190 = vector.broadcast %sub3A_189 : i32 to vector<16xi32>
        %sub3A_191 = arith.subi %add3A_188, %sub3A_190 : vector<16xi32>
        tpu.vector_store_idx %arg13[%sub3A_191], %get3A_184 masked %ge3A : memref<272xf32, #tpu.memory_space<vmem>>[vector<16xi32>], vector<16xf32>, vector<16xi1>
        %mul3A_192 = arith.constant 91 : i32
        %mul3A_193 = vector.broadcast %mul3A_192 : i32 to vector<16xi32>
        %mul3A_194 = arith.muli %gather3A, %mul3A_193 : vector<16xi32>
        %add3A_195 = arith.constant 0 : i32
        %add3A_196 = vector.broadcast %add3A_195 : i32 to vector<16xi32>
        %add3A_197 = arith.addi %iota3A, %add3A_196 : vector<16xi32>
        %add3A_198 = arith.addi %mul3A_194, %add3A_197 : vector<16xi32>
        tpu.vector_store_idx %arg14[%sub3A_191], %add3A_198 masked %ge3A : memref<272xi32, #tpu.memory_space<vmem>>[vector<16xi32>], vector<16xi32>, vector<16xi1>
        %reduce_max3A_199 = arith.constant true
        %reduce_max3A_200 = vector.broadcast %reduce_max3A_199 : i1 to vector<16xi1>
        %reduce_max3A_201 = arith.constant -2147483648 : i32
        %reduce_max3A_202 = vector.broadcast %reduce_max3A_201 : i32 to vector<16xi32>
        %reduce_max3A_203 = arith.xori %masked_cumsum3A, %reduce_max3A_202 : vector<16xi32>
        %reduce_max3A_204 = tpu.scan <max>, %reduce_max3A_203 masked %reduce_max3A_200 : vector<16xi32>, vector<16xi1> -> vector<16xi32>
        %reduce_max3A_205 = arith.xori %reduce_max3A_204, %reduce_max3A_202 : vector<16xi32>
        %reduce_max3A_206 = vector.extract %reduce_max3A_205[15] : i32 from vector<16xi32>
        %add3A_207 = arith.addi %while3A_156, %reduce_max3A_206 : i32
        %min3A_208 = arith.constant 256 : i32
        %min3A_209 = arith.minsi %add3A_207, %min3A_208 : i32
        %get3A_210 = arith.index_cast %while3A_155 : i32 to index
        %get3A_211 = arith.index_cast %select_n3A_180 : i32 to index
        %get3A_212 = arith.constant 16 : index
        %get3A_213 = tpu.vector_load %arg12[%get3A_210, %get3A_211, %get3A_212] {strides = array<i32>} : memref<16x8x91xf32, #tpu.memory_space<vmem>>, vector<16xf32>,
        %ge3A_214 = arith.cmpf oge, %get3A_213, %get3A_38 : vector<16xf32>
        %convert_element_type3A_215 = arith.extui %ge3A_214 : vector<16xi1> to vector<16xi32>
        %broadcast_in_dim3A_216 = arith.constant true
        %broadcast_in_dim3A_217 = vector.broadcast %broadcast_in_dim3A_216 : i1 to vector<16xi1>
        %masked_cumsum3A_218 = tpu.scan <sum>, %convert_element_type3A_215 masked %broadcast_in_dim3A_217 : vector<16xi32>, vector<16xi1> -> vector<16xi32>
        %add3A_219 = vector.broadcast %min3A_209 : i32 to vector<16xi32>
        %add3A_220 = arith.addi %add3A_219, %masked_cumsum3A_218 : vector<16xi32>
        %sub3A_221 = arith.constant 1 : i32
        %sub3A_222 = vector.broadcast %sub3A_221 : i32 to vector<16xi32>
        %sub3A_223 = arith.subi %add3A_220, %sub3A_222 : vector<16xi32>
        tpu.vector_store_idx %arg13[%sub3A_223], %get3A_213 masked %ge3A_214 : memref<272xf32, #tpu.memory_space<vmem>>[vector<16xi32>], vector<16xf32>, vector<16xi1>
        %mul3A_224 = arith.constant 91 : i32
        %mul3A_225 = vector.broadcast %mul3A_224 : i32 to vector<16xi32>
        %mul3A_226 = arith.muli %gather3A, %mul3A_225 : vector<16xi32>
        %add3A_227 = arith.constant 16 : i32
        %add3A_228 = vector.broadcast %add3A_227 : i32 to vector<16xi32>
        %add3A_229 = arith.addi %iota3A, %add3A_228 : vector<16xi32>
        %add3A_230 = arith.addi %mul3A_226, %add3A_229 : vector<16xi32>
        tpu.vector_store_idx %arg14[%sub3A_223], %add3A_230 masked %ge3A_214 : memref<272xi32, #tpu.memory_space<vmem>>[vector<16xi32>], vector<16xi32>, vector<16xi1>
        %reduce_max3A_231 = arith.constant true
        %reduce_max3A_232 = vector.broadcast %reduce_max3A_231 : i1 to vector<16xi1>
        %reduce_max3A_233 = arith.constant -2147483648 : i32
        %reduce_max3A_234 = vector.broadcast %reduce_max3A_233 : i32 to vector<16xi32>
        %reduce_max3A_235 = arith.xori %masked_cumsum3A_218, %reduce_max3A_234 : vector<16xi32>
        %reduce_max3A_236 = tpu.scan <max>, %reduce_max3A_235 masked %reduce_max3A_232 : vector<16xi32>, vector<16xi1> -> vector<16xi32>
        %reduce_max3A_237 = arith.xori %reduce_max3A_236, %reduce_max3A_234 : vector<16xi32>
        %reduce_max3A_238 = vector.extract %reduce_max3A_237[15] : i32 from vector<16xi32>
        %add3A_239 = arith.addi %min3A_209, %reduce_max3A_238 : i32
        %min3A_240 = arith.constant 256 : i32
        %min3A_241 = arith.minsi %add3A_239, %min3A_240 : i32
        %get3A_242 = arith.index_cast %while3A_155 : i32 to index
        %get3A_243 = arith.index_cast %select_n3A_180 : i32 to index
        %get3A_244 = arith.constant 32 : index
        %get3A_245 = tpu.vector_load %arg12[%get3A_242, %get3A_243, %get3A_244] {strides = array<i32>} : memref<16x8x91xf32, #tpu.memory_space<vmem>>, vector<16xf32>,
        %ge3A_246 = arith.cmpf oge, %get3A_245, %get3A_38 : vector<16xf32>
        %convert_element_type3A_247 = arith.extui %ge3A_246 : vector<16xi1> to vector<16xi32>
        %broadcast_in_dim3A_248 = arith.constant true
        %broadcast_in_dim3A_249 = vector.broadcast %broadcast_in_dim3A_248 : i1 to vector<16xi1>
        %masked_cumsum3A_250 = tpu.scan <sum>, %convert_element_type3A_247 masked %broadcast_in_dim3A_249 : vector<16xi32>, vector<16xi1> -> vector<16xi32>
        %add3A_251 = vector.broadcast %min3A_241 : i32 to vector<16xi32>
        %add3A_252 = arith.addi %add3A_251, %masked_cumsum3A_250 : vector<16xi32>
        %sub3A_253 = arith.constant 1 : i32
        %sub3A_254 = vector.broadcast %sub3A_253 : i32 to vector<16xi32>
        %sub3A_255 = arith.subi %add3A_252, %sub3A_254 : vector<16xi32>
        tpu.vector_store_idx %arg13[%sub3A_255], %get3A_245 masked %ge3A_246 : memref<272xf32, #tpu.memory_space<vmem>>[vector<16xi32>], vector<16xf32>, vector<16xi1>
        %mul3A_256 = arith.constant 91 : i32
        %mul3A_257 = vector.broadcast %mul3A_256 : i32 to vector<16xi32>
        %mul3A_258 = arith.muli %gather3A, %mul3A_257 : vector<16xi32>
        %add3A_259 = arith.constant 32 : i32
        %add3A_260 = vector.broadcast %add3A_259 : i32 to vector<16xi32>
        %add3A_261 = arith.addi %iota3A, %add3A_260 : vector<16xi32>
        %add3A_262 = arith.addi %mul3A_258, %add3A_261 : vector<16xi32>
        tpu.vector_store_idx %arg14[%sub3A_255], %add3A_262 masked %ge3A_246 : memref<272xi32, #tpu.memory_space<vmem>>[vector<16xi32>], vector<16xi32>, vector<16xi1>
        %reduce_max3A_263 = arith.constant true
        %reduce_max3A_264 = vector.broadcast %reduce_max3A_263 : i1 to vector<16xi1>
        %reduce_max3A_265 = arith.constant -2147483648 : i32
        %reduce_max3A_266 = vector.broadcast %reduce_max3A_265 : i32 to vector<16xi32>
        %reduce_max3A_267 = arith.xori %masked_cumsum3A_250, %reduce_max3A_266 : vector<16xi32>
        %reduce_max3A_268 = tpu.scan <max>, %reduce_max3A_267 masked %reduce_max3A_264 : vector<16xi32>, vector<16xi1> -> vector<16xi32>
        %reduce_max3A_269 = arith.xori %reduce_max3A_268, %reduce_max3A_266 : vector<16xi32>
        %reduce_max3A_270 = vector.extract %reduce_max3A_269[15] : i32 from vector<16xi32>
        %add3A_271 = arith.addi %min3A_241, %reduce_max3A_270 : i32
        %min3A_272 = arith.constant 256 : i32
        %min3A_273 = arith.minsi %add3A_271, %min3A_272 : i32
        %get3A_274 = arith.index_cast %while3A_155 : i32 to index
        %get3A_275 = arith.index_cast %select_n3A_180 : i32 to index
        %get3A_276 = arith.constant 48 : index
        %get3A_277 = tpu.vector_load %arg12[%get3A_274, %get3A_275, %get3A_276] {strides = array<i32>} : memref<16x8x91xf32, #tpu.memory_space<vmem>>, vector<16xf32>,
        %ge3A_278 = arith.cmpf oge, %get3A_277, %get3A_38 : vector<16xf32>
        %convert_element_type3A_279 = arith.extui %ge3A_278 : vector<16xi1> to vector<16xi32>
        %broadcast_in_dim3A_280 = arith.constant true
        %broadcast_in_dim3A_281 = vector.broadcast %broadcast_in_dim3A_280 : i1 to vector<16xi1>
        %masked_cumsum3A_282 = tpu.scan <sum>, %convert_element_type3A_279 masked %broadcast_in_dim3A_281 : vector<16xi32>, vector<16xi1> -> vector<16xi32>
        %add3A_283 = vector.broadcast %min3A_273 : i32 to vector<16xi32>
        %add3A_284 = arith.addi %add3A_283, %masked_cumsum3A_282 : vector<16xi32>
        %sub3A_285 = arith.constant 1 : i32
        %sub3A_286 = vector.broadcast %sub3A_285 : i32 to vector<16xi32>
        %sub3A_287 = arith.subi %add3A_284, %sub3A_286 : vector<16xi32>
        tpu.vector_store_idx %arg13[%sub3A_287], %get3A_277 masked %ge3A_278 : memref<272xf32, #tpu.memory_space<vmem>>[vector<16xi32>], vector<16xf32>, vector<16xi1>
        %mul3A_288 = arith.constant 91 : i32
        %mul3A_289 = vector.broadcast %mul3A_288 : i32 to vector<16xi32>
        %mul3A_290 = arith.muli %gather3A, %mul3A_289 : vector<16xi32>
        %add3A_291 = arith.constant 48 : i32
        %add3A_292 = vector.broadcast %add3A_291 : i32 to vector<16xi32>
        %add3A_293 = arith.addi %iota3A, %add3A_292 : vector<16xi32>
        %add3A_294 = arith.addi %mul3A_290, %add3A_293 : vector<16xi32>
        tpu.vector_store_idx %arg14[%sub3A_287], %add3A_294 masked %ge3A_278 : memref<272xi32, #tpu.memory_space<vmem>>[vector<16xi32>], vector<16xi32>, vector<16xi1>
        %reduce_max3A_295 = arith.constant true
        %reduce_max3A_296 = vector.broadcast %reduce_max3A_295 : i1 to vector<16xi1>
        %reduce_max3A_297 = arith.constant -2147483648 : i32
        %reduce_max3A_298 = vector.broadcast %reduce_max3A_297 : i32 to vector<16xi32>
        %reduce_max3A_299 = arith.xori %masked_cumsum3A_282, %reduce_max3A_298 : vector<16xi32>
        %reduce_max3A_300 = tpu.scan <max>, %reduce_max3A_299 masked %reduce_max3A_296 : vector<16xi32>, vector<16xi1> -> vector<16xi32>
        %reduce_max3A_301 = arith.xori %reduce_max3A_300, %reduce_max3A_298 : vector<16xi32>
        %reduce_max3A_302 = vector.extract %reduce_max3A_301[15] : i32 from vector<16xi32>
        %add3A_303 = arith.addi %min3A_273, %reduce_max3A_302 : i32
        %min3A_304 = arith.constant 256 : i32
        %min3A_305 = arith.minsi %add3A_303, %min3A_304 : i32
        %get3A_306 = arith.index_cast %while3A_155 : i32 to index
        %get3A_307 = arith.index_cast %select_n3A_180 : i32 to index
        %get3A_308 = arith.constant 64 : index
        %get3A_309 = tpu.vector_load %arg12[%get3A_306, %get3A_307, %get3A_308] {strides = array<i32>} : memref<16x8x91xf32, #tpu.memory_space<vmem>>, vector<16xf32>,
        %ge3A_310 = arith.cmpf oge, %get3A_309, %get3A_38 : vector<16xf32>
        %convert_element_type3A_311 = arith.extui %ge3A_310 : vector<16xi1> to vector<16xi32>
        %broadcast_in_dim3A_312 = arith.constant true
        %broadcast_in_dim3A_313 = vector.broadcast %broadcast_in_dim3A_312 : i1 to vector<16xi1>
        %masked_cumsum3A_314 = tpu.scan <sum>, %convert_element_type3A_311 masked %broadcast_in_dim3A_313 : vector<16xi32>, vector<16xi1> -> vector<16xi32>
        %add3A_315 = vector.broadcast %min3A_305 : i32 to vector<16xi32>
        %add3A_316 = arith.addi %add3A_315, %masked_cumsum3A_314 : vector<16xi32>
        %sub3A_317 = arith.constant 1 : i32
        %sub3A_318 = vector.broadcast %sub3A_317 : i32 to vector<16xi32>
        %sub3A_319 = arith.subi %add3A_316, %sub3A_318 : vector<16xi32>
        tpu.vector_store_idx %arg13[%sub3A_319], %get3A_309 masked %ge3A_310 : memref<272xf32, #tpu.memory_space<vmem>>[vector<16xi32>], vector<16xf32>, vector<16xi1>
        %mul3A_320 = arith.constant 91 : i32
        %mul3A_321 = vector.broadcast %mul3A_320 : i32 to vector<16xi32>
        %mul3A_322 = arith.muli %gather3A, %mul3A_321 : vector<16xi32>
        %add3A_323 = arith.constant 64 : i32
        %add3A_324 = vector.broadcast %add3A_323 : i32 to vector<16xi32>
        %add3A_325 = arith.addi %iota3A, %add3A_324 : vector<16xi32>
        %add3A_326 = arith.addi %mul3A_322, %add3A_325 : vector<16xi32>
        tpu.vector_store_idx %arg14[%sub3A_319], %add3A_326 masked %ge3A_310 : memref<272xi32, #tpu.memory_space<vmem>>[vector<16xi32>], vector<16xi32>, vector<16xi1>
        %reduce_max3A_327 = arith.constant true
        %reduce_max3A_328 = vector.broadcast %reduce_max3A_327 : i1 to vector<16xi1>
        %reduce_max3A_329 = arith.constant -2147483648 : i32
        %reduce_max3A_330 = vector.broadcast %reduce_max3A_329 : i32 to vector<16xi32>
        %reduce_max3A_331 = arith.xori %masked_cumsum3A_314, %reduce_max3A_330 : vector<16xi32>
        %reduce_max3A_332 = tpu.scan <max>, %reduce_max3A_331 masked %reduce_max3A_328 : vector<16xi32>, vector<16xi1> -> vector<16xi32>
        %reduce_max3A_333 = arith.xori %reduce_max3A_332, %reduce_max3A_330 : vector<16xi32>
        %reduce_max3A_334 = vector.extract %reduce_max3A_333[15] : i32 from vector<16xi32>
        %add3A_335 = arith.addi %min3A_305, %reduce_max3A_334 : i32
        %min3A_336 = arith.constant 256 : i32
        %min3A_337 = arith.minsi %add3A_335, %min3A_336 : i32
        %get3A_338 = arith.index_cast %while3A_155 : i32 to index
        %get3A_339 = arith.index_cast %select_n3A_180 : i32 to index
        %get3A_340 = arith.constant 75 : index
        %get3A_341 = tpu.vector_load %arg12[%get3A_338, %get3A_339, %get3A_340] {strides = array<i32>} : memref<16x8x91xf32, #tpu.memory_space<vmem>>, vector<16xf32>,
        %ge3A_342 = arith.cmpf oge, %get3A_341, %get3A_38 : vector<16xf32>
        %ge3A_343 = arith.constant 5 : i32
        %ge3A_344 = vector.broadcast %ge3A_343 : i32 to vector<16xi32>
        %ge3A_345 = arith.cmpi sge, %iota3A, %ge3A_344 : vector<16xi32>
        %and3A_346 = arith.andi %ge3A_342, %ge3A_345 : vector<16xi1>
        %convert_element_type3A_347 = arith.extui %and3A_346 : vector<16xi1> to vector<16xi32>
        %broadcast_in_dim3A_348 = arith.constant true
        %broadcast_in_dim3A_349 = vector.broadcast %broadcast_in_dim3A_348 : i1 to vector<16xi1>
        %masked_cumsum3A_350 = tpu.scan <sum>, %convert_element_type3A_347 masked %broadcast_in_dim3A_349 : vector<16xi32>, vector<16xi1> -> vector<16xi32>
        %add3A_351 = vector.broadcast %min3A_337 : i32 to vector<16xi32>
        %add3A_352 = arith.addi %add3A_351, %masked_cumsum3A_350 : vector<16xi32>
        %sub3A_353 = arith.constant 1 : i32
        %sub3A_354 = vector.broadcast %sub3A_353 : i32 to vector<16xi32>
        %sub3A_355 = arith.subi %add3A_352, %sub3A_354 : vector<16xi32>
        tpu.vector_store_idx %arg13[%sub3A_355], %get3A_341 masked %and3A_346 : memref<272xf32, #tpu.memory_space<vmem>>[vector<16xi32>], vector<16xf32>, vector<16xi1>
        %mul3A_356 = arith.constant 91 : i32
        %mul3A_357 = vector.broadcast %mul3A_356 : i32 to vector<16xi32>
        %mul3A_358 = arith.muli %gather3A, %mul3A_357 : vector<16xi32>
        %add3A_359 = arith.constant 75 : i32
        %add3A_360 = vector.broadcast %add3A_359 : i32 to vector<16xi32>
        %add3A_361 = arith.addi %iota3A, %add3A_360 : vector<16xi32>
        %add3A_362 = arith.addi %mul3A_358, %add3A_361 : vector<16xi32>
        tpu.vector_store_idx %arg14[%sub3A_355], %add3A_362 masked %and3A_346 : memref<272xi32, #tpu.memory_space<vmem>>[vector<16xi32>], vector<16xi32>, vector<16xi1>
        %reduce_max3A_363 = arith.constant true
        %reduce_max3A_364 = vector.broadcast %reduce_max3A_363 : i1 to vector<16xi1>
        %reduce_max3A_365 = arith.constant -2147483648 : i32
        %reduce_max3A_366 = vector.broadcast %reduce_max3A_365 : i32 to vector<16xi32>
        %reduce_max3A_367 = arith.xori %masked_cumsum3A_350, %reduce_max3A_366 : vector<16xi32>
        %reduce_max3A_368 = tpu.scan <max>, %reduce_max3A_367 masked %reduce_max3A_364 : vector<16xi32>, vector<16xi1> -> vector<16xi32>
        %reduce_max3A_369 = arith.xori %reduce_max3A_368, %reduce_max3A_366 : vector<16xi32>
        %reduce_max3A_370 = vector.extract %reduce_max3A_369[15] : i32 from vector<16xi32>
        %add3A_371 = arith.addi %min3A_337, %reduce_max3A_370 : i32
        %min3A_372 = arith.constant 256 : i32
        %min3A_373 = arith.minsi %add3A_371, %min3A_372 : i32
        scf.yield %min3A_373 : i32
      }
      %while3A_153 = arith.constant 1 : i32
      %while3A_154 = scf.for %while3A_155 = %while3A_150 to %while3A_146 step %while3A_153 iter_args(%while3A_156 = %while3A_152) -> (i32)  : i32 {
        %add3A_157 = arith.addi %mul3A_117, %while3A_155 : i32
        %broadcast_in_dim3A = vector.broadcast %add3A_157 : i32 to vector<16xi32>
        %gather3A = tpu.vector_load_idx %arg11[%broadcast_in_dim3A] : memref<272xi32, #tpu.memory_space<vmem>>[vector<16xi32>], vector<16xi32>,
        %reduce_max3A = arith.constant true
        %reduce_max3A_158 = vector.broadcast %reduce_max3A : i1 to vector<16xi1>
        %reduce_max3A_159 = arith.constant -2147483648 : i32
        %reduce_max3A_160 = vector.broadcast %reduce_max3A_159 : i32 to vector<16xi32>
        %reduce_max3A_161 = arith.xori %gather3A, %reduce_max3A_160 : vector<16xi32>
        %reduce_max3A_162 = tpu.scan <max>, %reduce_max3A_161 masked %reduce_max3A_158 : vector<16xi32>, vector<16xi1> -> vector<16xi32>
        %reduce_max3A_163 = arith.xori %reduce_max3A_162, %reduce_max3A_160 : vector<16xi32>
        %reduce_max3A_164 = vector.extract %reduce_max3A_163[15] : i32 from vector<16xi32>
        %jit3A_165 = arith.constant 8 : i32
        %eq3A_166 = arith.constant 0 : i32
        %eq3A_167 = arith.cmpi eq, %jit3A_165, %eq3A_166 : i32
        %jit3A_168 = arith.constant 1 : i32
        %select_n3A_169 = arith.select %eq3A_167, %jit3A_168, %jit3A_165 : i32
        %rem3A_170 = arith.remsi %reduce_max3A_164, %select_n3A_169 : i32
        %ne3A_171 = arith.constant 0 : i32
        %ne3A_172 = arith.cmpi ne, %rem3A_170, %ne3A_171 : i32
        %lt3A_173 = arith.constant 0 : i32
        %lt3A_174 = arith.cmpi slt, %rem3A_170, %lt3A_173 : i32
        %lt3A_175 = arith.constant 0 : i32
        %lt3A_176 = arith.cmpi slt, %select_n3A_169, %lt3A_175 : i32
        %ne3A_177 = arith.xori %lt3A_174, %lt3A_176 : i1
        %and3A_178 = arith.andi %ne3A_177, %ne3A_172 : i1
        %add3A_179 = arith.addi %rem3A_170, %select_n3A_169 : i32
        %select_n3A_180 = arith.select %and3A_178, %add3A_179, %rem3A_170 : i32
        %get3A_181 = arith.index_cast %while3A_155 : i32 to index
        %get3A_182 = arith.index_cast %select_n3A_180 : i32 to index
        %get3A_183 = arith.constant 0 : index
        %get3A_184 = tpu.vector_load %arg12[%get3A_181, %get3A_182, %get3A_183] {strides = array<i32>} : memref<16x8x91xf32, #tpu.memory_space<vmem>>, vector<16xf32>,
        %ge3A = arith.cmpf oge, %get3A_184, %get3A_38 : vector<16xf32>
        %convert_element_type3A = arith.extui %ge3A : vector<16xi1> to vector<16xi32>
        %broadcast_in_dim3A_185 = arith.constant true
        %broadcast_in_dim3A_186 = vector.broadcast %broadcast_in_dim3A_185 : i1 to vector<16xi1>
        %masked_cumsum3A = tpu.scan <sum>, %convert_element_type3A masked %broadcast_in_dim3A_186 : vector<16xi32>, vector<16xi1> -> vector<16xi32>
        %add3A_187 = vector.broadcast %while3A_156 : i32 to vector<16xi32>
        %add3A_188 = arith.addi %add3A_187, %masked_cumsum3A : vector<16xi32>
        %sub3A_189 = arith.constant 1 : i32
        %sub3A_190 = vector.broadcast %sub3A_189 : i32 to vector<16xi32>
        %sub3A_191 = arith.subi %add3A_188, %sub3A_190 : vector<16xi32>
        tpu.vector_store_idx %arg13[%sub3A_191], %get3A_184 masked %ge3A : memref<272xf32, #tpu.memory_space<vmem>>[vector<16xi32>], vector<16xf32>, vector<16xi1>
        %mul3A_192 = arith.constant 91 : i32
        %mul3A_193 = vector.broadcast %mul3A_192 : i32 to vector<16xi32>
        %mul3A_194 = arith.muli %gather3A, %mul3A_193 : vector<16xi32>
        %add3A_195 = arith.constant 0 : i32
        %add3A_196 = vector.broadcast %add3A_195 : i32 to vector<16xi32>
        %add3A_197 = arith.addi %iota3A, %add3A_196 : vector<16xi32>
        %add3A_198 = arith.addi %mul3A_194, %add3A_197 : vector<16xi32>
        tpu.vector_store_idx %arg14[%sub3A_191], %add3A_198 masked %ge3A : memref<272xi32, #tpu.memory_space<vmem>>[vector<16xi32>], vector<16xi32>, vector<16xi1>
        %reduce_max3A_199 = arith.constant true
        %reduce_max3A_200 = vector.broadcast %reduce_max3A_199 : i1 to vector<16xi1>
        %reduce_max3A_201 = arith.constant -2147483648 : i32
        %reduce_max3A_202 = vector.broadcast %reduce_max3A_201 : i32 to vector<16xi32>
        %reduce_max3A_203 = arith.xori %masked_cumsum3A, %reduce_max3A_202 : vector<16xi32>
        %reduce_max3A_204 = tpu.scan <max>, %reduce_max3A_203 masked %reduce_max3A_200 : vector<16xi32>, vector<16xi1> -> vector<16xi32>
        %reduce_max3A_205 = arith.xori %reduce_max3A_204, %reduce_max3A_202 : vector<16xi32>
        %reduce_max3A_206 = vector.extract %reduce_max3A_205[15] : i32 from vector<16xi32>
        %add3A_207 = arith.addi %while3A_156, %reduce_max3A_206 : i32
        %min3A_208 = arith.constant 256 : i32
        %min3A_209 = arith.minsi %add3A_207, %min3A_208 : i32
        %get3A_210 = arith.index_cast %while3A_155 : i32 to index
        %get3A_211 = arith.index_cast %select_n3A_180 : i32 to index
        %get3A_212 = arith.constant 16 : index
        %get3A_213 = tpu.vector_load %arg12[%get3A_210, %get3A_211, %get3A_212] {strides = array<i32>} : memref<16x8x91xf32, #tpu.memory_space<vmem>>, vector<16xf32>,
        %ge3A_214 = arith.cmpf oge, %get3A_213, %get3A_38 : vector<16xf32>
        %convert_element_type3A_215 = arith.extui %ge3A_214 : vector<16xi1> to vector<16xi32>
        %broadcast_in_dim3A_216 = arith.constant true
        %broadcast_in_dim3A_217 = vector.broadcast %broadcast_in_dim3A_216 : i1 to vector<16xi1>
        %masked_cumsum3A_218 = tpu.scan <sum>, %convert_element_type3A_215 masked %broadcast_in_dim3A_217 : vector<16xi32>, vector<16xi1> -> vector<16xi32>
        %add3A_219 = vector.broadcast %min3A_209 : i32 to vector<16xi32>
        %add3A_220 = arith.addi %add3A_219, %masked_cumsum3A_218 : vector<16xi32>
        %sub3A_221 = arith.constant 1 : i32
        %sub3A_222 = vector.broadcast %sub3A_221 : i32 to vector<16xi32>
        %sub3A_223 = arith.subi %add3A_220, %sub3A_222 : vector<16xi32>
        tpu.vector_store_idx %arg13[%sub3A_223], %get3A_213 masked %ge3A_214 : memref<272xf32, #tpu.memory_space<vmem>>[vector<16xi32>], vector<16xf32>, vector<16xi1>
        %mul3A_224 = arith.constant 91 : i32
        %mul3A_225 = vector.broadcast %mul3A_224 : i32 to vector<16xi32>
        %mul3A_226 = arith.muli %gather3A, %mul3A_225 : vector<16xi32>
        %add3A_227 = arith.constant 16 : i32
        %add3A_228 = vector.broadcast %add3A_227 : i32 to vector<16xi32>
        %add3A_229 = arith.addi %iota3A, %add3A_228 : vector<16xi32>
        %add3A_230 = arith.addi %mul3A_226, %add3A_229 : vector<16xi32>
        tpu.vector_store_idx %arg14[%sub3A_223], %add3A_230 masked %ge3A_214 : memref<272xi32, #tpu.memory_space<vmem>>[vector<16xi32>], vector<16xi32>, vector<16xi1>
        %reduce_max3A_231 = arith.constant true
        %reduce_max3A_232 = vector.broadcast %reduce_max3A_231 : i1 to vector<16xi1>
        %reduce_max3A_233 = arith.constant -2147483648 : i32
        %reduce_max3A_234 = vector.broadcast %reduce_max3A_233 : i32 to vector<16xi32>
        %reduce_max3A_235 = arith.xori %masked_cumsum3A_218, %reduce_max3A_234 : vector<16xi32>
        %reduce_max3A_236 = tpu.scan <max>, %reduce_max3A_235 masked %reduce_max3A_232 : vector<16xi32>, vector<16xi1> -> vector<16xi32>
        %reduce_max3A_237 = arith.xori %reduce_max3A_236, %reduce_max3A_234 : vector<16xi32>
        %reduce_max3A_238 = vector.extract %reduce_max3A_237[15] : i32 from vector<16xi32>
        %add3A_239 = arith.addi %min3A_209, %reduce_max3A_238 : i32
        %min3A_240 = arith.constant 256 : i32
        %min3A_241 = arith.minsi %add3A_239, %min3A_240 : i32
        %get3A_242 = arith.index_cast %while3A_155 : i32 to index
        %get3A_243 = arith.index_cast %select_n3A_180 : i32 to index
        %get3A_244 = arith.constant 32 : index
        %get3A_245 = tpu.vector_load %arg12[%get3A_242, %get3A_243, %get3A_244] {strides = array<i32>} : memref<16x8x91xf32, #tpu.memory_space<vmem>>, vector<16xf32>,
        %ge3A_246 = arith.cmpf oge, %get3A_245, %get3A_38 : vector<16xf32>
        %convert_element_type3A_247 = arith.extui %ge3A_246 : vector<16xi1> to vector<16xi32>
        %broadcast_in_dim3A_248 = arith.constant true
        %broadcast_in_dim3A_249 = vector.broadcast %broadcast_in_dim3A_248 : i1 to vector<16xi1>
        %masked_cumsum3A_250 = tpu.scan <sum>, %convert_element_type3A_247 masked %broadcast_in_dim3A_249 : vector<16xi32>, vector<16xi1> -> vector<16xi32>
        %add3A_251 = vector.broadcast %min3A_241 : i32 to vector<16xi32>
        %add3A_252 = arith.addi %add3A_251, %masked_cumsum3A_250 : vector<16xi32>
        %sub3A_253 = arith.constant 1 : i32
        %sub3A_254 = vector.broadcast %sub3A_253 : i32 to vector<16xi32>
        %sub3A_255 = arith.subi %add3A_252, %sub3A_254 : vector<16xi32>
        tpu.vector_store_idx %arg13[%sub3A_255], %get3A_245 masked %ge3A_246 : memref<272xf32, #tpu.memory_space<vmem>>[vector<16xi32>], vector<16xf32>, vector<16xi1>
        %mul3A_256 = arith.constant 91 : i32
        %mul3A_257 = vector.broadcast %mul3A_256 : i32 to vector<16xi32>
        %mul3A_258 = arith.muli %gather3A, %mul3A_257 : vector<16xi32>
        %add3A_259 = arith.constant 32 : i32
        %add3A_260 = vector.broadcast %add3A_259 : i32 to vector<16xi32>
        %add3A_261 = arith.addi %iota3A, %add3A_260 : vector<16xi32>
        %add3A_262 = arith.addi %mul3A_258, %add3A_261 : vector<16xi32>
        tpu.vector_store_idx %arg14[%sub3A_255], %add3A_262 masked %ge3A_246 : memref<272xi32, #tpu.memory_space<vmem>>[vector<16xi32>], vector<16xi32>, vector<16xi1>
        %reduce_max3A_263 = arith.constant true
        %reduce_max3A_264 = vector.broadcast %reduce_max3A_263 : i1 to vector<16xi1>
        %reduce_max3A_265 = arith.constant -2147483648 : i32
        %reduce_max3A_266 = vector.broadcast %reduce_max3A_265 : i32 to vector<16xi32>
        %reduce_max3A_267 = arith.xori %masked_cumsum3A_250, %reduce_max3A_266 : vector<16xi32>
        %reduce_max3A_268 = tpu.scan <max>, %reduce_max3A_267 masked %reduce_max3A_264 : vector<16xi32>, vector<16xi1> -> vector<16xi32>
        %reduce_max3A_269 = arith.xori %reduce_max3A_268, %reduce_max3A_266 : vector<16xi32>
        %reduce_max3A_270 = vector.extract %reduce_max3A_269[15] : i32 from vector<16xi32>
        %add3A_271 = arith.addi %min3A_241, %reduce_max3A_270 : i32
        %min3A_272 = arith.constant 256 : i32
        %min3A_273 = arith.minsi %add3A_271, %min3A_272 : i32
        %get3A_274 = arith.index_cast %while3A_155 : i32 to index
        %get3A_275 = arith.index_cast %select_n3A_180 : i32 to index
        %get3A_276 = arith.constant 48 : index
        %get3A_277 = tpu.vector_load %arg12[%get3A_274, %get3A_275, %get3A_276] {strides = array<i32>} : memref<16x8x91xf32, #tpu.memory_space<vmem>>, vector<16xf32>,
        %ge3A_278 = arith.cmpf oge, %get3A_277, %get3A_38 : vector<16xf32>
        %convert_element_type3A_279 = arith.extui %ge3A_278 : vector<16xi1> to vector<16xi32>
        %broadcast_in_dim3A_280 = arith.constant true
        %broadcast_in_dim3A_281 = vector.broadcast %broadcast_in_dim3A_280 : i1 to vector<16xi1>
        %masked_cumsum3A_282 = tpu.scan <sum>, %convert_element_type3A_279 masked %broadcast_in_dim3A_281 : vector<16xi32>, vector<16xi1> -> vector<16xi32>
        %add3A_283 = vector.broadcast %min3A_273 : i32 to vector<16xi32>
        %add3A_284 = arith.addi %add3A_283, %masked_cumsum3A_282 : vector<16xi32>
        %sub3A_285 = arith.constant 1 : i32
        %sub3A_286 = vector.broadcast %sub3A_285 : i32 to vector<16xi32>
        %sub3A_287 = arith.subi %add3A_284, %sub3A_286 : vector<16xi32>
        tpu.vector_store_idx %arg13[%sub3A_287], %get3A_277 masked %ge3A_278 : memref<272xf32, #tpu.memory_space<vmem>>[vector<16xi32>], vector<16xf32>, vector<16xi1>
        %mul3A_288 = arith.constant 91 : i32
        %mul3A_289 = vector.broadcast %mul3A_288 : i32 to vector<16xi32>
        %mul3A_290 = arith.muli %gather3A, %mul3A_289 : vector<16xi32>
        %add3A_291 = arith.constant 48 : i32
        %add3A_292 = vector.broadcast %add3A_291 : i32 to vector<16xi32>
        %add3A_293 = arith.addi %iota3A, %add3A_292 : vector<16xi32>
        %add3A_294 = arith.addi %mul3A_290, %add3A_293 : vector<16xi32>
        tpu.vector_store_idx %arg14[%sub3A_287], %add3A_294 masked %ge3A_278 : memref<272xi32, #tpu.memory_space<vmem>>[vector<16xi32>], vector<16xi32>, vector<16xi1>
        %reduce_max3A_295 = arith.constant true
        %reduce_max3A_296 = vector.broadcast %reduce_max3A_295 : i1 to vector<16xi1>
        %reduce_max3A_297 = arith.constant -2147483648 : i32
        %reduce_max3A_298 = vector.broadcast %reduce_max3A_297 : i32 to vector<16xi32>
        %reduce_max3A_299 = arith.xori %masked_cumsum3A_282, %reduce_max3A_298 : vector<16xi32>
        %reduce_max3A_300 = tpu.scan <max>, %reduce_max3A_299 masked %reduce_max3A_296 : vector<16xi32>, vector<16xi1> -> vector<16xi32>
        %reduce_max3A_301 = arith.xori %reduce_max3A_300, %reduce_max3A_298 : vector<16xi32>
        %reduce_max3A_302 = vector.extract %reduce_max3A_301[15] : i32 from vector<16xi32>
        %add3A_303 = arith.addi %min3A_273, %reduce_max3A_302 : i32
        %min3A_304 = arith.constant 256 : i32
        %min3A_305 = arith.minsi %add3A_303, %min3A_304 : i32
        %get3A_306 = arith.index_cast %while3A_155 : i32 to index
        %get3A_307 = arith.index_cast %select_n3A_180 : i32 to index
        %get3A_308 = arith.constant 64 : index
        %get3A_309 = tpu.vector_load %arg12[%get3A_306, %get3A_307, %get3A_308] {strides = array<i32>} : memref<16x8x91xf32, #tpu.memory_space<vmem>>, vector<16xf32>,
        %ge3A_310 = arith.cmpf oge, %get3A_309, %get3A_38 : vector<16xf32>
        %convert_element_type3A_311 = arith.extui %ge3A_310 : vector<16xi1> to vector<16xi32>
        %broadcast_in_dim3A_312 = arith.constant true
        %broadcast_in_dim3A_313 = vector.broadcast %broadcast_in_dim3A_312 : i1 to vector<16xi1>
        %masked_cumsum3A_314 = tpu.scan <sum>, %convert_element_type3A_311 masked %broadcast_in_dim3A_313 : vector<16xi32>, vector<16xi1> -> vector<16xi32>
        %add3A_315 = vector.broadcast %min3A_305 : i32 to vector<16xi32>
        %add3A_316 = arith.addi %add3A_315, %masked_cumsum3A_314 : vector<16xi32>
        %sub3A_317 = arith.constant 1 : i32
        %sub3A_318 = vector.broadcast %sub3A_317 : i32 to vector<16xi32>
        %sub3A_319 = arith.subi %add3A_316, %sub3A_318 : vector<16xi32>
        tpu.vector_store_idx %arg13[%sub3A_319], %get3A_309 masked %ge3A_310 : memref<272xf32, #tpu.memory_space<vmem>>[vector<16xi32>], vector<16xf32>, vector<16xi1>
        %mul3A_320 = arith.constant 91 : i32
        %mul3A_321 = vector.broadcast %mul3A_320 : i32 to vector<16xi32>
        %mul3A_322 = arith.muli %gather3A, %mul3A_321 : vector<16xi32>
        %add3A_323 = arith.constant 64 : i32
        %add3A_324 = vector.broadcast %add3A_323 : i32 to vector<16xi32>
        %add3A_325 = arith.addi %iota3A, %add3A_324 : vector<16xi32>
        %add3A_326 = arith.addi %mul3A_322, %add3A_325 : vector<16xi32>
        tpu.vector_store_idx %arg14[%sub3A_319], %add3A_326 masked %ge3A_310 : memref<272xi32, #tpu.memory_space<vmem>>[vector<16xi32>], vector<16xi32>, vector<16xi1>
        %reduce_max3A_327 = arith.constant true
        %reduce_max3A_328 = vector.broadcast %reduce_max3A_327 : i1 to vector<16xi1>
        %reduce_max3A_329 = arith.constant -2147483648 : i32
        %reduce_max3A_330 = vector.broadcast %reduce_max3A_329 : i32 to vector<16xi32>
        %reduce_max3A_331 = arith.xori %masked_cumsum3A_314, %reduce_max3A_330 : vector<16xi32>
        %reduce_max3A_332 = tpu.scan <max>, %reduce_max3A_331 masked %reduce_max3A_328 : vector<16xi32>, vector<16xi1> -> vector<16xi32>
        %reduce_max3A_333 = arith.xori %reduce_max3A_332, %reduce_max3A_330 : vector<16xi32>
        %reduce_max3A_334 = vector.extract %reduce_max3A_333[15] : i32 from vector<16xi32>
        %add3A_335 = arith.addi %min3A_305, %reduce_max3A_334 : i32
        %min3A_336 = arith.constant 256 : i32
        %min3A_337 = arith.minsi %add3A_335, %min3A_336 : i32
        %get3A_338 = arith.index_cast %while3A_155 : i32 to index
        %get3A_339 = arith.index_cast %select_n3A_180 : i32 to index
        %get3A_340 = arith.constant 75 : index
        %get3A_341 = tpu.vector_load %arg12[%get3A_338, %get3A_339, %get3A_340] {strides = array<i32>} : memref<16x8x91xf32, #tpu.memory_space<vmem>>, vector<16xf32>,
        %ge3A_342 = arith.cmpf oge, %get3A_341, %get3A_38 : vector<16xf32>
        %ge3A_343 = arith.constant 5 : i32
        %ge3A_344 = vector.broadcast %ge3A_343 : i32 to vector<16xi32>
        %ge3A_345 = arith.cmpi sge, %iota3A, %ge3A_344 : vector<16xi32>
        %and3A_346 = arith.andi %ge3A_342, %ge3A_345 : vector<16xi1>
        %convert_element_type3A_347 = arith.extui %and3A_346 : vector<16xi1> to vector<16xi32>
        %broadcast_in_dim3A_348 = arith.constant true
        %broadcast_in_dim3A_349 = vector.broadcast %broadcast_in_dim3A_348 : i1 to vector<16xi1>
        %masked_cumsum3A_350 = tpu.scan <sum>, %convert_element_type3A_347 masked %broadcast_in_dim3A_349 : vector<16xi32>, vector<16xi1> -> vector<16xi32>
        %add3A_351 = vector.broadcast %min3A_337 : i32 to vector<16xi32>
        %add3A_352 = arith.addi %add3A_351, %masked_cumsum3A_350 : vector<16xi32>
        %sub3A_353 = arith.constant 1 : i32
        %sub3A_354 = vector.broadcast %sub3A_353 : i32 to vector<16xi32>
        %sub3A_355 = arith.subi %add3A_352, %sub3A_354 : vector<16xi32>
        tpu.vector_store_idx %arg13[%sub3A_355], %get3A_341 masked %and3A_346 : memref<272xf32, #tpu.memory_space<vmem>>[vector<16xi32>], vector<16xf32>, vector<16xi1>
        %mul3A_356 = arith.constant 91 : i32
        %mul3A_357 = vector.broadcast %mul3A_356 : i32 to vector<16xi32>
        %mul3A_358 = arith.muli %gather3A, %mul3A_357 : vector<16xi32>
        %add3A_359 = arith.constant 75 : i32
        %add3A_360 = vector.broadcast %add3A_359 : i32 to vector<16xi32>
        %add3A_361 = arith.addi %iota3A, %add3A_360 : vector<16xi32>
        %add3A_362 = arith.addi %mul3A_358, %add3A_361 : vector<16xi32>
        tpu.vector_store_idx %arg14[%sub3A_355], %add3A_362 masked %and3A_346 : memref<272xi32, #tpu.memory_space<vmem>>[vector<16xi32>], vector<16xi32>, vector<16xi1>
        %reduce_max3A_363 = arith.constant true
        %reduce_max3A_364 = vector.broadcast %reduce_max3A_363 : i1 to vector<16xi1>
        %reduce_max3A_365 = arith.constant -2147483648 : i32
        %reduce_max3A_366 = vector.broadcast %reduce_max3A_365 : i32 to vector<16xi32>
        %reduce_max3A_367 = arith.xori %masked_cumsum3A_350, %reduce_max3A_366 : vector<16xi32>
        %reduce_max3A_368 = tpu.scan <max>, %reduce_max3A_367 masked %reduce_max3A_364 : vector<16xi32>, vector<16xi1> -> vector<16xi32>
        %reduce_max3A_369 = arith.xori %reduce_max3A_368, %reduce_max3A_366 : vector<16xi32>
        %reduce_max3A_370 = vector.extract %reduce_max3A_369[15] : i32 from vector<16xi32>
        %add3A_371 = arith.addi %min3A_337, %reduce_max3A_370 : i32
        %min3A_372 = arith.constant 256 : i32
        %min3A_373 = arith.minsi %add3A_371, %min3A_372 : i32
        scf.yield %min3A_373 : i32
      }
      scf.yield %while3A_154 : i32
    }
    %scan3A_96 = arith.constant 0 : i32
    %scan3A_97 = arith.constant 0 : i32
    %scan3A_98 = arith.constant 16 : i32
    %scan3A_99 = arith.addi %scan3A_97, %scan3A_98 : i32
    %scan3A_100 = arith.constant 1 : i32
    %scan3A_101 = scf.for %scan3A_114 = %scan3A_97 to %scan3A_99 step %scan3A_100 iter_args(%scan3A_115 = %scan3A_96) -> (i32)  : i32 {
      %mul3A_116 = arith.constant 16 : i32
      %mul3A_117 = arith.muli %scan3A_114, %mul3A_116 : i32
      %get3A_118 = arith.index_cast %mul3A_117 : i32 to index
      %get3A_119 = tpu.vector_load %arg14[%get3A_118] {strides = array<i32>} : memref<272xi32, #tpu.memory_space<vmem>>, vector<16xi32>,
      %jit3A_120 = arith.constant 91 : i32
      %div3A_121 = vector.broadcast %jit3A_120 : i32 to vector<16xi32>
      %div3A_122 = arith.divsi %get3A_119, %div3A_121 : vector<16xi32>
      %sign3A_123 = arith.constant 0 : i32
      %sign3A_124 = vector.broadcast %sign3A_123 : i32 to vector<16xi32>
      %sign3A_125 = arith.cmpi sgt, %get3A_119, %sign3A_124 : vector<16xi32>
      %sign3A_126 = arith.extui %sign3A_125 : vector<16xi1> to vector<16xi32>
      %sign3A_127 = arith.constant 0 : i32
      %sign3A_128 = vector.broadcast %sign3A_127 : i32 to vector<16xi32>
      %sign3A_129 = arith.cmpi slt, %get3A_119, %sign3A_128 : vector<16xi32>
      %sign3A_130 = arith.extui %sign3A_129 : vector<16xi1> to vector<16xi32>
      %sign3A_131 = arith.subi %sign3A_126, %sign3A_130 : vector<16xi32>
      %sign3A_132 = arith.constant 0 : i32
      %sign3A_133 = arith.cmpi sgt, %jit3A_120, %sign3A_132 : i32
      %sign3A_134 = arith.extui %sign3A_133 : i1 to i32
      %sign3A_135 = arith.constant 0 : i32
      %sign3A_136 = arith.cmpi slt, %jit3A_120, %sign3A_135 : i32
      %sign3A_137 = arith.extui %sign3A_136 : i1 to i32
      %sign3A_138 = arith.subi %sign3A_134, %sign3A_137 : i32
      %ne3A_139 = vector.broadcast %sign3A_138 : i32 to vector<16xi32>
      %ne3A_140 = arith.cmpi ne, %sign3A_131, %ne3A_139 : vector<16xi32>
      %rem3A_141 = vector.broadcast %jit3A_120 : i32 to vector<16xi32>
      %rem3A_142 = arith.remsi %get3A_119, %rem3A_141 : vector<16xi32>
      %ne3A_143 = arith.constant 0 : i32
      %ne3A_144 = vector.broadcast %ne3A_143 : i32 to vector<16xi32>
      %ne3A_145 = arith.cmpi ne, %rem3A_142, %ne3A_144 : vector<16xi32>
      %and3A_146 = arith.andi %ne3A_140, %ne3A_145 : vector<16xi1>
      %sub3A_147 = arith.constant 1 : i32
      %sub3A_148 = vector.broadcast %sub3A_147 : i32 to vector<16xi32>
      %sub3A_149 = arith.subi %div3A_122, %sub3A_148 : vector<16xi32>
      %select_n3A_150 = arith.select %and3A_146, %sub3A_149, %div3A_122 : vector<16xi1>, vector<16xi32>
      %min3A = arith.constant 19999 : i32
      %min3A_151 = vector.broadcast %min3A : i32 to vector<16xi32>
      %min3A_152 = arith.minsi %select_n3A_150, %min3A_151 : vector<16xi32>
      %mul3A_153 = arith.constant 20000 : i32
      %mul3A_154 = arith.muli %select_n3A, %mul3A_153 : i32
      %add3A_155 = vector.broadcast %mul3A_154 : i32 to vector<16xi32>
      %add3A_156 = arith.addi %min3A_152, %add3A_155 : vector<16xi32>
      %mul3A_157 = arith.constant 4 : i32
      %mul3A_158 = vector.broadcast %mul3A_157 : i32 to vector<16xi32>
      %mul3A_159 = arith.muli %add3A_156, %mul3A_158 : vector<16xi32>
      %mul3A_160 = arith.constant 16 : i32
      %mul3A_161 = arith.muli %scan3A_114, %mul3A_160 : i32
      %swap3A = arith.index_cast %mul3A_161 : i32 to index
      %swap3A_162 = tpu.vector_load %arg15[%swap3A] {strides = array<i32>} : memref<256xi32, #tpu.memory_space<vmem>>, vector<16xi32>,
      tpu.vector_store %arg15[%swap3A], %mul3A_159 {strides = array<i32>} : memref<256xi32, #tpu.memory_space<vmem>>, vector<16xi32>,
      %scan3A_163 = arith.constant 0 : i32
      scf.yield %scan3A_163 : i32
    }
    %scan3A_102 = arith.constant 16 : i32
    %scan3A_103 = arith.constant 0 : i32
    %scan3A_104 = arith.constant 0 : i32
    %scan3A_105 = arith.constant 64 : i32
    %scan3A_106 = arith.addi %scan3A_104, %scan3A_105 : i32
    %scan3A_107 = arith.constant 1 : i32
    %scan3A_108 = scf.for %scan3A_114 = %scan3A_104 to %scan3A_106 step %scan3A_107 iter_args(%scan3A_115 = %scan3A_103) -> (i32)  : i32 {
      %mul3A_116 = arith.constant 16 : i32
      %mul3A_117 = arith.muli %scan3A_114, %mul3A_116 : i32
      %add3A_118 = vector.broadcast %mul3A_117 : i32 to vector<16xi32>
      %add3A_119 = arith.addi %iota3A, %add3A_118 : vector<16xi32>
      %div3A_120 = arith.constant 4 : i32
      %div3A_121 = vector.broadcast %div3A_120 : i32 to vector<16xi32>
      %div3A_122 = arith.divsi %add3A_119, %div3A_121 : vector<16xi32>
      %gather3A = tpu.vector_load_idx %arg15[%div3A_122] : memref<256xi32, #tpu.memory_space<vmem>>[vector<16xi32>], vector<16xi32>,
      %rem3A_123 = arith.constant 4 : i32
      %rem3A_124 = vector.broadcast %rem3A_123 : i32 to vector<16xi32>
      %rem3A_125 = arith.remsi %add3A_119, %rem3A_124 : vector<16xi32>
      %add3A_126 = arith.addi %gather3A, %rem3A_125 : vector<16xi32>
      %mul3A_127 = arith.constant 16 : i32
      %mul3A_128 = arith.muli %scan3A_114, %mul3A_127 : i32
      %swap3A = arith.index_cast %mul3A_128 : i32 to index
      %swap3A_129 = tpu.vector_load %arg16[%swap3A] {strides = array<i32>} : memref<1024xi32, #tpu.memory_space<vmem>>, vector<16xi32>,
      tpu.vector_store %arg16[%swap3A], %add3A_126 {strides = array<i32>} : memref<1024xi32, #tpu.memory_space<vmem>>, vector<16xi32>,
      %scan3A_130 = arith.constant 0 : i32
      scf.yield %scan3A_130 : i32
    }
    %scan3A_109 = arith.constant 64 : i32
    %dma_start3A = arith.constant 0 : i32
    %dma_start3A_110 = tpu.memref_slice %arg3[%dma_start3A] : memref<1280000xf32, #tpu.memory_space<hbm>> -> memref<1280000xf32, #tpu.memory_space<hbm>>
    tpu.enqueue_indirect_dma source(%dma_start3A_110 : memref<1280000xf32, #tpu.memory_space<hbm>>) target(%arg17 : memref<1024xf32, #tpu.memory_space<vmem>>) offsets(%arg16 : memref<1024xi32, #tpu.memory_space<vmem>>) semaphore(%arg18 : memref<!tpu.dma_semaphore, #tpu.memory_space<semaphore_mem>>)
    %dma_wait3A = arith.constant 0 : i32
    %dma_wait3A_111 = tpu.memref_slice %arg3[%dma_wait3A] : memref<1280000xf32, #tpu.memory_space<hbm>> -> memref<1280000xf32, #tpu.memory_space<hbm>>
    tpu.wait_indirect_dma semaphore(%arg18 : memref<!tpu.dma_semaphore, #tpu.memory_space<semaphore_mem>>) src(%dma_wait3A_111 : memref<1280000xf32, #tpu.memory_space<hbm>>) dst(%arg17 : memref<1024xf32, #tpu.memory_space<vmem>>)
    %mul3A_112 = arith.constant 4 : i32
    %mul3A_113 = arith.muli %mul3A_35, %mul3A_112 : i32
    "tpu.region"() ({
      %run_scoped3A = tpu.sem_alloc : memref<!tpu.dma_semaphore, #tpu.memory_space<semaphore_mem>>
      %dma_start3A_114 = tpu.memref_slice %arg8[%mul3A_113] : memref<32768xf32, #tpu.memory_space<hbm>> -> memref<1024xf32, #tpu.memory_space<hbm>>
      %dma_start3A_115 = tpu.memref_slice %arg8[%mul3A_113] : memref<32768xf32, #tpu.memory_space<hbm>> -> memref<1024xf32, #tpu.memory_space<hbm>>
      tpu.enqueue_dma source(%arg17 : memref<1024xf32, #tpu.memory_space<vmem>>) target(%dma_start3A_115 : memref<1024xf32, #tpu.memory_space<hbm>>) target_semaphore(%run_scoped3A : memref<!tpu.dma_semaphore, #tpu.memory_space<semaphore_mem>>)
      %dma_wait3A_116 = tpu.memref_slice %arg8[%mul3A_113] : memref<32768xf32, #tpu.memory_space<hbm>> -> memref<1024xf32, #tpu.memory_space<hbm>>
      %dma_wait3A_117 = tpu.memref_slice %arg8[%mul3A_113] : memref<32768xf32, #tpu.memory_space<hbm>> -> memref<1024xf32, #tpu.memory_space<hbm>>
      tpu.wait_dma2 semaphore(%run_scoped3A : memref<!tpu.dma_semaphore, #tpu.memory_space<semaphore_mem>>) src(%arg17 : memref<1024xf32, #tpu.memory_space<vmem>>) dst(%dma_wait3A_117 : memref<1024xf32, #tpu.memory_space<hbm>>)
      tpu.yield
    }) : () -> ()
    "tpu.region"() ({
      %run_scoped3A = tpu.sem_alloc : memref<!tpu.dma_semaphore, #tpu.memory_space<semaphore_mem>>
      %dma_start3A_114 = arith.constant 0 : i32
      %dma_start3A_115 = tpu.memref_slice %arg13[%dma_start3A_114] : memref<272xf32, #tpu.memory_space<vmem>> -> memref<256xf32, #tpu.memory_space<vmem>>
      %dma_start3A_116 = tpu.memref_slice %arg6[%mul3A_35] : memref<8192xf32, #tpu.memory_space<hbm>> -> memref<256xf32, #tpu.memory_space<hbm>>
      %dma_start3A_117 = tpu.memref_slice %arg6[%mul3A_35] : memref<8192xf32, #tpu.memory_space<hbm>> -> memref<256xf32, #tpu.memory_space<hbm>>
      %dma_start3A_118 = arith.constant 0 : i32
      %dma_start3A_119 = tpu.memref_slice %arg13[%dma_start3A_118] : memref<272xf32, #tpu.memory_space<vmem>> -> memref<256xf32, #tpu.memory_space<vmem>>
      tpu.enqueue_dma source(%dma_start3A_119 : memref<256xf32, #tpu.memory_space<vmem>>) target(%dma_start3A_117 : memref<256xf32, #tpu.memory_space<hbm>>) target_semaphore(%run_scoped3A : memref<!tpu.dma_semaphore, #tpu.memory_space<semaphore_mem>>)
      %dma_wait3A_120 = arith.constant 0 : i32
      %dma_wait3A_121 = tpu.memref_slice %arg13[%dma_wait3A_120] : memref<272xf32, #tpu.memory_space<vmem>> -> memref<256xf32, #tpu.memory_space<vmem>>
      %dma_wait3A_122 = tpu.memref_slice %arg6[%mul3A_35] : memref<8192xf32, #tpu.memory_space<hbm>> -> memref<256xf32, #tpu.memory_space<hbm>>
      %dma_wait3A_123 = tpu.memref_slice %arg6[%mul3A_35] : memref<8192xf32, #tpu.memory_space<hbm>> -> memref<256xf32, #tpu.memory_space<hbm>>
      %dma_wait3A_124 = arith.constant 0 : i32
      %dma_wait3A_125 = tpu.memref_slice %arg13[%dma_wait3A_124] : memref<272xf32, #tpu.memory_space<vmem>> -> memref<256xf32, #tpu.memory_space<vmem>>
      tpu.wait_dma2 semaphore(%run_scoped3A : memref<!tpu.dma_semaphore, #tpu.memory_space<semaphore_mem>>) src(%dma_wait3A_125 : memref<256xf32, #tpu.memory_space<vmem>>) dst(%dma_wait3A_123 : memref<256xf32, #tpu.memory_space<hbm>>)
      tpu.yield
    }) : () -> ()
    "tpu.region"() ({
      %run_scoped3A = tpu.sem_alloc : memref<!tpu.dma_semaphore, #tpu.memory_space<semaphore_mem>>
      %dma_start3A_114 = arith.constant 0 : i32
      %dma_start3A_115 = tpu.memref_slice %arg14[%dma_start3A_114] : memref<272xi32, #tpu.memory_space<vmem>> -> memref<256xi32, #tpu.memory_space<vmem>>
      %dma_start3A_116 = tpu.memref_slice %arg7[%mul3A_35] : memref<8192xi32, #tpu.memory_space<hbm>> -> memref<256xi32, #tpu.memory_space<hbm>>
      %dma_start3A_117 = tpu.memref_slice %arg7[%mul3A_35] : memref<8192xi32, #tpu.memory_space<hbm>> -> memref<256xi32, #tpu.memory_space<hbm>>
      %dma_start3A_118 = arith.constant 0 : i32
      %dma_start3A_119 = tpu.memref_slice %arg14[%dma_start3A_118] : memref<272xi32, #tpu.memory_space<vmem>> -> memref<256xi32, #tpu.memory_space<vmem>>
      tpu.enqueue_dma source(%dma_start3A_119 : memref<256xi32, #tpu.memory_space<vmem>>) target(%dma_start3A_117 : memref<256xi32, #tpu.memory_space<hbm>>) target_semaphore(%run_scoped3A : memref<!tpu.dma_semaphore, #tpu.memory_space<semaphore_mem>>)
      %dma_wait3A_120 = arith.constant 0 : i32
      %dma_wait3A_121 = tpu.memref_slice %arg14[%dma_wait3A_120] : memref<272xi32, #tpu.memory_space<vmem>> -> memref<256xi32, #tpu.memory_space<vmem>>
      %dma_wait3A_122 = tpu.memref_slice %arg7[%mul3A_35] : memref<8192xi32, #tpu.memory_space<hbm>> -> memref<256xi32, #tpu.memory_space<hbm>>
      %dma_wait3A_123 = tpu.memref_slice %arg7[%mul3A_35] : memref<8192xi32, #tpu.memory_space<hbm>> -> memref<256xi32, #tpu.memory_space<hbm>>
      %dma_wait3A_124 = arith.constant 0 : i32
      %dma_wait3A_125 = tpu.memref_slice %arg14[%dma_wait3A_124] : memref<272xi32, #tpu.memory_space<vmem>> -> memref<256xi32, #tpu.memory_space<vmem>>
      tpu.wait_dma2 semaphore(%run_scoped3A : memref<!tpu.dma_semaphore, #tpu.memory_space<semaphore_mem>>) src(%dma_wait3A_125 : memref<256xi32, #tpu.memory_space<vmem>>) dst(%dma_wait3A_123 : memref<256xi32, #tpu.memory_space<hbm>>)
      tpu.yield
    }) : () -> ()
    return
  }
}

module attributes {stable_mosaic.version = 14 : i64} {
  func.func @_qmax_body(%arg0: i32, %arg1: i32, %arg2: memref<1x10000x91xf32, #tpu.memory_space<vmem>>, %arg3: memref<1x1x10000xf32, #tpu.memory_space<vmem>>) attributes {dimension_semantics = [#tpu.dimension_semantics<arbitrary>, #tpu.dimension_semantics<arbitrary>], iteration_bounds = array<i64: 16, 2>, scalar_prefetch = 0 : i64, scratch_operands = 0 : i64, tpu.core_type = #tpu.core_type<tc>, window_params = [{transform_indices = @transform_0, window_bounds = array<i64: 1, 10000, 91>}, {transform_indices = @transform_1, window_bounds = array<i64: 1, 1, 10000>}]} {
    %get3A = arith.constant 0 : index
    %get3A_0 = arith.constant 0 : index
    %get3A_1 = arith.constant 0 : index
    %get3A_2 = vector.load %arg2[%get3A, %get3A_0, %get3A_1] : memref<1x10000x91xf32, #tpu.memory_space<vmem>>, vector<1x10000x91xf32>
    %reduce_max3A = arith.constant dense<0xFF800000> : vector<1x10000xf32>
    %reduce_max3A_3 = vector.multi_reduction <maximumf>, %get3A_2, %reduce_max3A [2] : vector<1x10000x91xf32> to vector<1x10000xf32>
    %broadcast_in_dim3A = vector.shape_cast %reduce_max3A_3 : vector<1x10000xf32> to vector<1x1x10000xf32>
    %swap3A = arith.constant 0 : index
    %swap3A_4 = arith.constant 0 : index
    %swap3A_5 = arith.constant 0 : index
    %swap3A_6 = vector.load %arg3[%swap3A, %swap3A_4, %swap3A_5] : memref<1x1x10000xf32, #tpu.memory_space<vmem>>, vector<1x1x10000xf32>
    tpu.vector_store %arg3[%swap3A, %swap3A_4, %swap3A_5], %broadcast_in_dim3A {strides = array<i32>} : memref<1x1x10000xf32, #tpu.memory_space<vmem>>, vector<1x1x10000xf32>,
    return
  }
  func.func @transform_0(%arg0: i32, %arg1: i32) -> (i32, i32, i32) {
    %c0_i32 = arith.constant 0 : i32
    %c0_i32_0 = arith.constant 0 : i32
    return %arg0, %arg1, %c0_i32 : i32, i32, i32
  }
  func.func @transform_1(%arg0: i32, %arg1: i32) -> (i32, i32, i32) {
    %mul3A = arith.constant 2 : i32
    %mul3A_0 = arith.muli %arg0, %mul3A : i32
    %add3A = arith.addi %mul3A_0, %arg1 : i32
    %c0_i32 = arith.constant 0 : i32
    %c0_i32_1 = arith.constant 0 : i32
    %c0_i32_2 = arith.constant 0 : i32
    return %add3A, %c0_i32, %c0_i32_1 : i32, i32, i32
  }
}

module attributes {stable_mosaic.version = 14 : i64} {
  func.func @_thresh_body(%arg0: memref<16x20000xf32, #tpu.memory_space<vmem>>, %arg1: memref<16x128xf32, #tpu.memory_space<vmem>>) attributes {dimension_semantics = [], scalar_prefetch = 0 : i64, scratch_operands = 0 : i64, tpu.core_type = #tpu.core_type<tc>} {
    %get3A = arith.constant 0 : index
    %get3A_0 = arith.constant 0 : index
    %get3A_1 = vector.load %arg0[%get3A, %get3A_0] : memref<16x20000xf32, #tpu.memory_space<vmem>>, vector<16x20000xf32>
    %bitcast_convert_type3A = tpu.bitcast %get3A_1 : vector<16x20000xf32> -> vector<16x20000xi32>
    %shift_right_arithmetic3A = arith.constant 31 : i32
    %shift_right_arithmetic3A_2 = vector.broadcast %shift_right_arithmetic3A : i32 to vector<16x20000xi32>
    %shift_right_arithmetic3A_3 = arith.shrsi %bitcast_convert_type3A, %shift_right_arithmetic3A_2 : vector<16x20000xi32>
    %and3A = arith.constant 2147483647 : i32
    %and3A_4 = vector.broadcast %and3A : i32 to vector<16x20000xi32>
    %and3A_5 = arith.andi %shift_right_arithmetic3A_3, %and3A_4 : vector<16x20000xi32>
    %xor3A = arith.xori %bitcast_convert_type3A, %and3A_5 : vector<16x20000xi32>
    %broadcast_in_dim3A = arith.constant -2147483648 : i32
    %broadcast_in_dim3A_6 = vector.broadcast %broadcast_in_dim3A : i32 to vector<16x1xi32>
    %broadcast_in_dim3A_7 = arith.constant 2147483647 : i32
    %broadcast_in_dim3A_8 = vector.broadcast %broadcast_in_dim3A_7 : i32 to vector<16x1xi32>
    %scan3A = arith.constant 0 : i32
    %scan3A_9 = arith.constant 32 : i32
    %scan3A_10 = arith.addi %scan3A, %scan3A_9 : i32
    %scan3A_11 = arith.constant 1 : i32
    %scan3A_12:2 = scf.for %scan3A_27 = %scan3A to %scan3A_10 step %scan3A_11 iter_args(%scan3A_28 = %broadcast_in_dim3A_6, %scan3A_29 = %broadcast_in_dim3A_8) -> (vector<16x1xi32>, vector<16x1xi32>)  : i32 {
      %sub3A_30 = arith.subi %scan3A_29, %scan3A_28 : vector<16x1xi32>
      %shift_right_logical3A = arith.constant 1 : i32
      %shift_right_logical3A_31 = vector.broadcast %shift_right_logical3A : i32 to vector<16x1xi32>
      %shift_right_logical3A_32 = arith.shrui %sub3A_30, %shift_right_logical3A_31 : vector<16x1xi32>
      %add3A = arith.addi %scan3A_28, %shift_right_logical3A_32 : vector<16x1xi32>
      %ge3A = vector.broadcast %add3A : vector<16x1xi32> to vector<16x20000xi32>
      %ge3A_33 = arith.cmpi sge, %xor3A, %ge3A : vector<16x20000xi32>
      %convert_element_type3A = arith.extui %ge3A_33 : vector<16x20000xi1> to vector<16x20000xi32>
      %reduce_sum3A = arith.constant dense<0> : vector<16xi32>
      %reduce_sum3A_34 = vector.multi_reduction <add>, %convert_element_type3A, %reduce_sum3A [1] : vector<16x20000xi32> to vector<16xi32>
      %broadcast_in_dim3A_35 = vector.shape_cast %reduce_sum3A_34 : vector<16xi32> to vector<16x1xi32>
      %ge3A_36 = arith.constant 300 : i32
      %ge3A_37 = vector.broadcast %ge3A_36 : i32 to vector<16x1xi32>
      %ge3A_38 = arith.cmpi sge, %broadcast_in_dim3A_35, %ge3A_37 : vector<16x1xi32>
      %select_n3A = arith.select %ge3A_38, %add3A, %scan3A_28 : vector<16x1xi1>, vector<16x1xi32>
      %select_n3A_39 = arith.select %ge3A_38, %scan3A_29, %add3A : vector<16x1xi1>, vector<16x1xi32>
      scf.yield %select_n3A, %select_n3A_39 : vector<16x1xi32>, vector<16x1xi32>
    }
    %sub3A = arith.constant 256 : i32
    %sub3A_13 = vector.broadcast %sub3A : i32 to vector<16x1xi32>
    %sub3A_14 = arith.subi %scan3A_12#0, %sub3A_13 : vector<16x1xi32>
    %shift_right_arithmetic3A_15 = arith.constant 31 : i32
    %shift_right_arithmetic3A_16 = vector.broadcast %shift_right_arithmetic3A_15 : i32 to vector<16x1xi32>
    %shift_right_arithmetic3A_17 = arith.shrsi %sub3A_14, %shift_right_arithmetic3A_16 : vector<16x1xi32>
    %and3A_18 = arith.constant 2147483647 : i32
    %and3A_19 = vector.broadcast %and3A_18 : i32 to vector<16x1xi32>
    %and3A_20 = arith.andi %shift_right_arithmetic3A_17, %and3A_19 : vector<16x1xi32>
    %xor3A_21 = arith.xori %sub3A_14, %and3A_20 : vector<16x1xi32>
    %bitcast_convert_type3A_22 = tpu.bitcast %xor3A_21 : vector<16x1xi32> -> vector<16x1xf32>
    %broadcast_in_dim3A_23 = vector.shape_cast %bitcast_convert_type3A_22 : vector<16x1xf32> to vector<16x1xf32>
    %broadcast_in_dim3A_24 = vector.broadcast %broadcast_in_dim3A_23 : vector<16x1xf32> to vector<16x128xf32>
    %swap3A = arith.constant 0 : index
    %swap3A_25 = arith.constant 0 : index
    %swap3A_26 = vector.load %arg1[%swap3A, %swap3A_25] : memref<16x128xf32, #tpu.memory_space<vmem>>, vector<16x128xf32>
    tpu.vector_store %arg1[%swap3A, %swap3A_25], %broadcast_in_dim3A_24 {strides = array<i32>} : memref<16x128xf32, #tpu.memory_space<vmem>>, vector<16x128xf32>,
    return
  }
}

module attributes {stable_mosaic.version = 14 : i64} {
  func.func @_rank_body(%arg0: memref<16x512xf32, #tpu.memory_space<vmem>>, %arg1: memref<16x512xi32, #tpu.memory_space<vmem>>, %arg2: memref<16x512xf32, #tpu.memory_space<vmem>>, %arg3: memref<16x512xf32, #tpu.memory_space<vmem>>, %arg4: memref<16x512xf32, #tpu.memory_space<vmem>>, %arg5: memref<16x512xf32, #tpu.memory_space<vmem>>, %arg6: memref<16x2xf32, #tpu.memory_space<vmem>>, %arg7: memref<16x300xi32, #tpu.memory_space<vmem>>, %arg8: memref<16x300xf32, #tpu.memory_space<vmem>>, %arg9: memref<16x300xf32, #tpu.memory_space<vmem>>, %arg10: memref<16x300xf32, #tpu.memory_space<vmem>>, %arg11: memref<16x300xf32, #tpu.memory_space<vmem>>, %arg12: memref<16x300xf32, #tpu.memory_space<vmem>>) attributes {dimension_semantics = [], scalar_prefetch = 0 : i64, scratch_operands = 0 : i64, tpu.core_type = #tpu.core_type<tc>} {
    %get3A = arith.constant 0 : index
    %get3A_0 = arith.constant 0 : index
    %get3A_1 = vector.load %arg0[%get3A, %get3A_0] : memref<16x512xf32, #tpu.memory_space<vmem>>, vector<16x512xf32>
    %logistic3A = arith.negf %get3A_1 : vector<16x512xf32>
    %logistic3A_2 = math.exp %logistic3A : vector<16x512xf32>
    %logistic3A_3 = arith.constant 1.000000e+00 : f32
    %logistic3A_4 = vector.broadcast %logistic3A_3 : f32 to vector<16x512xf32>
    %logistic3A_5 = arith.addf %logistic3A_4, %logistic3A_2 : vector<16x512xf32>
    %logistic3A_6 = arith.divf %logistic3A_4, %logistic3A_5 : vector<16x512xf32>
    %get3A_7 = arith.constant 0 : index
    %get3A_8 = arith.constant 0 : index
    %get3A_9 = vector.load %arg1[%get3A_7, %get3A_8] : memref<16x512xi32, #tpu.memory_space<vmem>>, vector<16x512xi32>
    %bitcast_convert_type3A = tpu.bitcast %logistic3A_6 : vector<16x512xf32> -> vector<16x512xi32>
    %shift_right_arithmetic3A = arith.constant 31 : i32
    %shift_right_arithmetic3A_10 = vector.broadcast %shift_right_arithmetic3A : i32 to vector<16x512xi32>
    %shift_right_arithmetic3A_11 = arith.shrsi %bitcast_convert_type3A, %shift_right_arithmetic3A_10 : vector<16x512xi32>
    %and3A = arith.constant 2147483647 : i32
    %and3A_12 = vector.broadcast %and3A : i32 to vector<16x512xi32>
    %and3A_13 = arith.andi %shift_right_arithmetic3A_11, %and3A_12 : vector<16x512xi32>
    %xor3A = arith.xori %bitcast_convert_type3A, %and3A_13 : vector<16x512xi32>
    %slice3A = vector.extract_strided_slice %xor3A {offsets = [0, 0], sizes = [16, 128], strides = [1, 1]} : vector<16x512xi32> to vector<16x128xi32>
    %broadcast_in_dim3A = vector.shape_cast %slice3A : vector<16x128xi32> to vector<16x128x1xi32>
    %slice3A_14 = vector.extract_strided_slice %get3A_9 {offsets = [0, 0], sizes = [16, 128], strides = [1, 1]} : vector<16x512xi32> to vector<16x128xi32>
    %broadcast_in_dim3A_15 = vector.shape_cast %slice3A_14 : vector<16x128xi32> to vector<16x128x1xi32>
    %broadcast_in_dim3A_16 = vector.shape_cast %xor3A : vector<16x512xi32> to vector<16x1x512xi32>
    %broadcast_in_dim3A_17 = vector.shape_cast %get3A_9 : vector<16x512xi32> to vector<16x1x512xi32>
    %gt3A = vector.broadcast %broadcast_in_dim3A_16 : vector<16x1x512xi32> to vector<16x128x512xi32>
    %gt3A_18 = vector.broadcast %broadcast_in_dim3A : vector<16x128x1xi32> to vector<16x128x512xi32>
    %gt3A_19 = arith.cmpi sgt, %gt3A, %gt3A_18 : vector<16x128x512xi32>
    %eq3A = vector.broadcast %broadcast_in_dim3A_16 : vector<16x1x512xi32> to vector<16x128x512xi32>
    %eq3A_20 = vector.broadcast %broadcast_in_dim3A : vector<16x128x1xi32> to vector<16x128x512xi32>
    %eq3A_21 = arith.cmpi eq, %eq3A, %eq3A_20 : vector<16x128x512xi32>
    %lt3A = vector.broadcast %broadcast_in_dim3A_17 : vector<16x1x512xi32> to vector<16x128x512xi32>
    %lt3A_22 = vector.broadcast %broadcast_in_dim3A_15 : vector<16x128x1xi32> to vector<16x128x512xi32>
    %lt3A_23 = arith.cmpi slt, %lt3A, %lt3A_22 : vector<16x128x512xi32>
    %and3A_24 = arith.andi %eq3A_21, %lt3A_23 : vector<16x128x512xi1>
    %or3A = arith.ori %gt3A_19, %and3A_24 : vector<16x128x512xi1>
    %convert_element_type3A = arith.extui %or3A : vector<16x128x512xi1> to vector<16x128x512xi32>
    %reduce_sum3A = arith.constant dense<0> : vector<16x128xi32>
    %reduce_sum3A_25 = vector.multi_reduction <add>, %convert_element_type3A, %reduce_sum3A [2] : vector<16x128x512xi32> to vector<16x128xi32>
    %slice3A_26 = vector.extract_strided_slice %xor3A {offsets = [0, 128], sizes = [16, 128], strides = [1, 1]} : vector<16x512xi32> to vector<16x128xi32>
    %broadcast_in_dim3A_27 = vector.shape_cast %slice3A_26 : vector<16x128xi32> to vector<16x128x1xi32>
    %slice3A_28 = vector.extract_strided_slice %get3A_9 {offsets = [0, 128], sizes = [16, 128], strides = [1, 1]} : vector<16x512xi32> to vector<16x128xi32>
    %broadcast_in_dim3A_29 = vector.shape_cast %slice3A_28 : vector<16x128xi32> to vector<16x128x1xi32>
    %broadcast_in_dim3A_30 = vector.shape_cast %xor3A : vector<16x512xi32> to vector<16x1x512xi32>
    %broadcast_in_dim3A_31 = vector.shape_cast %get3A_9 : vector<16x512xi32> to vector<16x1x512xi32>
    %gt3A_32 = vector.broadcast %broadcast_in_dim3A_30 : vector<16x1x512xi32> to vector<16x128x512xi32>
    %gt3A_33 = vector.broadcast %broadcast_in_dim3A_27 : vector<16x128x1xi32> to vector<16x128x512xi32>
    %gt3A_34 = arith.cmpi sgt, %gt3A_32, %gt3A_33 : vector<16x128x512xi32>
    %eq3A_35 = vector.broadcast %broadcast_in_dim3A_30 : vector<16x1x512xi32> to vector<16x128x512xi32>
    %eq3A_36 = vector.broadcast %broadcast_in_dim3A_27 : vector<16x128x1xi32> to vector<16x128x512xi32>
    %eq3A_37 = arith.cmpi eq, %eq3A_35, %eq3A_36 : vector<16x128x512xi32>
    %lt3A_38 = vector.broadcast %broadcast_in_dim3A_31 : vector<16x1x512xi32> to vector<16x128x512xi32>
    %lt3A_39 = vector.broadcast %broadcast_in_dim3A_29 : vector<16x128x1xi32> to vector<16x128x512xi32>
    %lt3A_40 = arith.cmpi slt, %lt3A_38, %lt3A_39 : vector<16x128x512xi32>
    %and3A_41 = arith.andi %eq3A_37, %lt3A_40 : vector<16x128x512xi1>
    %or3A_42 = arith.ori %gt3A_34, %and3A_41 : vector<16x128x512xi1>
    %convert_element_type3A_43 = arith.extui %or3A_42 : vector<16x128x512xi1> to vector<16x128x512xi32>
    %reduce_sum3A_44 = arith.constant dense<0> : vector<16x128xi32>
    %reduce_sum3A_45 = vector.multi_reduction <add>, %convert_element_type3A_43, %reduce_sum3A_44 [2] : vector<16x128x512xi32> to vector<16x128xi32>
    %slice3A_46 = vector.extract_strided_slice %xor3A {offsets = [0, 256], sizes = [16, 128], strides = [1, 1]} : vector<16x512xi32> to vector<16x128xi32>
    %broadcast_in_dim3A_47 = vector.shape_cast %slice3A_46 : vector<16x128xi32> to vector<16x128x1xi32>
    %slice3A_48 = vector.extract_strided_slice %get3A_9 {offsets = [0, 256], sizes = [16, 128], strides = [1, 1]} : vector<16x512xi32> to vector<16x128xi32>
    %broadcast_in_dim3A_49 = vector.shape_cast %slice3A_48 : vector<16x128xi32> to vector<16x128x1xi32>
    %broadcast_in_dim3A_50 = vector.shape_cast %xor3A : vector<16x512xi32> to vector<16x1x512xi32>
    %broadcast_in_dim3A_51 = vector.shape_cast %get3A_9 : vector<16x512xi32> to vector<16x1x512xi32>
    %gt3A_52 = vector.broadcast %broadcast_in_dim3A_50 : vector<16x1x512xi32> to vector<16x128x512xi32>
    %gt3A_53 = vector.broadcast %broadcast_in_dim3A_47 : vector<16x128x1xi32> to vector<16x128x512xi32>
    %gt3A_54 = arith.cmpi sgt, %gt3A_52, %gt3A_53 : vector<16x128x512xi32>
    %eq3A_55 = vector.broadcast %broadcast_in_dim3A_50 : vector<16x1x512xi32> to vector<16x128x512xi32>
    %eq3A_56 = vector.broadcast %broadcast_in_dim3A_47 : vector<16x128x1xi32> to vector<16x128x512xi32>
    %eq3A_57 = arith.cmpi eq, %eq3A_55, %eq3A_56 : vector<16x128x512xi32>
    %lt3A_58 = vector.broadcast %broadcast_in_dim3A_51 : vector<16x1x512xi32> to vector<16x128x512xi32>
    %lt3A_59 = vector.broadcast %broadcast_in_dim3A_49 : vector<16x128x1xi32> to vector<16x128x512xi32>
    %lt3A_60 = arith.cmpi slt, %lt3A_58, %lt3A_59 : vector<16x128x512xi32>
    %and3A_61 = arith.andi %eq3A_57, %lt3A_60 : vector<16x128x512xi1>
    %or3A_62 = arith.ori %gt3A_54, %and3A_61 : vector<16x128x512xi1>
    %convert_element_type3A_63 = arith.extui %or3A_62 : vector<16x128x512xi1> to vector<16x128x512xi32>
    %reduce_sum3A_64 = arith.constant dense<0> : vector<16x128xi32>
    %reduce_sum3A_65 = vector.multi_reduction <add>, %convert_element_type3A_63, %reduce_sum3A_64 [2] : vector<16x128x512xi32> to vector<16x128xi32>
    %slice3A_66 = vector.extract_strided_slice %xor3A {offsets = [0, 384], sizes = [16, 128], strides = [1, 1]} : vector<16x512xi32> to vector<16x128xi32>
    %broadcast_in_dim3A_67 = vector.shape_cast %slice3A_66 : vector<16x128xi32> to vector<16x128x1xi32>
    %slice3A_68 = vector.extract_strided_slice %get3A_9 {offsets = [0, 384], sizes = [16, 128], strides = [1, 1]} : vector<16x512xi32> to vector<16x128xi32>
    %broadcast_in_dim3A_69 = vector.shape_cast %slice3A_68 : vector<16x128xi32> to vector<16x128x1xi32>
    %broadcast_in_dim3A_70 = vector.shape_cast %xor3A : vector<16x512xi32> to vector<16x1x512xi32>
    %broadcast_in_dim3A_71 = vector.shape_cast %get3A_9 : vector<16x512xi32> to vector<16x1x512xi32>
    %gt3A_72 = vector.broadcast %broadcast_in_dim3A_70 : vector<16x1x512xi32> to vector<16x128x512xi32>
    %gt3A_73 = vector.broadcast %broadcast_in_dim3A_67 : vector<16x128x1xi32> to vector<16x128x512xi32>
    %gt3A_74 = arith.cmpi sgt, %gt3A_72, %gt3A_73 : vector<16x128x512xi32>
    %eq3A_75 = vector.broadcast %broadcast_in_dim3A_70 : vector<16x1x512xi32> to vector<16x128x512xi32>
    %eq3A_76 = vector.broadcast %broadcast_in_dim3A_67 : vector<16x128x1xi32> to vector<16x128x512xi32>
    %eq3A_77 = arith.cmpi eq, %eq3A_75, %eq3A_76 : vector<16x128x512xi32>
    %lt3A_78 = vector.broadcast %broadcast_in_dim3A_71 : vector<16x1x512xi32> to vector<16x128x512xi32>
    %lt3A_79 = vector.broadcast %broadcast_in_dim3A_69 : vector<16x128x1xi32> to vector<16x128x512xi32>
    %lt3A_80 = arith.cmpi slt, %lt3A_78, %lt3A_79 : vector<16x128x512xi32>
    %and3A_81 = arith.andi %eq3A_77, %lt3A_80 : vector<16x128x512xi1>
    %or3A_82 = arith.ori %gt3A_74, %and3A_81 : vector<16x128x512xi1>
    %convert_element_type3A_83 = arith.extui %or3A_82 : vector<16x128x512xi1> to vector<16x128x512xi32>
    %reduce_sum3A_84 = arith.constant dense<0> : vector<16x128xi32>
    %reduce_sum3A_85 = vector.multi_reduction <add>, %convert_element_type3A_83, %reduce_sum3A_84 [2] : vector<16x128x512xi32> to vector<16x128xi32>
    %concatenate3A = tpu.concatenate %reduce_sum3A_25, %reduce_sum3A_45, %reduce_sum3A_65, %reduce_sum3A_85 in 1 : vector<16x128xi32>, vector<16x128xi32>, vector<16x128xi32>, vector<16x128xi32> -> vector<16x512xi32>
    %get3A_86 = arith.constant 0 : index
    %get3A_87 = arith.constant 0 : index
    %get3A_88 = vector.load %arg6[%get3A_86, %get3A_87] : memref<16x2xf32, #tpu.memory_space<vmem>>, vector<16x2xf32>
    %slice3A_89 = vector.extract_strided_slice %get3A_88 {offsets = [0, 0], sizes = [16, 1], strides = [1, 1]} : vector<16x2xf32> to vector<16x1xf32>
    %get3A_90 = arith.constant 0 : index
    %get3A_91 = arith.constant 0 : index
    %get3A_92 = vector.load %arg6[%get3A_90, %get3A_91] : memref<16x2xf32, #tpu.memory_space<vmem>>, vector<16x2xf32>
    %slice3A_93 = vector.extract_strided_slice %get3A_92 {offsets = [0, 1], sizes = [16, 1], strides = [1, 1]} : vector<16x2xf32> to vector<16x1xf32>
    %get3A_94 = arith.constant 0 : index
    %get3A_95 = arith.constant 0 : index
    %get3A_96 = vector.load %arg2[%get3A_94, %get3A_95] : memref<16x512xf32, #tpu.memory_space<vmem>>, vector<16x512xf32>
    %get3A_97 = arith.constant 0 : index
    %get3A_98 = arith.constant 0 : index
    %get3A_99 = vector.load %arg3[%get3A_97, %get3A_98] : memref<16x512xf32, #tpu.memory_space<vmem>>, vector<16x512xf32>
    %get3A_100 = arith.constant 0 : index
    %get3A_101 = arith.constant 0 : index
    %get3A_102 = vector.load %arg4[%get3A_100, %get3A_101] : memref<16x512xf32, #tpu.memory_space<vmem>>, vector<16x512xf32>
    %get3A_103 = arith.constant 0 : index
    %get3A_104 = arith.constant 0 : index
    %get3A_105 = vector.load %arg5[%get3A_103, %get3A_104] : memref<16x512xf32, #tpu.memory_space<vmem>>, vector<16x512xf32>
    %mul3A = arith.constant 5.000000e-01 : f32
    %mul3A_106 = vector.broadcast %mul3A : f32 to vector<16x512xf32>
    %mul3A_107 = arith.mulf %mul3A_106, %get3A_102 : vector<16x512xf32>
    %sub3A = arith.subf %get3A_96, %mul3A_107 : vector<16x512xf32>
    %mul3A_108 = vector.broadcast %slice3A_89 : vector<16x1xf32> to vector<16x512xf32>
    %mul3A_109 = arith.mulf %sub3A, %mul3A_108 : vector<16x512xf32>
    %mul3A_110 = arith.constant 5.000000e-01 : f32
    %mul3A_111 = vector.broadcast %mul3A_110 : f32 to vector<16x512xf32>
    %mul3A_112 = arith.mulf %mul3A_111, %get3A_105 : vector<16x512xf32>
    %sub3A_113 = arith.subf %get3A_99, %mul3A_112 : vector<16x512xf32>
    %mul3A_114 = vector.broadcast %slice3A_93 : vector<16x1xf32> to vector<16x512xf32>
    %mul3A_115 = arith.mulf %sub3A_113, %mul3A_114 : vector<16x512xf32>
    %mul3A_116 = arith.constant 5.000000e-01 : f32
    %mul3A_117 = vector.broadcast %mul3A_116 : f32 to vector<16x512xf32>
    %mul3A_118 = arith.mulf %mul3A_117, %get3A_102 : vector<16x512xf32>
    %add3A = arith.addf %get3A_96, %mul3A_118 : vector<16x512xf32>
    %mul3A_119 = vector.broadcast %slice3A_89 : vector<16x1xf32> to vector<16x512xf32>
    %mul3A_120 = arith.mulf %add3A, %mul3A_119 : vector<16x512xf32>
    %mul3A_121 = arith.constant 5.000000e-01 : f32
    %mul3A_122 = vector.broadcast %mul3A_121 : f32 to vector<16x512xf32>
    %mul3A_123 = arith.mulf %mul3A_122, %get3A_105 : vector<16x512xf32>
    %add3A_124 = arith.addf %get3A_99, %mul3A_123 : vector<16x512xf32>
    %mul3A_125 = vector.broadcast %slice3A_93 : vector<16x1xf32> to vector<16x512xf32>
    %mul3A_126 = arith.mulf %add3A_124, %mul3A_125 : vector<16x512xf32>
    %iota3A = tpu.iota {dimensions = array<i32: 1>} : vector<16x100x512xi32>
    %add3A_127 = arith.constant 0 : i32
    %add3A_128 = vector.broadcast %add3A_127 : i32 to vector<16x100x512xi32>
    %add3A_129 = arith.addi %iota3A, %add3A_128 : vector<16x100x512xi32>
    %broadcast_in_dim3A_130 = vector.shape_cast %concatenate3A : vector<16x512xi32> to vector<16x1x512xi32>
    %eq3A_131 = vector.broadcast %broadcast_in_dim3A_130 : vector<16x1x512xi32> to vector<16x100x512xi32>
    %eq3A_132 = arith.cmpi eq, %eq3A_131, %add3A_129 : vector<16x100x512xi32>
    %broadcast_in_dim3A_133 = vector.shape_cast %logistic3A_6 : vector<16x512xf32> to vector<16x1x512xf32>
    %jit3A = arith.constant 0.000000e+00 : f32
    %broadcast_in_dim3A_134 = vector.shape_cast %broadcast_in_dim3A_133 : vector<16x1x512xf32> to vector<16x1x512xf32>
    %broadcast_in_dim3A_135 = vector.broadcast %broadcast_in_dim3A_134 : vector<16x1x512xf32> to vector<16x100x512xf32>
    %broadcast_in_dim3A_136 = vector.broadcast %jit3A : f32 to vector<16x100x512xf32>
    %select_n3A = arith.select %eq3A_132, %broadcast_in_dim3A_135, %broadcast_in_dim3A_136 : vector<16x100x512xi1>, vector<16x100x512xf32>
    %reduce_sum3A_137 = arith.constant dense<0.000000e+00> : vector<16x100xf32>
    %reduce_sum3A_138 = vector.multi_reduction <add>, %select_n3A, %reduce_sum3A_137 [2] : vector<16x100x512xf32> to vector<16x100xf32>
    %swap3A = arith.constant 0 : index
    %swap3A_139 = arith.constant 0 : index
    %swap3A_140 = vector.load %arg8[%swap3A, %swap3A_139] : memref<16x300xf32, #tpu.memory_space<vmem>>, vector<16x100xf32>
    tpu.vector_store %arg8[%swap3A, %swap3A_139], %reduce_sum3A_138 {strides = array<i32>} : memref<16x300xf32, #tpu.memory_space<vmem>>, vector<16x100xf32>,
    %broadcast_in_dim3A_141 = vector.shape_cast %get3A_9 : vector<16x512xi32> to vector<16x1x512xi32>
    %jit3A_142 = arith.constant 0 : i32
    %broadcast_in_dim3A_143 = vector.shape_cast %broadcast_in_dim3A_141 : vector<16x1x512xi32> to vector<16x1x512xi32>
    %broadcast_in_dim3A_144 = vector.broadcast %broadcast_in_dim3A_143 : vector<16x1x512xi32> to vector<16x100x512xi32>
    %broadcast_in_dim3A_145 = vector.broadcast %jit3A_142 : i32 to vector<16x100x512xi32>
    %select_n3A_146 = arith.select %eq3A_132, %broadcast_in_dim3A_144, %broadcast_in_dim3A_145 : vector<16x100x512xi1>, vector<16x100x512xi32>
    %reduce_sum3A_147 = arith.constant dense<0> : vector<16x100xi32>
    %reduce_sum3A_148 = vector.multi_reduction <add>, %select_n3A_146, %reduce_sum3A_147 [2] : vector<16x100x512xi32> to vector<16x100xi32>
    %jit3A_149 = arith.constant 91 : i32
    %eq3A_150 = arith.constant 0 : i32
    %eq3A_151 = arith.cmpi eq, %jit3A_149, %eq3A_150 : i32
    %jit3A_152 = arith.constant 1 : i32
    %select_n3A_153 = arith.select %eq3A_151, %jit3A_152, %jit3A_149 : i32
    %rem3A = vector.broadcast %select_n3A_153 : i32 to vector<16x100xi32>
    %rem3A_154 = arith.remsi %reduce_sum3A_148, %rem3A : vector<16x100xi32>
    %ne3A = arith.constant 0 : i32
    %ne3A_155 = vector.broadcast %ne3A : i32 to vector<16x100xi32>
    %ne3A_156 = arith.cmpi ne, %rem3A_154, %ne3A_155 : vector<16x100xi32>
    %lt3A_157 = arith.constant 0 : i32
    %lt3A_158 = vector.broadcast %lt3A_157 : i32 to vector<16x100xi32>
    %lt3A_159 = arith.cmpi slt, %rem3A_154, %lt3A_158 : vector<16x100xi32>
    %lt3A_160 = arith.constant 0 : i32
    %lt3A_161 = arith.cmpi slt, %select_n3A_153, %lt3A_160 : i32
    %ne3A_162 = vector.broadcast %lt3A_161 : i1 to vector<16x100xi1>
    %ne3A_163 = vector.broadcast %ne3A_162 : vector<16x100xi1> to vector<16x100xi1>
    %ne3A_164 = arith.xori %lt3A_159, %ne3A_163 : vector<16x100xi1>
    %and3A_165 = arith.andi %ne3A_164, %ne3A_156 : vector<16x100xi1>
    %add3A_166 = vector.broadcast %select_n3A_153 : i32 to vector<16x100xi32>
    %add3A_167 = arith.addi %rem3A_154, %add3A_166 : vector<16x100xi32>
    %select_n3A_168 = arith.select %and3A_165, %add3A_167, %rem3A_154 : vector<16x100xi1>, vector<16x100xi32>
    %swap3A_169 = arith.constant 0 : index
    %swap3A_170 = arith.constant 0 : index
    %swap3A_171 = vector.load %arg7[%swap3A_169, %swap3A_170] : memref<16x300xi32, #tpu.memory_space<vmem>>, vector<16x100xi32>
    tpu.vector_store %arg7[%swap3A_169, %swap3A_170], %select_n3A_168 {strides = array<i32>} : memref<16x300xi32, #tpu.memory_space<vmem>>, vector<16x100xi32>,
    %broadcast_in_dim3A_172 = vector.shape_cast %mul3A_109 : vector<16x512xf32> to vector<16x1x512xf32>
    %jit3A_173 = arith.constant 0.000000e+00 : f32
    %broadcast_in_dim3A_174 = vector.shape_cast %broadcast_in_dim3A_172 : vector<16x1x512xf32> to vector<16x1x512xf32>
    %broadcast_in_dim3A_175 = vector.broadcast %broadcast_in_dim3A_174 : vector<16x1x512xf32> to vector<16x100x512xf32>
    %broadcast_in_dim3A_176 = vector.broadcast %jit3A_173 : f32 to vector<16x100x512xf32>
    %select_n3A_177 = arith.select %eq3A_132, %broadcast_in_dim3A_175, %broadcast_in_dim3A_176 : vector<16x100x512xi1>, vector<16x100x512xf32>
    %reduce_sum3A_178 = arith.constant dense<0.000000e+00> : vector<16x100xf32>
    %reduce_sum3A_179 = vector.multi_reduction <add>, %select_n3A_177, %reduce_sum3A_178 [2] : vector<16x100x512xf32> to vector<16x100xf32>
    %swap3A_180 = arith.constant 0 : index
    %swap3A_181 = arith.constant 0 : index
    %swap3A_182 = vector.load %arg9[%swap3A_180, %swap3A_181] : memref<16x300xf32, #tpu.memory_space<vmem>>, vector<16x100xf32>
    tpu.vector_store %arg9[%swap3A_180, %swap3A_181], %reduce_sum3A_179 {strides = array<i32>} : memref<16x300xf32, #tpu.memory_space<vmem>>, vector<16x100xf32>,
    %broadcast_in_dim3A_183 = vector.shape_cast %mul3A_115 : vector<16x512xf32> to vector<16x1x512xf32>
    %jit3A_184 = arith.constant 0.000000e+00 : f32
    %broadcast_in_dim3A_185 = vector.shape_cast %broadcast_in_dim3A_183 : vector<16x1x512xf32> to vector<16x1x512xf32>
    %broadcast_in_dim3A_186 = vector.broadcast %broadcast_in_dim3A_185 : vector<16x1x512xf32> to vector<16x100x512xf32>
    %broadcast_in_dim3A_187 = vector.broadcast %jit3A_184 : f32 to vector<16x100x512xf32>
    %select_n3A_188 = arith.select %eq3A_132, %broadcast_in_dim3A_186, %broadcast_in_dim3A_187 : vector<16x100x512xi1>, vector<16x100x512xf32>
    %reduce_sum3A_189 = arith.constant dense<0.000000e+00> : vector<16x100xf32>
    %reduce_sum3A_190 = vector.multi_reduction <add>, %select_n3A_188, %reduce_sum3A_189 [2] : vector<16x100x512xf32> to vector<16x100xf32>
    %swap3A_191 = arith.constant 0 : index
    %swap3A_192 = arith.constant 0 : index
    %swap3A_193 = vector.load %arg10[%swap3A_191, %swap3A_192] : memref<16x300xf32, #tpu.memory_space<vmem>>, vector<16x100xf32>
    tpu.vector_store %arg10[%swap3A_191, %swap3A_192], %reduce_sum3A_190 {strides = array<i32>} : memref<16x300xf32, #tpu.memory_space<vmem>>, vector<16x100xf32>,
    %broadcast_in_dim3A_194 = vector.shape_cast %mul3A_120 : vector<16x512xf32> to vector<16x1x512xf32>
    %jit3A_195 = arith.constant 0.000000e+00 : f32
    %broadcast_in_dim3A_196 = vector.shape_cast %broadcast_in_dim3A_194 : vector<16x1x512xf32> to vector<16x1x512xf32>
    %broadcast_in_dim3A_197 = vector.broadcast %broadcast_in_dim3A_196 : vector<16x1x512xf32> to vector<16x100x512xf32>
    %broadcast_in_dim3A_198 = vector.broadcast %jit3A_195 : f32 to vector<16x100x512xf32>
    %select_n3A_199 = arith.select %eq3A_132, %broadcast_in_dim3A_197, %broadcast_in_dim3A_198 : vector<16x100x512xi1>, vector<16x100x512xf32>
    %reduce_sum3A_200 = arith.constant dense<0.000000e+00> : vector<16x100xf32>
    %reduce_sum3A_201 = vector.multi_reduction <add>, %select_n3A_199, %reduce_sum3A_200 [2] : vector<16x100x512xf32> to vector<16x100xf32>
    %swap3A_202 = arith.constant 0 : index
    %swap3A_203 = arith.constant 0 : index
    %swap3A_204 = vector.load %arg11[%swap3A_202, %swap3A_203] : memref<16x300xf32, #tpu.memory_space<vmem>>, vector<16x100xf32>
    tpu.vector_store %arg11[%swap3A_202, %swap3A_203], %reduce_sum3A_201 {strides = array<i32>} : memref<16x300xf32, #tpu.memory_space<vmem>>, vector<16x100xf32>,
    %broadcast_in_dim3A_205 = vector.shape_cast %mul3A_126 : vector<16x512xf32> to vector<16x1x512xf32>
    %jit3A_206 = arith.constant 0.000000e+00 : f32
    %broadcast_in_dim3A_207 = vector.shape_cast %broadcast_in_dim3A_205 : vector<16x1x512xf32> to vector<16x1x512xf32>
    %broadcast_in_dim3A_208 = vector.broadcast %broadcast_in_dim3A_207 : vector<16x1x512xf32> to vector<16x100x512xf32>
    %broadcast_in_dim3A_209 = vector.broadcast %jit3A_206 : f32 to vector<16x100x512xf32>
    %select_n3A_210 = arith.select %eq3A_132, %broadcast_in_dim3A_208, %broadcast_in_dim3A_209 : vector<16x100x512xi1>, vector<16x100x512xf32>
    %reduce_sum3A_211 = arith.constant dense<0.000000e+00> : vector<16x100xf32>
    %reduce_sum3A_212 = vector.multi_reduction <add>, %select_n3A_210, %reduce_sum3A_211 [2] : vector<16x100x512xf32> to vector<16x100xf32>
    %swap3A_213 = arith.constant 0 : index
    %swap3A_214 = arith.constant 0 : index
    %swap3A_215 = vector.load %arg12[%swap3A_213, %swap3A_214] : memref<16x300xf32, #tpu.memory_space<vmem>>, vector<16x100xf32>
    tpu.vector_store %arg12[%swap3A_213, %swap3A_214], %reduce_sum3A_212 {strides = array<i32>} : memref<16x300xf32, #tpu.memory_space<vmem>>, vector<16x100xf32>,
    %iota3A_216 = tpu.iota {dimensions = array<i32: 1>} : vector<16x100x512xi32>
    %add3A_217 = arith.constant 100 : i32
    %add3A_218 = vector.broadcast %add3A_217 : i32 to vector<16x100x512xi32>
    %add3A_219 = arith.addi %iota3A_216, %add3A_218 : vector<16x100x512xi32>
    %broadcast_in_dim3A_220 = vector.shape_cast %concatenate3A : vector<16x512xi32> to vector<16x1x512xi32>
    %eq3A_221 = vector.broadcast %broadcast_in_dim3A_220 : vector<16x1x512xi32> to vector<16x100x512xi32>
    %eq3A_222 = arith.cmpi eq, %eq3A_221, %add3A_219 : vector<16x100x512xi32>
    %broadcast_in_dim3A_223 = vector.shape_cast %logistic3A_6 : vector<16x512xf32> to vector<16x1x512xf32>
    %jit3A_224 = arith.constant 0.000000e+00 : f32
    %broadcast_in_dim3A_225 = vector.shape_cast %broadcast_in_dim3A_223 : vector<16x1x512xf32> to vector<16x1x512xf32>
    %broadcast_in_dim3A_226 = vector.broadcast %broadcast_in_dim3A_225 : vector<16x1x512xf32> to vector<16x100x512xf32>
    %broadcast_in_dim3A_227 = vector.broadcast %jit3A_224 : f32 to vector<16x100x512xf32>
    %select_n3A_228 = arith.select %eq3A_222, %broadcast_in_dim3A_226, %broadcast_in_dim3A_227 : vector<16x100x512xi1>, vector<16x100x512xf32>
    %reduce_sum3A_229 = arith.constant dense<0.000000e+00> : vector<16x100xf32>
    %reduce_sum3A_230 = vector.multi_reduction <add>, %select_n3A_228, %reduce_sum3A_229 [2] : vector<16x100x512xf32> to vector<16x100xf32>
    %swap3A_231 = arith.constant 0 : index
    %swap3A_232 = arith.constant 100 : index
    %swap3A_233 = vector.load %arg8[%swap3A_231, %swap3A_232] : memref<16x300xf32, #tpu.memory_space<vmem>>, vector<16x100xf32>
    tpu.vector_store %arg8[%swap3A_231, %swap3A_232], %reduce_sum3A_230 {strides = array<i32>} : memref<16x300xf32, #tpu.memory_space<vmem>>, vector<16x100xf32>,
    %broadcast_in_dim3A_234 = vector.shape_cast %get3A_9 : vector<16x512xi32> to vector<16x1x512xi32>
    %jit3A_235 = arith.constant 0 : i32
    %broadcast_in_dim3A_236 = vector.shape_cast %broadcast_in_dim3A_234 : vector<16x1x512xi32> to vector<16x1x512xi32>
    %broadcast_in_dim3A_237 = vector.broadcast %broadcast_in_dim3A_236 : vector<16x1x512xi32> to vector<16x100x512xi32>
    %broadcast_in_dim3A_238 = vector.broadcast %jit3A_235 : i32 to vector<16x100x512xi32>
    %select_n3A_239 = arith.select %eq3A_222, %broadcast_in_dim3A_237, %broadcast_in_dim3A_238 : vector<16x100x512xi1>, vector<16x100x512xi32>
    %reduce_sum3A_240 = arith.constant dense<0> : vector<16x100xi32>
    %reduce_sum3A_241 = vector.multi_reduction <add>, %select_n3A_239, %reduce_sum3A_240 [2] : vector<16x100x512xi32> to vector<16x100xi32>
    %jit3A_242 = arith.constant 91 : i32
    %eq3A_243 = arith.constant 0 : i32
    %eq3A_244 = arith.cmpi eq, %jit3A_242, %eq3A_243 : i32
    %jit3A_245 = arith.constant 1 : i32
    %select_n3A_246 = arith.select %eq3A_244, %jit3A_245, %jit3A_242 : i32
    %rem3A_247 = vector.broadcast %select_n3A_246 : i32 to vector<16x100xi32>
    %rem3A_248 = arith.remsi %reduce_sum3A_241, %rem3A_247 : vector<16x100xi32>
    %ne3A_249 = arith.constant 0 : i32
    %ne3A_250 = vector.broadcast %ne3A_249 : i32 to vector<16x100xi32>
    %ne3A_251 = arith.cmpi ne, %rem3A_248, %ne3A_250 : vector<16x100xi32>
    %lt3A_252 = arith.constant 0 : i32
    %lt3A_253 = vector.broadcast %lt3A_252 : i32 to vector<16x100xi32>
    %lt3A_254 = arith.cmpi slt, %rem3A_248, %lt3A_253 : vector<16x100xi32>
    %lt3A_255 = arith.constant 0 : i32
    %lt3A_256 = arith.cmpi slt, %select_n3A_246, %lt3A_255 : i32
    %ne3A_257 = vector.broadcast %lt3A_256 : i1 to vector<16x100xi1>
    %ne3A_258 = vector.broadcast %ne3A_257 : vector<16x100xi1> to vector<16x100xi1>
    %ne3A_259 = arith.xori %lt3A_254, %ne3A_258 : vector<16x100xi1>
    %and3A_260 = arith.andi %ne3A_259, %ne3A_251 : vector<16x100xi1>
    %add3A_261 = vector.broadcast %select_n3A_246 : i32 to vector<16x100xi32>
    %add3A_262 = arith.addi %rem3A_248, %add3A_261 : vector<16x100xi32>
    %select_n3A_263 = arith.select %and3A_260, %add3A_262, %rem3A_248 : vector<16x100xi1>, vector<16x100xi32>
    %swap3A_264 = arith.constant 0 : index
    %swap3A_265 = arith.constant 100 : index
    %swap3A_266 = vector.load %arg7[%swap3A_264, %swap3A_265] : memref<16x300xi32, #tpu.memory_space<vmem>>, vector<16x100xi32>
    tpu.vector_store %arg7[%swap3A_264, %swap3A_265], %select_n3A_263 {strides = array<i32>} : memref<16x300xi32, #tpu.memory_space<vmem>>, vector<16x100xi32>,
    %broadcast_in_dim3A_267 = vector.shape_cast %mul3A_109 : vector<16x512xf32> to vector<16x1x512xf32>
    %jit3A_268 = arith.constant 0.000000e+00 : f32
    %broadcast_in_dim3A_269 = vector.shape_cast %broadcast_in_dim3A_267 : vector<16x1x512xf32> to vector<16x1x512xf32>
    %broadcast_in_dim3A_270 = vector.broadcast %broadcast_in_dim3A_269 : vector<16x1x512xf32> to vector<16x100x512xf32>
    %broadcast_in_dim3A_271 = vector.broadcast %jit3A_268 : f32 to vector<16x100x512xf32>
    %select_n3A_272 = arith.select %eq3A_222, %broadcast_in_dim3A_270, %broadcast_in_dim3A_271 : vector<16x100x512xi1>, vector<16x100x512xf32>
    %reduce_sum3A_273 = arith.constant dense<0.000000e+00> : vector<16x100xf32>
    %reduce_sum3A_274 = vector.multi_reduction <add>, %select_n3A_272, %reduce_sum3A_273 [2] : vector<16x100x512xf32> to vector<16x100xf32>
    %swap3A_275 = arith.constant 0 : index
    %swap3A_276 = arith.constant 100 : index
    %swap3A_277 = vector.load %arg9[%swap3A_275, %swap3A_276] : memref<16x300xf32, #tpu.memory_space<vmem>>, vector<16x100xf32>
    tpu.vector_store %arg9[%swap3A_275, %swap3A_276], %reduce_sum3A_274 {strides = array<i32>} : memref<16x300xf32, #tpu.memory_space<vmem>>, vector<16x100xf32>,
    %broadcast_in_dim3A_278 = vector.shape_cast %mul3A_115 : vector<16x512xf32> to vector<16x1x512xf32>
    %jit3A_279 = arith.constant 0.000000e+00 : f32
    %broadcast_in_dim3A_280 = vector.shape_cast %broadcast_in_dim3A_278 : vector<16x1x512xf32> to vector<16x1x512xf32>
    %broadcast_in_dim3A_281 = vector.broadcast %broadcast_in_dim3A_280 : vector<16x1x512xf32> to vector<16x100x512xf32>
    %broadcast_in_dim3A_282 = vector.broadcast %jit3A_279 : f32 to vector<16x100x512xf32>
    %select_n3A_283 = arith.select %eq3A_222, %broadcast_in_dim3A_281, %broadcast_in_dim3A_282 : vector<16x100x512xi1>, vector<16x100x512xf32>
    %reduce_sum3A_284 = arith.constant dense<0.000000e+00> : vector<16x100xf32>
    %reduce_sum3A_285 = vector.multi_reduction <add>, %select_n3A_283, %reduce_sum3A_284 [2] : vector<16x100x512xf32> to vector<16x100xf32>
    %swap3A_286 = arith.constant 0 : index
    %swap3A_287 = arith.constant 100 : index
    %swap3A_288 = vector.load %arg10[%swap3A_286, %swap3A_287] : memref<16x300xf32, #tpu.memory_space<vmem>>, vector<16x100xf32>
    tpu.vector_store %arg10[%swap3A_286, %swap3A_287], %reduce_sum3A_285 {strides = array<i32>} : memref<16x300xf32, #tpu.memory_space<vmem>>, vector<16x100xf32>,
    %broadcast_in_dim3A_289 = vector.shape_cast %mul3A_120 : vector<16x512xf32> to vector<16x1x512xf32>
    %jit3A_290 = arith.constant 0.000000e+00 : f32
    %broadcast_in_dim3A_291 = vector.shape_cast %broadcast_in_dim3A_289 : vector<16x1x512xf32> to vector<16x1x512xf32>
    %broadcast_in_dim3A_292 = vector.broadcast %broadcast_in_dim3A_291 : vector<16x1x512xf32> to vector<16x100x512xf32>
    %broadcast_in_dim3A_293 = vector.broadcast %jit3A_290 : f32 to vector<16x100x512xf32>
    %select_n3A_294 = arith.select %eq3A_222, %broadcast_in_dim3A_292, %broadcast_in_dim3A_293 : vector<16x100x512xi1>, vector<16x100x512xf32>
    %reduce_sum3A_295 = arith.constant dense<0.000000e+00> : vector<16x100xf32>
    %reduce_sum3A_296 = vector.multi_reduction <add>, %select_n3A_294, %reduce_sum3A_295 [2] : vector<16x100x512xf32> to vector<16x100xf32>
    %swap3A_297 = arith.constant 0 : index
    %swap3A_298 = arith.constant 100 : index
    %swap3A_299 = vector.load %arg11[%swap3A_297, %swap3A_298] : memref<16x300xf32, #tpu.memory_space<vmem>>, vector<16x100xf32>
    tpu.vector_store %arg11[%swap3A_297, %swap3A_298], %reduce_sum3A_296 {strides = array<i32>} : memref<16x300xf32, #tpu.memory_space<vmem>>, vector<16x100xf32>,
    %broadcast_in_dim3A_300 = vector.shape_cast %mul3A_126 : vector<16x512xf32> to vector<16x1x512xf32>
    %jit3A_301 = arith.constant 0.000000e+00 : f32
    %broadcast_in_dim3A_302 = vector.shape_cast %broadcast_in_dim3A_300 : vector<16x1x512xf32> to vector<16x1x512xf32>
    %broadcast_in_dim3A_303 = vector.broadcast %broadcast_in_dim3A_302 : vector<16x1x512xf32> to vector<16x100x512xf32>
    %broadcast_in_dim3A_304 = vector.broadcast %jit3A_301 : f32 to vector<16x100x512xf32>
    %select_n3A_305 = arith.select %eq3A_222, %broadcast_in_dim3A_303, %broadcast_in_dim3A_304 : vector<16x100x512xi1>, vector<16x100x512xf32>
    %reduce_sum3A_306 = arith.constant dense<0.000000e+00> : vector<16x100xf32>
    %reduce_sum3A_307 = vector.multi_reduction <add>, %select_n3A_305, %reduce_sum3A_306 [2] : vector<16x100x512xf32> to vector<16x100xf32>
    %swap3A_308 = arith.constant 0 : index
    %swap3A_309 = arith.constant 100 : index
    %swap3A_310 = vector.load %arg12[%swap3A_308, %swap3A_309] : memref<16x300xf32, #tpu.memory_space<vmem>>, vector<16x100xf32>
    tpu.vector_store %arg12[%swap3A_308, %swap3A_309], %reduce_sum3A_307 {strides = array<i32>} : memref<16x300xf32, #tpu.memory_space<vmem>>, vector<16x100xf32>,
    %iota3A_311 = tpu.iota {dimensions = array<i32: 1>} : vector<16x100x512xi32>
    %add3A_312 = arith.constant 200 : i32
    %add3A_313 = vector.broadcast %add3A_312 : i32 to vector<16x100x512xi32>
    %add3A_314 = arith.addi %iota3A_311, %add3A_313 : vector<16x100x512xi32>
    %broadcast_in_dim3A_315 = vector.shape_cast %concatenate3A : vector<16x512xi32> to vector<16x1x512xi32>
    %eq3A_316 = vector.broadcast %broadcast_in_dim3A_315 : vector<16x1x512xi32> to vector<16x100x512xi32>
    %eq3A_317 = arith.cmpi eq, %eq3A_316, %add3A_314 : vector<16x100x512xi32>
    %broadcast_in_dim3A_318 = vector.shape_cast %logistic3A_6 : vector<16x512xf32> to vector<16x1x512xf32>
    %jit3A_319 = arith.constant 0.000000e+00 : f32
    %broadcast_in_dim3A_320 = vector.shape_cast %broadcast_in_dim3A_318 : vector<16x1x512xf32> to vector<16x1x512xf32>
    %broadcast_in_dim3A_321 = vector.broadcast %broadcast_in_dim3A_320 : vector<16x1x512xf32> to vector<16x100x512xf32>
    %broadcast_in_dim3A_322 = vector.broadcast %jit3A_319 : f32 to vector<16x100x512xf32>
    %select_n3A_323 = arith.select %eq3A_317, %broadcast_in_dim3A_321, %broadcast_in_dim3A_322 : vector<16x100x512xi1>, vector<16x100x512xf32>
    %reduce_sum3A_324 = arith.constant dense<0.000000e+00> : vector<16x100xf32>
    %reduce_sum3A_325 = vector.multi_reduction <add>, %select_n3A_323, %reduce_sum3A_324 [2] : vector<16x100x512xf32> to vector<16x100xf32>
    %swap3A_326 = arith.constant 0 : index
    %swap3A_327 = arith.constant 200 : index
    %swap3A_328 = vector.load %arg8[%swap3A_326, %swap3A_327] : memref<16x300xf32, #tpu.memory_space<vmem>>, vector<16x100xf32>
    tpu.vector_store %arg8[%swap3A_326, %swap3A_327], %reduce_sum3A_325 {strides = array<i32>} : memref<16x300xf32, #tpu.memory_space<vmem>>, vector<16x100xf32>,
    %broadcast_in_dim3A_329 = vector.shape_cast %get3A_9 : vector<16x512xi32> to vector<16x1x512xi32>
    %jit3A_330 = arith.constant 0 : i32
    %broadcast_in_dim3A_331 = vector.shape_cast %broadcast_in_dim3A_329 : vector<16x1x512xi32> to vector<16x1x512xi32>
    %broadcast_in_dim3A_332 = vector.broadcast %broadcast_in_dim3A_331 : vector<16x1x512xi32> to vector<16x100x512xi32>
    %broadcast_in_dim3A_333 = vector.broadcast %jit3A_330 : i32 to vector<16x100x512xi32>
    %select_n3A_334 = arith.select %eq3A_317, %broadcast_in_dim3A_332, %broadcast_in_dim3A_333 : vector<16x100x512xi1>, vector<16x100x512xi32>
    %reduce_sum3A_335 = arith.constant dense<0> : vector<16x100xi32>
    %reduce_sum3A_336 = vector.multi_reduction <add>, %select_n3A_334, %reduce_sum3A_335 [2] : vector<16x100x512xi32> to vector<16x100xi32>
    %jit3A_337 = arith.constant 91 : i32
    %eq3A_338 = arith.constant 0 : i32
    %eq3A_339 = arith.cmpi eq, %jit3A_337, %eq3A_338 : i32
    %jit3A_340 = arith.constant 1 : i32
    %select_n3A_341 = arith.select %eq3A_339, %jit3A_340, %jit3A_337 : i32
    %rem3A_342 = vector.broadcast %select_n3A_341 : i32 to vector<16x100xi32>
    %rem3A_343 = arith.remsi %reduce_sum3A_336, %rem3A_342 : vector<16x100xi32>
    %ne3A_344 = arith.constant 0 : i32
    %ne3A_345 = vector.broadcast %ne3A_344 : i32 to vector<16x100xi32>
    %ne3A_346 = arith.cmpi ne, %rem3A_343, %ne3A_345 : vector<16x100xi32>
    %lt3A_347 = arith.constant 0 : i32
    %lt3A_348 = vector.broadcast %lt3A_347 : i32 to vector<16x100xi32>
    %lt3A_349 = arith.cmpi slt, %rem3A_343, %lt3A_348 : vector<16x100xi32>
    %lt3A_350 = arith.constant 0 : i32
    %lt3A_351 = arith.cmpi slt, %select_n3A_341, %lt3A_350 : i32
    %ne3A_352 = vector.broadcast %lt3A_351 : i1 to vector<16x100xi1>
    %ne3A_353 = vector.broadcast %ne3A_352 : vector<16x100xi1> to vector<16x100xi1>
    %ne3A_354 = arith.xori %lt3A_349, %ne3A_353 : vector<16x100xi1>
    %and3A_355 = arith.andi %ne3A_354, %ne3A_346 : vector<16x100xi1>
    %add3A_356 = vector.broadcast %select_n3A_341 : i32 to vector<16x100xi32>
    %add3A_357 = arith.addi %rem3A_343, %add3A_356 : vector<16x100xi32>
    %select_n3A_358 = arith.select %and3A_355, %add3A_357, %rem3A_343 : vector<16x100xi1>, vector<16x100xi32>
    %swap3A_359 = arith.constant 0 : index
    %swap3A_360 = arith.constant 200 : index
    %swap3A_361 = vector.load %arg7[%swap3A_359, %swap3A_360] : memref<16x300xi32, #tpu.memory_space<vmem>>, vector<16x100xi32>
    tpu.vector_store %arg7[%swap3A_359, %swap3A_360], %select_n3A_358 {strides = array<i32>} : memref<16x300xi32, #tpu.memory_space<vmem>>, vector<16x100xi32>,
    %broadcast_in_dim3A_362 = vector.shape_cast %mul3A_109 : vector<16x512xf32> to vector<16x1x512xf32>
    %jit3A_363 = arith.constant 0.000000e+00 : f32
    %broadcast_in_dim3A_364 = vector.shape_cast %broadcast_in_dim3A_362 : vector<16x1x512xf32> to vector<16x1x512xf32>
    %broadcast_in_dim3A_365 = vector.broadcast %broadcast_in_dim3A_364 : vector<16x1x512xf32> to vector<16x100x512xf32>
    %broadcast_in_dim3A_366 = vector.broadcast %jit3A_363 : f32 to vector<16x100x512xf32>
    %select_n3A_367 = arith.select %eq3A_317, %broadcast_in_dim3A_365, %broadcast_in_dim3A_366 : vector<16x100x512xi1>, vector<16x100x512xf32>
    %reduce_sum3A_368 = arith.constant dense<0.000000e+00> : vector<16x100xf32>
    %reduce_sum3A_369 = vector.multi_reduction <add>, %select_n3A_367, %reduce_sum3A_368 [2] : vector<16x100x512xf32> to vector<16x100xf32>
    %swap3A_370 = arith.constant 0 : index
    %swap3A_371 = arith.constant 200 : index
    %swap3A_372 = vector.load %arg9[%swap3A_370, %swap3A_371] : memref<16x300xf32, #tpu.memory_space<vmem>>, vector<16x100xf32>
    tpu.vector_store %arg9[%swap3A_370, %swap3A_371], %reduce_sum3A_369 {strides = array<i32>} : memref<16x300xf32, #tpu.memory_space<vmem>>, vector<16x100xf32>,
    %broadcast_in_dim3A_373 = vector.shape_cast %mul3A_115 : vector<16x512xf32> to vector<16x1x512xf32>
    %jit3A_374 = arith.constant 0.000000e+00 : f32
    %broadcast_in_dim3A_375 = vector.shape_cast %broadcast_in_dim3A_373 : vector<16x1x512xf32> to vector<16x1x512xf32>
    %broadcast_in_dim3A_376 = vector.broadcast %broadcast_in_dim3A_375 : vector<16x1x512xf32> to vector<16x100x512xf32>
    %broadcast_in_dim3A_377 = vector.broadcast %jit3A_374 : f32 to vector<16x100x512xf32>
    %select_n3A_378 = arith.select %eq3A_317, %broadcast_in_dim3A_376, %broadcast_in_dim3A_377 : vector<16x100x512xi1>, vector<16x100x512xf32>
    %reduce_sum3A_379 = arith.constant dense<0.000000e+00> : vector<16x100xf32>
    %reduce_sum3A_380 = vector.multi_reduction <add>, %select_n3A_378, %reduce_sum3A_379 [2] : vector<16x100x512xf32> to vector<16x100xf32>
    %swap3A_381 = arith.constant 0 : index
    %swap3A_382 = arith.constant 200 : index
    %swap3A_383 = vector.load %arg10[%swap3A_381, %swap3A_382] : memref<16x300xf32, #tpu.memory_space<vmem>>, vector<16x100xf32>
    tpu.vector_store %arg10[%swap3A_381, %swap3A_382], %reduce_sum3A_380 {strides = array<i32>} : memref<16x300xf32, #tpu.memory_space<vmem>>, vector<16x100xf32>,
    %broadcast_in_dim3A_384 = vector.shape_cast %mul3A_120 : vector<16x512xf32> to vector<16x1x512xf32>
    %jit3A_385 = arith.constant 0.000000e+00 : f32
    %broadcast_in_dim3A_386 = vector.shape_cast %broadcast_in_dim3A_384 : vector<16x1x512xf32> to vector<16x1x512xf32>
    %broadcast_in_dim3A_387 = vector.broadcast %broadcast_in_dim3A_386 : vector<16x1x512xf32> to vector<16x100x512xf32>
    %broadcast_in_dim3A_388 = vector.broadcast %jit3A_385 : f32 to vector<16x100x512xf32>
    %select_n3A_389 = arith.select %eq3A_317, %broadcast_in_dim3A_387, %broadcast_in_dim3A_388 : vector<16x100x512xi1>, vector<16x100x512xf32>
    %reduce_sum3A_390 = arith.constant dense<0.000000e+00> : vector<16x100xf32>
    %reduce_sum3A_391 = vector.multi_reduction <add>, %select_n3A_389, %reduce_sum3A_390 [2] : vector<16x100x512xf32> to vector<16x100xf32>
    %swap3A_392 = arith.constant 0 : index
    %swap3A_393 = arith.constant 200 : index
    %swap3A_394 = vector.load %arg11[%swap3A_392, %swap3A_393] : memref<16x300xf32, #tpu.memory_space<vmem>>, vector<16x100xf32>
    tpu.vector_store %arg11[%swap3A_392, %swap3A_393], %reduce_sum3A_391 {strides = array<i32>} : memref<16x300xf32, #tpu.memory_space<vmem>>, vector<16x100xf32>,
    %broadcast_in_dim3A_395 = vector.shape_cast %mul3A_126 : vector<16x512xf32> to vector<16x1x512xf32>
    %jit3A_396 = arith.constant 0.000000e+00 : f32
    %broadcast_in_dim3A_397 = vector.shape_cast %broadcast_in_dim3A_395 : vector<16x1x512xf32> to vector<16x1x512xf32>
    %broadcast_in_dim3A_398 = vector.broadcast %broadcast_in_dim3A_397 : vector<16x1x512xf32> to vector<16x100x512xf32>
    %broadcast_in_dim3A_399 = vector.broadcast %jit3A_396 : f32 to vector<16x100x512xf32>
    %select_n3A_400 = arith.select %eq3A_317, %broadcast_in_dim3A_398, %broadcast_in_dim3A_399 : vector<16x100x512xi1>, vector<16x100x512xf32>
    %reduce_sum3A_401 = arith.constant dense<0.000000e+00> : vector<16x100xf32>
    %reduce_sum3A_402 = vector.multi_reduction <add>, %select_n3A_400, %reduce_sum3A_401 [2] : vector<16x100x512xf32> to vector<16x100xf32>
    %swap3A_403 = arith.constant 0 : index
    %swap3A_404 = arith.constant 200 : index
    %swap3A_405 = vector.load %arg12[%swap3A_403, %swap3A_404] : memref<16x300xf32, #tpu.memory_space<vmem>>, vector<16x100xf32>
    tpu.vector_store %arg12[%swap3A_403, %swap3A_404], %reduce_sum3A_402 {strides = array<i32>} : memref<16x300xf32, #tpu.memory_space<vmem>>, vector<16x100xf32>,
    return
  }
}

</mosaic_0001>

<sc_bundles>
// kernel: kernel.6.cloned.1.call-start
scs
__scs_entry_jumppad:
0x0: {  	(pc) =	sbr.rel $0x88, $3  }
0x1: {  	(tag) =	ssettag $0x0;
	lr =	simm.s32 $0x1  }
0x2: {  	[smem:$0x3F9E] =	sst lr;
	_ =	strace $0xD0000000  }
0x3: {  	_ = 	snop  }
0x4: {  	_ = 	snop  }
0x5: {  	_ = 	snop  }
0x6: {  	_ = 	snop  }
0x7: {  	_ = 	snop  }
__scs_overlays_trampoline_lowered:
0x8: {  	[smem:$0x3FAD] =	sst s0  }
0x9: {  	[smem:$0x3FAE] =	sst s1  }
0xa: {  	[smem:$0x3FAF] =	sst s2  }
0xb: {  	[smem:$0x3FB0] =	sst s3  }
0xc: {  	[smem:$0x3FB1] =	sst s4  }
0xd: {  	[smem:$0x3FB2] =	sst s5  }
0xe: {  	[smem:$0x3FB3] =	sst s6  }
0xf: {  	[smem:$0x3FB4] =	sst s7  }
0x10: {  	[smem:$0x3FB5] =	sst s8  }
0x11: {  	[smem:$0x3FB6] =	sst s9;
	s0 =	simm.s32 @!p0 $0x0  }
0x12: {  	s1 =	sld [smem:$0x3F9C];
	s0 =	simm.s32 @p0 $0x1  }
0x13: {  	[smem:$0x3FB7] =	sst s0;
	s0 =	simm.s32 @!p1 $0x0  }
0x14: {  	s2 =	sld [smem:$0x3F9B];
	s0 =	simm.s32 @p1 $0x1  }
0x15: {  	[smem:$0x3FB8] =	sst s0;
	s0 =	simm.s32 @!p2 $0x0  }
0x16: {  	s3 =	sld [smem:$0x3FDB];
	s0 =	simm.s32 @p2 $0x1  }
0x17: {  	s4 =	simm.s32 $0x1BF5;
	[smem:$0x3FBA] =	sst s0  }
0x18: {  	s0 =	sld [smem:$0x3F9D];
	_ =	swait.ge [sflag:s4], $0x0  }
0x19: {  	s7 =	sld [smem:$0x3F9E]  }
0x1a: {  	s8 =	sadd.s32 $0xFFFFE003, lr  }
0x1b: {  	s9 =	sadd.s32 $0xFFFFFEF7, lr;
	s5 =	simm.s32 $0xFFFFFFFF;
	p2 =	slt.u32 s8, $0xFFFFF086  }
0x1c: {  	p1 =	slt.u32 s9, $0xF7A;
	s5 =	simm.s32 @!p2 $0x0  }
0x1d: {  	s5 =	simm.s32 @p1 $0x1;
	p0 =	seq.s32 s7, s2  }
0x1e: {  	s7 =	smul.u32 @!p0 $0xF7A, s2;
	p2 =	seq.s32 @!p0 s5, $0x0  }
0x1f: {  	s9 =	smul.u32 $0xF7A, s1;
	s8 =	simm.s32 @!p0 $0x1BF5;
	p2 =	por !p2, p0  }
0x20: {  	[sflag:s8] =	ssyncset.s32 @!p0 $0xFFFFF086;
	s6 =	sadd.s32 @!p0 s3, s7;
	s7 =	simm.s32 @!p0 $0x108  }
0x21: {  	s3 =	sadd.s32 s3, s9;
	s6 =	sadd.s32 @!p0 $0x88, s6;
	s7 =	simm.s32 @p2 $0x1082  }
0x22: {  	[simem:s7], [sflag:s8] =	dma.local @!p0 [hbm:s6], $0xF7A  }
0x23: {  	s9 =	sor.u32 $0xD0000000, s2;
	s6 =	simm.s32 $0x108;
	_ =	swait.ge @!p0 [sflag:s8], $0x0  }
0x24: {  	s3 =	sadd.s32 $0x88, s3;
	s6 =	simm.s32 @!p1 $0x1082;
	[sflag:s4] =	ssyncset.s32 $0xFFFFF086  }
0x25: {  	[simem:s6], [sflag:s4] =	dma.local [hbm:s3], $0xF7A  }
0x26: {  	[smem:$0x3F9E] =	sst s1;
	(tag) =	ssettag s2;
	_ =	strace s9  }
0x27: {  	s1 =	sld [smem:$0x3FAE]  }
0x28: {  	s2 =	sld [smem:$0x3FAF]  }
0x29: {  	s4 =	sld [smem:$0x3FB1]  }
0x2a: {  	p0 =	seq.s32 s5, $0x0;
	s5 =	sld [smem:$0x3FB2]  }
0x2b: {  	s6 =	sld [smem:$0x3FB3]  }
0x2c: {  	s7 =	sld [smem:$0x3FB4]  }
0x2d: {  	s3 =	simm.s32 $0x108;
	s8 =	sld [smem:$0x3FB5]  }
0x2e: {  	s3 =	simm.s32 @!p0 $0x1082;
	s9 =	sld [smem:$0x3FB6]  }
0x2f: {  	lr =	sadd.s32 s0, s3;
	s0 =	sld [smem:$0x3FAD]  }
0x30: {  	s3 =	sld [smem:$0x3FB0]  }
0x31: {  	[smem:$0x3FB9] =	sst s10  }
0x32: {  	s10 =	sld [smem:$0x3FB7];
	_ =	sdelay $0x3  }
0x33: {  	p0 =	seq.s32 s10, $0x1;
	s10 =	sld [smem:$0x3FB9];
	_ =	sdelay $0x3  }
0x34: {  	[smem:$0x3FB9] =	sst s10  }
0x35: {  	s10 =	sld [smem:$0x3FB8];
	_ =	sdelay $0x3  }
0x36: {  	p1 =	seq.s32 s10, $0x1;
	s10 =	sld [smem:$0x3FB9];
	_ =	sdelay $0x3  }
0x37: {  	[smem:$0x3FB9] =	sst s10  }
0x38: {  	s10 =	sld [smem:$0x3FBA]  }
0x39: {  	_ = 	snop;
	(pc) =	sbr.ind lr, $3  }
0x3a: {  	_ = 	snop  }
0x3b: {  	_ = 	snop  }
0x3c: {  	p2 =	seq.s32 s10, $0x1;
	s10 =	sld [smem:$0x3FB9]  }
0x3d: {  	_ =	shalt  }
0x3e: {  	_ =	shalt  }
0x3f: {  	_ =	shalt  }
0x40: {  	_ =	shalt  }
0x41: {  	_ =	shalt  }
0x42: {  	_ =	shalt  }
0x43: {  	_ =	shalt  }
0x44: {  	_ =	shalt  }
0x45: {  	_ =	shalt  }
0x46: {  	_ =	shalt  }
0x47: {  	_ =	shalt  }
0x48: {  	_ =	shalt  }
0x49: {  	_ =	shalt  }
0x4a: {  	_ =	shalt  }
0x4b: {  	_ =	shalt  }
0x4c: {  	_ =	shalt  }
0x4d: {  	_ =	shalt  }
0x4e: {  	_ =	shalt  }
0x4f: {  	_ =	shalt  }
0x50: {  	_ =	shalt  }
0x51: {  	_ =	shalt  }
0x52: {  	_ =	shalt  }
0x53: {  	_ =	shalt  }
0x54: {  	_ =	shalt  }
0x55: {  	_ =	shalt  }
0x56: {  	_ =	shalt  }
0x57: {  	_ =	shalt  }
0x58: {  	_ =	shalt  }
0x59: {  	_ =	shalt  }
0x5a: {  	_ =	shalt  }
0x5b: {  	_ =	shalt  }
0x5c: {  	_ =	shalt  }
0x5d: {  	_ =	shalt  }
0x5e: {  	_ =	shalt  }
0x5f: {  	_ =	shalt  }
0x60: {  	_ =	shalt  }
0x61: {  	_ =	shalt  }
0x62: {  	_ =	shalt  }
0x63: {  	_ =	shalt  }
0x64: {  	_ =	shalt  }
0x65: {  	_ =	shalt  }
0x66: {  	_ =	shalt  }
0x67: {  	_ =	shalt  }
0x68: {  	_ =	shalt  }
0x69: {  	_ =	shalt  }
0x6a: {  	_ =	shalt  }
0x6b: {  	_ =	shalt  }
0x6c: {  	_ =	shalt  }
0x6d: {  	_ =	shalt  }
0x6e: {  	_ =	shalt  }
0x6f: {  	_ =	shalt  }
0x70: {  	_ =	shalt  }
0x71: {  	_ =	shalt  }
0x72: {  	_ =	shalt  }
0x73: {  	_ =	shalt  }
0x74: {  	_ =	shalt  }
0x75: {  	_ =	shalt  }
0x76: {  	_ =	shalt  }
0x77: {  	_ =	shalt  }
0x78: {  	_ =	shalt  }
0x79: {  	_ =	shalt  }
0x7a: {  	_ =	shalt  }
0x7b: {  	_ =	shalt  }
0x7c: {  	_ =	shalt  }
0x7d: {  	_ =	shalt  }
0x7e: {  	_ =	shalt  }
0x7f: {  	_ =	shalt  }
0x80: {  	_ =	shalt  }
0x81: {  	_ =	shalt  }
0x82: {  	_ =	shalt  }
0x83: {  	_ =	shalt  }
0x84: {  	_ =	shalt  }
0x85: {  	_ =	shalt  }
0x86: {  	_ =	shalt  }
0x87: {  	_ =	shalt  }
.Lfunc_end0:
.L_simem_size_0:
called_computation_lowered:
.L_overlay_start_0:
0x88: {  	s2 =	sld [smem:$0x3FD9]  }
0x89: {  	s3 =	sld [smem:$0x3FFE];
	_ =	sdelay $0x1  }
0x8a: {  	s1 =	srdreg.scid  }
0x8b: {  	s0 =	sand.u32 $0x1, s1  }
0x8c: {  	s14 =	sshll.u32 s0, $0xA;
	s2 =	sadd.s32 s3, s2  }
0x8d: {  	s2 =	sadd.s32 s2, s14  }
0x8e: {  	[smem:$0x3FC5] =	sst s2  }
0x8f: {  	_ = 	snop  }
0x90: {  	s2 =	sld [smem:$0x3FD0];
	_ =	sdelay $0x2  }
0x91: {  	s15 =	simm.s32 $0xA;
	s4 =	simm.s32 $0x10  }
0x92: {  	[smem:s4], [sflag:s15] =	dma.local [hbm:s2], $0x1  }
0x93: {  	_ =	swait.eq [sflag:s15], $0x1  }
0x94: {  	[sflag:s15] =	ssyncset.done $0x0  }
0x95: {  	s16 =	sld [smem:$0x11];
	[sflag:s15] =	ssyncadd.s32 $0xFFFFFFFF  }
0x96: {  	s17 =	sld [smem:$0x12];
	(tm) =	ssettm $0x1  }
0x97: {  	s18 =	sld [smem:$0x3FFB];
	_ =	sdelay $0x3  }
0x98: {  	_ =	strace s18  }
0x99: {  	s4 =	sld [smem:$0x3FFC];
	_ =	sdelay $0x3  }
0x9a: {  	_ =	strace s4  }
0x9b: {  	s4 =	sld [smem:$0x3FFD];
	_ =	sdelay $0x3  }
0x9c: {  	_ =	strace s4  }
0x9d: {  	_ =	strace $0x8FFFFFFF  }
0x9e: {  	s19 =	sld [smem:$0x3FDB];
	_ =	sdelay $0x1  }
0x9f: {  	s5 =	simm.s32 $_scs_section_size  }
0xa0: {  	s6 =	simm.s32 $_size__tile_overlayer_lowered;
	s7 =	simm.s32 $_tile_overlayer_lowered  }
0xa1: {  	s22 =	simm.s32 $0x1BFF;
	s21 =	sshll.u32 s7, $0x1;
	s4 =	sadd.s32 s5, s19  }
0xa2: {  	s8 =	simm.s32 $0x0;
	s20 =	sshll.u32 s6, $0x1;
	s6 =	sadd.s32 s21, s4  }
0xa3: {  	[timem:s8], [sflag:s22] =	dma.local [hbm:s6], s20  }
0xa4: {  	_ =	swait.ge [sflag:s22], s20  }
0xa5: {  	s5 =	ssub.s32 $0x0, s20;
	[sflag:s22] =	ssyncset.done $0x0  }
0xa6: {  	[sflag:s22] =	ssyncadd.s32 s5;
	_ =	sdelay $0x1  }
0xa7: {  	s23 =	simm.s32 $0x1B8B  }
0xa8: {  	_ =	swait.ge [sflag:s23], $0x1  }
0xa9: {  	[sflag:s23] =	ssyncset.done $0x0  }
0xaa: {  	s25 =	simm.s32 $0x1B8E;
	s24 =	sld [smem:$0x3FFE];
	[sflag:s23] =	ssyncadd.s32 $0xFFFFFFFF  }
0xab: {  	s26 =	simm.s32 $execute0_lowered;
	[smem:$0x3FD2] =	sst s25  }
0xac: {  	s6 =	sshll.u32 s26, $0x1;
	_ =	strace $0x80000046;
	[dreg:$0x1] =	wrdreg $0xFFFFFFFF  }
0xad: {  	s28 =	simm.s32 $_size_execute0_lowered;
	s4 =	sadd.s32 s4, s6;
	[dreg:$0x0] =	wrdreg $0x0  }
0xae: {  	s6 =	sshll.u32 s28, $0x1;
	[dreg:$0x2] =	wrdreg s4  }
0xaf: {  	[dreg:$0x3] =	wrdreg s6  }
0xb0: {  	[dreg:$0x4] =	wrdreg $0xC0  }
0xb1: {  	_ =	task [dreg:s8], $0x5FFFF  }
0xb2: {  	[dreg:$0x1] =	wrdreg $0xFFFFFFFF  }
0xb3: {  	[dreg:$0x0] =	wrdreg $0x60  }
0xb4: {  	[dreg:$0x2] =	wrdreg s24  }
0xb5: {  	[dreg:$0x3] =	wrdreg s17  }
0xb6: {  	[dreg:$0x4] =	wrdreg s16  }
0xb7: {  	[dreg:$0x5] =	wrdreg $0x9  }
0xb8: {  	_ =	task.clear_ibuf [dreg:s8], $0x6FFFF;
	_ =	strace $0x90000046  }
0xb9: {  	s29 =	simm.s32 $0x9;
	_ =	strace $0x80000048  }
0xba: {  	_ =	swait.ge [sflag:s29], $0x1  }
0xbb: {  	[sflag:s29] =	ssyncadd.s32 $0xFFFFFFFF  }
0xbc: {  	_ =	strace $0x90000048  }
0xbd: {  	_ =	sfence  }
0xbe: {  	s30 =	sld [smem:$0x0];
	_ =	sdelay $0x2  }
0xbf: {  	s31 =	sshll.u32 s1, $0xD;
	s1 =	sshrl.u32 s1, $0x2  }
0xc0: {  	s3 =	sand.u32 $0x4000, s31;
	s1 =	sadd.s32 s1, s30  }
0xc1: {  	s0 =	sor.u32 s3, s0;
	s1 =	sshll.u32 s1, $0x11  }
0xc2: {  	s0 =	sor.u32 s1, s0  }
0xc3: {  	s0 =	sadd.s32 $0x8F2B, s0  }
0xc4: {  	[sflag:s0] =	ssyncadd.remote.s32 $0x1  }
0xc5: {  	_ =	sfence.sel $0xFFFF  }
0xc6: {  	[dreg:$0x0] =	wrdreg $0xFFFFFFFF;
	(pc) =	sbr.abs _section_cstart, $3  }
0xc7: {  	[dreg:$0x1] =	wrdreg $0xFFFFFFFF  }
0xc8: {  	_ =	task.clear_ibuf [dreg:s8], $0x2FFFF;
	_ =	strace $0x9FFFFFFF  }
0xc9: {  	(tm) =	ssettm $0x7FFFFFFF  }
tec
execute0_lowered:
.L_overlay_start_1:
0x0: {  	(tag) =	ssettag $0x1  }
0x1: {  	s0 =	srdreg.scid  }
0x2: {  	s5 =	stileid.u32;
	s25 =	rddreg [dreg:$0x0]  }
0x3: {  	s2 =	simm.s32 $0x1;
	s3 =	rddreg [dreg:$0x1];
	s0 =	sand.u32 $0x1, s0  }
0x4: {  	s4 =	rddreg [dreg:$0x2];
	s10 =	simm.s32 $0x0;
	s1 =	sor.u32 s0, s5  }
0x5: {  	s12 =	simm.s32 $0x1;
	p1 =	seq.s32 s0, $0x1;
	p0 =	seq.s32 s1, $0x0  }
0x6: {  	[smem:$0x7FF] =	sst s10;
	s11 =	sadd.s32 $0xE00, s25;
	p0 =	por !p0, !p1  }
0x7: {  	s8 =	sadd.s32 $0x9CEC00, s25;
	s7 =	smul.u32 $0x2710, s0;
	p0 =	por !p0, !p0  }
0x8: {  	_ =	strace $0x80000047;
	[dreg:$0x13] =	wrdreg s8;
	s2 =	simm.s32 @!p0 $0x0  }
0x9: {  	s14 =	simm.s32 $0x6B00;
	[dreg:$0x12] =	wrdreg s11;
	s2 =	ssub.s32 s5, s2  }
0xa: {  	[dreg:$0x11] =	wrdreg s7;
	s5 =	smul.u32 $0x4E20, s2;
	s6 =	sshll.u32 s2, $0x1  }
0xb: {  	s2 =	sshll.u32 s2, $0x4;
	s6 =	sor.u32 s0, s6;
	s0 =	ssub.s32 $0x2, s0  }
0xc: {  	s2 =	sand.u32 $0x1FFFFFF0, s2;
	s7 =	sadd.s32 s7, s5;
	s26 =	sshll.u32 s6, $0x5  }
0xd: {  	v0 =	vlaneseq.u32;
	s6 =	sshll.u32 s6, $0x7;
	s28 =	sshrl.u32 s0, $0x1;
	s2 =	sadd.s32 s3, s2  }
0xe: {  	v3 =	vimm.f32 $-Inf;
	v4 =	vimm.s32 $0x0;
	v10 =	vimm.s32 $0xECA86420;
	s13 =	sshrl.u32 s5, $0x3;
	s7 =	sshrl.u32 s7, $0x3;
	s8 =	sand.u32 $0x1FFFFFE0, s26  }
0xf: {  	vm0 =	vcmask $0x3F14;
	vm1 =	vcmask $0xB08;
	vm2 =	vcmask $0x1310;
	s6 =	sand.u32 $0x1FFFFF80, s6;
	s0 =	ssub.s32 s0, s28;
	[dreg:$0x14] =	wrdreg s2  }
0x10: {  	vm3 =	vcmask $0x1B18;
	vm4 =	vcmask $0x300;
	vm5 =	vcmask $0x2320;
	s2 =	simm.s32 $0x0;
	[dreg:$0x16] =	wrdreg s13;
	s30 =	sadd.s32 s4, s8  }
0x11: {  	vm6 =	vcmask $0x2B28;
	vm7 =	vcmask $0x3330;
	vm8 =	vcmask $0x3B38;
	s7 =	sadd.s32 s7, s25;
	s0 =	smax.u32 s0, $0x1;
	[dreg:$0x18] =	wrdreg s30  }
0x12: {  	vm9 =	vmmov $0xff;
	v2 =	vmul.u32 $0x31D, v0;
	v5 =	vor.u32 $0x10, v0;
	s1 =	sadd.s32 s6, s25;
	s29 =	sadd.s32 $0x4E2E00, s7;
	[dreg:$0x1a] =	wrdreg s0  }
0x13: {  	v6 =	vor.u32 $0x20, v0;
	v7 =	vor.u32 $0x30, v0;
	v10 =	vunpack.c.l.s4.s8 v10;
	s9 =	sadd.s32 s8, s25;
	s1 =	sadd.s32 $0x4ED000, s1;
	[dreg:$0x15] =	wrdreg s29  }
0x14: {  	v8 =	vor.u32 $0x40, v0;
	v9 =	vadd.s32 $0x4B, v0;
	v11 =	vmul.u32 $0x2, v0;
	s8 =	simm.s32 $0x2800;
	s31 =	sadd.s32 $0x4ECC00, s9;
	[dreg:$0x17] =	wrdreg s1  }
0x15: {  	v12 =	vand.u32 $0x3, v0;
	v10 =	vunpack.c.0.s8.s32 v10;
	v1 =	vmov s5;
	s9 =	simm.s32 $0x6980;
	[dreg:$0x19] =	wrdreg s31;
	s1 =	simm.s32 $0x2  }
.LBB2_1:
0x16: {  	v13 =	vmov s10  }
0x17: {  	v13 =	vmul.u32 $0x31D, v13  }
0x18: {  	[dreg:$0x1b] =	wrdreg s2;
	s28 =	simm.s32 $0x10  }
0x19: {  	s0 =	rddreg [dreg:$0x14];
	v14 =	vmov s28;
	v13 =	vbroadcast v13, $0x0  }
0x1a: {  	[tilespmem:s10], [sflag:$0x2] =	stream.linear.gather [hbm4b:s0+s10], $0x10, $0x38;
	v14 =	vmul.u32 $0x31D, v14;
	[tilespmem:$0x7580] =	vst v63  }
0x1b: {  	_ =	swait.ge [sflag:s1], $0x10;
	v15 =	vadd.s32 v2, v13  }
0x1c: {  	s30 =	simm.s32 $0x80;
	[sflag:s1] =	ssyncset.done $0x0;
	v14 =	vbroadcast v14, $0x0;
	v16 =	vmulhi.u32 $0xD1B71759, v15  }
0x1d: {  	s31 =	simm.s32 $0x20;
	s29 =	rddreg [dreg:$0x15];
	[sflag:s1] =	ssyncadd.s32 $0xFFFFFFF0  }
0x1e: {  	v13 =	vld [tilespmem:$0x0];
	[tilespmem:s30], [sflag:$0x2] =	stream.linear.gather [hbm4b:s29+s10], $0x2710, $0x38;
	v17 =	vadd.s32 v2, v14;
	v16 =	vshrl.u32 v16, $0xE  }
0x1f: {  	_ =	swait.ge [sflag:s1], $0x2710;
	v18 =	vmulhi.u32 $0xD1B71759, v17;
	v14 =	vmul.u32 $0x4E20, v16;
	v16 =	vmov s31  }
0x20: {  	[sflag:s1] =	ssyncset.done $0x0;
	v16 =	vmul.u32 $0x31D, v16  }
0x21: {  	[sflag:s1] =	ssyncadd.s32 $0xFFFFD8F0;
	v14 =	vsub.s32 v15, v14;
	v15 =	vshrl.u32 v18, $0xE  }
0x22: {  	[tilespmem:s8+$0x0] =	vst v14;
	v14 =	vmul.u32 $0x5B, v14;
	v16 =	vbroadcast v16, $0x0;
	v15 =	vmul.u32 $0x4E20, v15  }
0x23: {  	s2 =	simm.s32 $0x30;
	[tilespmem:s9+$0x0] =	vst v3  }
0x24: {  	s3 =	simm.s32 $0x6980;
	s0 =	simm.s32 $0x2810;
	s1 =	simm.s32 $0x6B00;
	[tilespmem:s14+$0x0] =	vst v14;
	v14 =	vadd.s32 v2, v16;
	v15 =	vsub.s32 v17, v15  }
.LBB2_2:
0x25: {  	v16 =	vmov s2;
	p0 =	sne.s32 s2, $0x100;
	s2 =	sadd.s32 $0x10, s2;
	v17 =	vmulhi.u32 $0xD1B71759, v14;
	[tilespmem:s0+$0x0] =	vst v15;
	v15 =	vmul.u32 $0x5B, v15;
	s3 =	sadd.s32 $0x10, s3  }
.Ltmp0:
0x26: {  	s1 =	sadd.s32 $0x10, s1;
	v16 =	vmul.u32 $0x31D, v16;
	[tilespmem:s3+$0x0] =	vst v3;
	(pc) =	sbr.rel @p0 .LBB2_2-.Ltmp0, $3  }
0x27: {  	v17 =	vshrl.u32 v17, $0xE;
	[tilespmem:s1+$0x0] =	vst v15  }
0x28: {  	v16 =	vbroadcast v16, $0x0;
	v15 =	vmul.u32 $0x4E20, v17;
	_ =	sdelay $0x1  }
0x29: {  	s0 =	sadd.s32 $0x10, s0;
	v15 =	vsub.s32 v14, v15;
	v14 =	vadd.s32 v2, v16  }
0x2a: {  	v16 =	vmulhi.u32 $0xD1B71759, v14;
	_ =	sdelay $0x1  }
0x2b: {  	v16 =	vshrl.u32 v16, $0xE  }
0x2c: {  	[tilespmem:s0+$0x0] =	vst v15;
	v15 =	vmul.u32 $0x5B, v15;
	s2 =	sadd.s32 $0x10, s3;
	v16 =	vmul.u32 $0x4E20, v16  }
0x2d: {  	s1 =	sadd.s32 $0x10, s1;
	[tilespmem:s2+$0x0] =	vst v3  }
0x2e: {  	s28 =	sadd.s32 $0x10, s0;
	[tilespmem:s1+$0x0] =	vst v15;
	v14 =	vsub.s32 v14, v16  }
0x2f: {  	s29 =	sadd.s32 $0x10, s2;
	[tilespmem:s28+$0x0] =	vst v14;
	v14 =	vmul.u32 $0x5B, v14  }
0x30: {  	s30 =	sadd.s32 $0x10, s1;
	[tilespmem:s29+$0x0] =	vst v3  }
0x31: {  	s31 =	simm.s32 $0x0;
	[tilespmem:s30+$0x0] =	vst v14  }
0x32: {  	v14 =	vld [tilespmem:s31+$0x80];
	_ =	sdelay $0x4  }
0x33: {  	vm10 =	vge.f32 v14, v13  }
0x34: {  	v14 =	vsel vm10, $0x1, v4  }
0x35: {  	(xrf0) =	vadd.scan.msk.s32 $0xffff, v14;
	_ =	sdelay $0x5  }
0x36: {  	v14, _, _ =	vpop (xrf0)  }
0x37: {  	s1 =	simm.s32 $0x0;
	v62 =	vxor.u32 $0x80000000, v14  }
0x38: {  	v15 =	vmov s1;
	(xrf0) =	vmax.scan.msk.u32 $0xffff, v62  }
0x39: {  	v15 =	vadd.s32 $0xFFFFFFFF, v15  }
0x3a: {  	v15 =	vbroadcast v15, $0x0;
	_ =	sdelay $0x2  }
0x3b: {  	v14 =	vadd.s32 v14, v15  }
0x3c: {  	v15, _, _ =	vpop (xrf0)  }
0x3d: {  	(v2sf) =	vpush v15, $0xF  }
0x3e: {  	s0 =	rddreg [dreg:$0x11]  }
0x3f: {  	v63 =	vor.u32 s0, v0  }
0x40: {  	s3 =	simm.s32 $0x10;
	s2 =	simm.s32 $0x80;
	[tilespmem:v14+s8+$0x0] =	vst.idx.msk vm10, v63  }
.LBB2_4:
0x41: {  	p0 =	sne.s32 s2, $0x9C00;
	v14 =	vld [tilespmem:s3+$0x80];
	_ =	sdelay $0x4  }
0x42: {  	vm10 =	vge.f32 v14, v13  }
0x43: {  	v14 =	vsel vm10, $0x1, v4  }
0x44: {  	(xrf0) =	vadd.scan.msk.s32 $0xffff, v14;
	_ =	sdelay $0x3  }
0x45: {  	s3 =	spop (v2sf)  }
0x46: {  	s1 =	sadd.s32 s3, s1  }
0x47: {  	v14, _, _ =	vpop (xrf0);
	s1 =	sadd.s32 $0x80000000, s1  }
0x48: {  	v15 =	vxor.u32 $0x80000000, v14;
	p1 =	slt.s32 s1, $0x100  }
0x49: {  	(xrf0) =	vmax.scan.msk.u32 $0xffff, v15;
	s1 =	simm.s32 @!p1 $0x100  }
0x4a: {  	v15 =	vmov s1  }
0x4b: {  	v15 =	vadd.s32 $0xFFFFFFFF, v15  }
0x4c: {  	v16 =	vbroadcast v15, $0x0;
	_ =	sdelay $0x1  }
0x4d: {  	v14 =	vadd.s32 v14, v16  }
.Ltmp1:
0x4e: {  	v15, _, _ =	vpop (xrf0);
	(pc) =	sbr.rel @p0 .LBB2_4-.Ltmp1, $4  }
0x4f: {  	(v2sf) =	vpush v15, $0xF  }
0x50: {  	s0 =	sadd.s32 $0x10, s0  }
0x51: {  	v15 =	vor.u32 s0, v0  }
0x52: {  	s3 =	sshra.s32 s2, $0x2;
	s2 =	sadd.s32 $0x40, s2;
	[tilespmem:v14+s8+$0x0] =	vst.idx.msk vm10, v15  }
0x53: {  	v14 =	vld [tilespmem:s3+$0x80];
	_ =	sdelay $0x4  }
0x54: {  	vm10 =	vge.f32 v14, v13  }
0x55: {  	v14 =	vsel vm10, $0x1, v4  }
0x56: {  	(xrf0) =	vadd.scan.msk.s32 $0xffff, v14;
	_ =	sdelay $0x5  }
0x57: {  	v14, _, _ =	vpop (xrf0)  }
0x58: {  	v15 =	vxor.u32 $0x80000000, v14  }
0x59: {  	(xrf0) =	vmax.scan.msk.u32 $0xffff, v15;
	_ =	sdelay $0x5  }
0x5a: {  	v15, _, _ =	vpop (xrf0)  }
0x5b: {  	(v2sf) =	vpush v15, $0xF;
	_ =	sdelay $0xa  }
0x5c: {  	s2 =	spop (v2sf)  }
0x5d: {  	s1 =	sadd.s32 s2, s1  }
0x5e: {  	s1 =	sadd.s32 $0x80000000, s1  }
0x5f: {  	p0 =	slt.s32 s1, $0x100  }
0x60: {  	s1 =	simm.s32 @!p0 $0x100;
	s22 =	spop (v2sf)  }
0x61: {  	s2 =	sadd.s32 s22, s1  }
0x62: {  	s24 =	sadd.s32 $0x80000000, s2  }
0x63: {  	p0 =	slt.s32 s24, $0x100  }
0x64: {  	p1 =	slt.s32 s24, $0xFFFFFFF2;
	s24 =	simm.s32 @!p0 $0x100  }
0x65: {  	s23 =	sadd.s32 $0xF, s24  }
0x66: {  	s25 =	sand.u32 $0xF, s23  }
0x67: {  	s26 =	sshra.s32 s23, $0x1F;
	p6 =	sne.s32 s25, $0x0  }
0x68: {  	v15 =	vmov s1;
	s31 =	sshrl.u32 s26, $0x1C;
	p0 =	por !p1, !p6  }
0x69: {  	v15 =	vadd.s32 $0xFFFFFFFF, v15;
	s2 =	simm.s32 $0x1;
	s1 =	sadd.s32 s31, s23;
	p0 =	por !p0, !p0  }
0x6a: {  	v15 =	vbroadcast v15, $0x0;
	s1 =	sshra.s32 s1, $0x4;
	s2 =	simm.s32 @!p0 $0x0  }
0x6b: {  	s25 =	ssub.s32 s1, s2  }
0x6c: {  	v14 =	vadd.s32 v14, v15;
	p0 =	slt.s32 s25, $0x1  }
.Ltmp2:
0x6d: {  	_ = 	snop;
	(pc) =	sbr.rel @!p0 .LBB2_6-.Ltmp2, $4  }
0x6e: {  	_ = 	snop  }
0x6f: {  	s0 =	sadd.s32 $0x10, s0  }
0x70: {  	s30 =	simm.s32 $0x0;
	v15 =	vor.u32 s0, v0  }
0x71: {  	s29 =	simm.s32 $0x0;
	[tilespmem:v14+s8+$0x0] =	vst.idx.msk vm10, v15;
	s28 =	smov.u32 s24;
	s26 =	simm.s32 $0x0  }
.LBB2_23:
0x72: {  	s1 =	simm.s32 $0x0  }
0x73: {  	v13 =	vld [tilespmem:s1+$0x6B00];
	_ =	sdelay $0x4  }
0x74: {  	(v2sf) =	vpush v13, $0x7  }
0x75: {  	(v2sf) =	vpush v13, $0xF  }
0x76: {  	(v2sf) =	vpush v13, $0x6  }
0x77: {  	(v2sf) =	vpush v13, $0x5  }
0x78: {  	(v2sf) =	vpush v13, $0x4  }
0x79: {  	(v2sf) =	vpush v13, $0x3  }
0x7a: {  	(v2sf) =	vpush v13, $0xB  }
0x7b: {  	(v2sf) =	vpush v13, $0xE  }
0x7c: {  	(v2sf) =	vpush v13, $0xA;
	_ =	sdelay $0x2  }
0x7d: {  	(v2sf) =	vpush v13, $0x0  }
0x7e: {  	(v2sf) =	vpush v13, $0x9  }
0x7f: {  	(v2sf) =	vpush v13, $0x2  }
0x80: {  	s0 =	simm.s32 $0x0;
	(v2sf) =	vpush v13, $0xD  }
0x81: {  	[dreg:$0x4] =	wrdreg s0;
	s12 =	spop (v2sf)  }
0x82: {  	(v2sf) =	vpush v13, $0xC;
	s5 =	spop (v2sf);
	s30 =	smulhi.u32 $0xB40B40B5, s12  }
0x83: {  	(v2sf) =	vpush v13, $0x8;
	s18 =	spop (v2sf);
	s7 =	smulhi.u32 $0xB40B40B5, s5;
	s29 =	sshra.s32 s5, $0x1F  }
0x84: {  	s3 =	spop (v2sf);
	s9 =	smul.u32 $0xB40B40B5, s29  }
0x85: {  	s4 =	spop (v2sf);
	s8 =	smulhi.u32 $0xB40B40B5, s3  }
0x86: {  	s0 =	spop (v2sf);
	s6 =	smulhi.u32 $0xB40B40B5, s4  }
0x87: {  	(v2sf) =	vpush v13, $0x1;
	s2 =	spop (v2sf);
	s10 =	smulhi.u32 $0xB40B40B5, s0;
	s11 =	sshra.s32 s0, $0x1F  }
0x88: {  	s13 =	spop (v2sf);
	s11 =	smul.u32 $0xB40B40B5, s11  }
0x89: {  	s29 =	simm.s32 $0x10;
	s14 =	spop (v2sf);
	s15 =	smulhi.u32 $0xB40B40B5, s13  }
0x8a: {  	[dreg:$0x6] =	wrdreg s18;
	s23 =	sshra.s32 s13, $0x1F;
	s16 =	smulhi.u32 $0xB40B40B5, s14  }
0x8b: {  	[dreg:$0x5] =	wrdreg s29;
	s20 =	sshra.s32 s14, $0x1F;
	s23 =	smul.u32 $0xB40B40B5, s23  }
0x8c: {  	s19 =	spop (v2sf);
	s20 =	smul.u32 $0xB40B40B5, s20  }
0x8d: {  	s21 =	spop (v2sf);
	s24 =	smulhi.u32 $0xB40B40B5, s19  }
0x8e: {  	s13 =	ssub.s32 s15, s13;
	s25 =	spop (v2sf);
	s17 =	ssub.s32 s16, s14  }
0x8f: {  	s14 =	smulhi.u32 $0xB40B40B5, s21;
	s26 =	sadd.s32 s23, s13;
	s22 =	spop (v2sf)  }
0x90: {  	s16 =	sadd.s32 s20, s17;
	s17 =	simm.s32 $0x10;
	s23 =	smulhi.u32 $0xB40B40B5, s25  }
0x91: {  	s28 =	spop (v2sf);
	s14 =	ssub.s32 s14, s21;
	s21 =	sshra.s32 s21, $0x1F  }
0x92: {  	s5 =	ssub.s32 s7, s5;
	v14 =	vld [tilespmem:s17+$0x6B00];
	s20 =	spop (v2sf);
	s21 =	smul.u32 $0xB40B40B5, s21  }
0x93: {  	s10 =	ssub.s32 s10, s0;
	s15 =	smulhi.u32 $0xB40B40B5, s20;
	s1 =	sshra.s32 s20, $0x1F  }
0x94: {  	s31 =	sadd.s32 s11, s10;
	[dreg:$0x7] =	wrdreg s26;
	s17 =	smul.u32 $0xB40B40B5, s1  }
0x95: {  	s1 =	ssub.s32 s24, s19;
	s14 =	sadd.s32 s21, s14;
	s24 =	simm.s32 $0x80  }
0x96: {  	s21 =	smulhi.u32 $0xB40B40B5, s28;
	s0 =	ssub.s32 s15, s20;
	s20 =	spop (v2sf)  }
0x97: {  	s29 =	sadd.s32 s17, s0;
	s17 =	sshra.s32 s19, $0x1F;
	(v2sf) =	vpush v14, $0x7;
	s0 =	smulhi.u32 $0xB40B40B5, s20  }
0x98: {  	s15 =	sadd.s32 s9, s5;
	s26 =	sshra.s32 s20, $0x1F;
	(v2sf) =	vpush v14, $0xF;
	s19 =	smul.u32 $0xB40B40B5, s17  }
0x99: {  	v15 =	vmov s29;
	s17 =	sshra.s32 s18, $0x1F;
	s29 =	sshra.s32 s2, $0x1F;
	s11 =	smul.u32 $0xB40B40B5, s26;
	(v2sf) =	vpush v14, $0x6  }
0x9a: {  	s26 =	sshra.s32 s28, $0x1F;
	s5 =	ssub.s32 s0, s20;
	s20 =	smulhi.u32 $0xB40B40B5, s22;
	(v2sf) =	vpush v14, $0x5  }
0x9b: {  	v15 =	vsel vm1, s14, v15;
	s13 =	sadd.s32 s19, s1;
	s0 =	sshra.s32 s3, $0x1F;
	s19 =	smul.u32 $0xB40B40B5, s26;
	(v2sf) =	vpush v14, $0x4  }
0x9c: {  	v15 =	vsel vm2, s16, v15;
	s26 =	ssub.s32 s30, s12;
	s16 =	smul.u32 $0xB40B40B5, s29;
	s5 =	sadd.s32 s11, s5;
	(v2sf) =	vpush v14, $0x3  }
0x9d: {  	s11 =	ssub.s32 s23, s25;
	s23 =	sshra.s32 s25, $0x1F;
	s25 =	ssub.s32 s8, s3;
	(v2sf) =	vpush v14, $0xB  }
0x9e: {  	s3 =	ssub.s32 s6, s4;
	s4 =	sshra.s32 s4, $0x1F;
	s8 =	smul.u32 $0xB40B40B5, s23;
	(v2sf) =	vpush v14, $0xE  }
0x9f: {  	s7 =	ssub.s32 s20, s22;
	s23 =	ssub.s32 s21, s28;
	s28 =	smulhi.u32 $0xB40B40B5, s2;
	(v2sf) =	vpush v14, $0xA  }
0xa0: {  	s22 =	sshra.s32 s22, $0x1F;
	[dreg:$0x9] =	wrdreg s25;
	s14 =	smul.u32 $0xB40B40B5, s4;
	(v2sf) =	vpush v14, $0x0  }
0xa1: {  	s10 =	smul.u32 $0xB40B40B5, s22;
	s9 =	ssub.s32 s28, s2;
	s2 =	sshra.s32 s12, $0x1F;
	(v2sf) =	vpush v14, $0x9  }
.LBB2_24:
0xa2: {  	s6 =	smul.u32 $0xB40B40B5, s0  }
0xa3: {  	v16 =	vmov s13;
	s13 =	sadd.s32 $0x40, s24;
	p0 =	sne.s32 s24, $0x3C0;
	s1 =	rddreg [dreg:$0x7]  }
0xa4: {  	s21 =	sadd.s32 s8, s11;
	s2 =	smul.u32 $0xB40B40B5, s2;
	s25 =	rddreg [dreg:$0x9]  }
0xa5: {  	s4 =	sadd.s32 s19, s23;
	s23 =	smov.u32 s24;
	[dreg:$0x8] =	wrdreg s13  }
0xa6: {  	s7 =	sadd.s32 s10, s7;
	v16 =	vnsel vm4, $0x0, v16;
	s19 =	rddreg [dreg:$0x6];
	s24 =	smul.u32 $0xB40B40B5, s17  }
0xa7: {  	s22 =	sadd.s32 s14, s3;
	v17 =	vmov s4;
	s20 =	smulhi.u32 $0xB40B40B5, s19;
	v16 =	vsel vm1, s5, v16;
	s5 =	spop (v2sf)  }
0xa8: {  	s6 =	sadd.s32 s6, s25;
	v17 =	vsel vm1, s7, v17;
	s29 =	smulhi.u32 $0xB40B40B5, s5;
	s7 =	spop (v2sf)  }
0xa9: {  	s28 =	sadd.s32 s2, s26;
	s3 =	sshra.s32 s7, $0x1F;
	s4 =	spop (v2sf)  }
0xaa: {  	(v2sf) =	vpush v14, $0x2;
	v16 =	vsel vm2, s21, v16;
	s0 =	ssub.s32 s20, s19;
	[dreg:$0xb] =	wrdreg s29;
	s2 =	smul.u32 $0xB40B40B5, s3  }
0xab: {  	(v2sf) =	vpush v14, $0xD;
	v16 =	vsel vm3, s31, v16;
	s30 =	sadd.s32 s24, s0;
	s8 =	smulhi.u32 $0xB40B40B5, s7;
	[dreg:$0x6] =	wrdreg s4  }
0xac: {  	v16 =	vsel vm5, s22, v16;
	s0 =	sshra.s32 s4, $0x1F;
	[dreg:$0x10] =	wrdreg s2;
	s2 =	spop (v2sf)  }
0xad: {  	(v2sf) =	vpush v14, $0xC;
	v16 =	vsel vm6, s6, v16;
	[dreg:$0xd] =	wrdreg s0;
	s10 =	smulhi.u32 $0xB40B40B5, s2;
	s6 =	sshra.s32 s2, $0x1F  }
0xae: {  	s3 =	spop (v2sf);
	[dreg:$0xa] =	wrdreg s6  }
0xaf: {  	(v2sf) =	vpush v14, $0x8;
	v17 =	vsel vm2, s1, v17;
	s11 =	smulhi.u32 $0xB40B40B5, s3;
	s12 =	sshra.s32 s3, $0x1F;
	s13 =	spop (v2sf)  }
0xb0: {  	s18 =	sadd.s32 s16, s9;
	(v2sf) =	vpush v14, $0x1;
	v17 =	vsel vm3, s15, v17;
	[dreg:$0xc] =	wrdreg s12;
	s15 =	smulhi.u32 $0xB40B40B5, s13  }
0xb1: {  	s16 =	sshra.s32 s13, $0x1F;
	s12 =	spop (v2sf);
	[dreg:$0xf] =	wrdreg s11  }
0xb2: {  	v15 =	vsel vm3, s18, v15;
	s2 =	ssub.s32 s10, s2;
	s11 =	smul.u32 $0xB40B40B5, s16;
	s18 =	spop (v2sf)  }
0xb3: {  	v16 =	vsel vm7, s30, v16;
	s17 =	sshra.s32 s12, $0x1F;
	[dreg:$0x9] =	wrdreg s2;
	s21 =	smulhi.u32 $0xB40B40B5, s18  }
0xb4: {  	v15 =	vcombine.low v15, v17;
	v16 =	vsel vm8, s28, v16;
	s28 =	spop (v2sf);
	s16 =	ssub.s32 s15, s13;
	s13 =	smulhi.u32 $0xB40B40B5, s12  }
0xb5: {  	[dreg:$0xe] =	wrdreg s17;
	s20 =	sshra.s32 s18, $0x1F;
	s29 =	smulhi.u32 $0xB40B40B5, s28  }
0xb6: {  	v15 =	vperm.xlane v15, v10;
	v16 =	vperm.xlane v16, v11;
	s30 =	sshra.s32 s28, $0x1F;
	s19 =	spop (v2sf);
	s0 =	smul.u32 $0xB40B40B5, s20  }
0xb7: {  	s2 =	sshra.s32 s5, $0x1F;
	s14 =	smul.u32 $0xB40B40B5, s30;
	s1 =	spop (v2sf)  }
0xb8: {  	v15 =	vsel vm9, v16, v15;
	s9 =	smulhi.u32 $0xB40B40B5, s19;
	s15 =	ssub.s32 s21, s18;
	s4 =	sshra.s32 s19, $0x1F  }
0xb9: {  	v15 =	vadd.s32 v13, v15;
	s6 =	ssub.s32 s29, s28;
	s24 =	spop (v2sf);
	s0 =	sadd.s32 s0, s15  }
0xba: {  	v16 =	vshrl.u32 v15, $0x1F;
	v15 =	vshra.s32 v15, $0x6;
	s14 =	sadd.s32 s14, s6;
	s25 =	smulhi.u32 $0xB40B40B5, s24;
	s30 =	spop (v2sf)  }
0xbb: {  	v15 =	vadd.s32 v16, v15;
	s6 =	sshra.s32 s23, $0x2;
	s23 =	smulhi.u32 $0xB40B40B5, s1;
	[dreg:$0x7] =	wrdreg s0  }
0xbc: {  	v16 =	vmul.u32 $0xFFFFFFA5, v15;
	s26 =	sshra.s32 s24, $0x1F;
	s22 =	spop (v2sf);
	s31 =	smulhi.u32 $0xB40B40B5, s30  }
0xbd: {  	v17 =	vsub.s32 $0x0, v13;
	s18 =	ssub.s32 s8, s7;
	s8 =	smul.u32 $0xB40B40B5, s26;
	s26 =	rddreg [dreg:$0x10]  }
0xbe: {  	vm10 =	vlt.s32 v13, $0x1;
	v13 =	vmov v14;
	vm11 =	vne.s32 v16, v17;
	v14 =	vld [tilespmem:s6+$0x6B00];
	s10 =	sshra.s32 s30, $0x1F;
	s29 =	spop (v2sf);
	s21 =	smulhi.u32 $0xB40B40B5, s22  }
0xbf: {  	vm10 =	vmand vm10, vm11;
	s17 =	sshra.s32 s22, $0x1F;
	s10 =	smul.u32 $0xB40B40B5, s10;
	s28 =	spop (v2sf)  }
0xc0: {  	v16 =	vsel vm10, $0xFFFFFFFF, v4;
	s20 =	sshra.s32 s29, $0x1F;
	s15 =	smulhi.u32 $0xB40B40B5, s29;
	s7 =	ssub.s32 s31, s30  }
0xc1: {  	v15 =	vadd.s32 v16, v15;
	s30 =	sshra.s32 s1, $0x1F;
	s1 =	ssub.s32 s23, s1;
	s23 =	rddreg [dreg:$0x4]  }
0xc2: {  	vm10 =	vlt.s32 v15, $0x4E1F;
	s31 =	sadd.s32 s11, s16;
	s11 =	ssub.s32 s25, s24;
	s24 =	rddreg [dreg:$0x5]  }
0xc3: {  	s0 =	sshra.s32 s28, $0x1F;
	v15 =	vnsel vm10, $0x4E1F, v15;
	s20 =	smul.u32 $0xB40B40B5, s20;
	s25 =	smov.u32 s24;
	(v2sf) =	vpush v14, $0x7  }
0xc4: {  	s24 =	rddreg [dreg:$0x8];
	s29 =	ssub.s32 s15, s29;
	v15 =	vadd.s32 v1, v15;
	s15 =	sadd.s32 s26, s18;
	(v2sf) =	vpush v14, $0xF  }
0xc5: {  	s0 =	smul.u32 $0xB40B40B5, s0;
	[dreg:$0x4] =	wrdreg s25;
	v15 =	vshll.u32 v15, $0x2;
	s18 =	sadd.s32 s20, s29;
	(v2sf) =	vpush v14, $0x6  }
0xc6: {  	[tilespmem:s23+$0x6C80] =	vst v15;
	s23 =	ssub.s32 s21, s22;
	s22 =	smul.u32 $0xB40B40B5, s30;
	s30 =	rddreg [dreg:$0xb];
	(v2sf) =	vpush v14, $0x5  }
0xc7: {  	s29 =	smulhi.u32 $0xB40B40B5, s28;
	v15 =	vmov s18;
	s18 =	ssub.s32 s9, s19;
	s19 =	rddreg [dreg:$0xf];
	(v2sf) =	vpush v14, $0x4  }
0xc8: {  	s9 =	ssub.s32 s13, s12;
	s3 =	ssub.s32 s19, s3;
	s19 =	smul.u32 $0xB40B40B5, s17;
	(v2sf) =	vpush v14, $0x3  }
.Ltmp3:
0xc9: {  	s26 =	ssub.s32 s30, s5;
	s17 =	rddreg [dreg:$0xd];
	(v2sf) =	vpush v14, $0xB;
	(pc) =	sbr.rel @p0 .LBB2_24-.Ltmp3, $4  }
0xca: {  	s21 =	ssub.s32 s29, s28;
	s28 =	rddreg [dreg:$0xc];
	s29 =	smov.u32 s6;
	(v2sf) =	vpush v14, $0xE  }
0xcb: {  	s30 =	rddreg [dreg:$0xe];
	s1 =	sadd.s32 s22, s1;
	s22 =	smul.u32 $0xB40B40B5, s4;
	(v2sf) =	vpush v14, $0xA  }
0xcc: {  	s5 =	sadd.s32 s0, s21;
	[dreg:$0x5] =	wrdreg s29;
	s16 =	smul.u32 $0xB40B40B5, s30;
	v15 =	vsel vm1, s1, v15;
	(v2sf) =	vpush v14, $0x0  }
0xcd: {  	s0 =	rddreg [dreg:$0xa];
	v15 =	vsel vm2, s14, v15;
	s14 =	smul.u32 $0xB40B40B5, s28;
	s13 =	sadd.s32 s22, s18;
	(v2sf) =	vpush v14, $0x9  }
0xce: {  	(v2sf) =	vpush v14, $0x2  }
0xcf: {  	(v2sf) =	vpush v14, $0xD  }
0xd0: {  	s0 =	smul.u32 $0xB40B40B5, s0;
	(v2sf) =	vpush v14, $0xC  }
0xd1: {  	s28 =	smul.u32 $0xB40B40B5, s2;
	(v2sf) =	vpush v14, $0x8  }
0xd2: {  	s30 =	smul.u32 $0xB40B40B5, s17;
	s1 =	spop (v2sf)  }
0xd3: {  	[smem:$0x7F2] =	sst s0;
	s25 =	spop (v2sf)  }
0xd4: {  	[dreg:$0x1c] =	wrdreg s28;
	(v2sf) =	vpush v14, $0x1;
	s21 =	spop (v2sf)  }
0xd5: {  	[smem:$0x7F3] =	sst s30;
	s22 =	spop (v2sf)  }
0xd6: {  	[dreg:$0x1e] =	wrdreg s1;
	s29 =	spop (v2sf)  }
0xd7: {  	s1 =	sshra.s32 s25, $0x1F;
	[dreg:$0x1d] =	wrdreg s21;
	s12 =	spop (v2sf)  }
0xd8: {  	s2 =	smul.u32 $0xB40B40B5, s1;
	s24 =	spop (v2sf)  }
0xd9: {  	[dreg:$0x1f] =	wrdreg s22;
	s18 =	spop (v2sf)  }
0xda: {  	s4 =	sshra.s32 s12, $0x1F;
	[smem:$0x7FA] =	sst s24;
	s21 =	spop (v2sf)  }
0xdb: {  	s6 =	smul.u32 $0xB40B40B5, s4;
	s28 =	spop (v2sf);
	s20 =	sshra.s32 s21, $0x1F  }
0xdc: {  	s17 =	spop (v2sf);
	s20 =	smul.u32 $0xB40B40B5, s20  }
0xdd: {  	[smem:$0x7F6] =	sst s6;
	s22 =	spop (v2sf)  }
0xde: {  	s24 =	sshra.s32 s18, $0x1F;
	[smem:$0x7F4] =	sst s20;
	s4 =	spop (v2sf)  }
0xdf: {  	s20 =	smul.u32 $0xB40B40B5, s24;
	s6 =	spop (v2sf);
	s30 =	sshra.s32 s4, $0x1F  }
0xe0: {  	s0 =	sshra.s32 s22, $0x1F;
	s30 =	smul.u32 $0xB40B40B5, s30;
	s1 =	spop (v2sf)  }
0xe1: {  	[smem:$0x7F5] =	sst s2;
	s2 =	smul.u32 $0xB40B40B5, s0;
	s24 =	sshra.s32 s1, $0x1F  }
0xe2: {  	[smem:$0x7FC] =	sst s30;
	s30 =	smul.u32 $0xB40B40B5, s24  }
0xe3: {  	[smem:$0x7FD] =	sst s2;
	s2 =	sshra.s32 s17, $0x1F;
	s24 =	spop (v2sf)  }
0xe4: {  	s8 =	sadd.s32 s8, s11;
	[smem:$0x7F7] =	sst s30;
	s30 =	smul.u32 $0xB40B40B5, s2  }
0xe5: {  	s11 =	sadd.s32 s14, s3;
	s14 =	rddreg [dreg:$0x9];
	s2 =	sshra.s32 s24, $0x1F  }
0xe6: {  	[smem:$0x7F8] =	sst s30;
	s30 =	smul.u32 $0xB40B40B5, s2  }
0xe7: {  	s9 =	sadd.s32 s16, s9;
	s16 =	sld [smem:$0x7F2];
	s2 =	sshra.s32 s6, $0x1F  }
0xe8: {  	[smem:$0x7F9] =	sst s30;
	s30 =	smul.u32 $0xB40B40B5, s2  }
0xe9: {  	s2 =	rddreg [dreg:$0x6]  }
0xea: {  	[smem:$0x7FB] =	sst s30;
	s30 =	smulhi.u32 $0xB40B40B5, s2  }
0xeb: {  	s7 =	sadd.s32 s10, s7;
	v16 =	vmov s13;
	s14 =	sadd.s32 s16, s14;
	s10 =	smulhi.u32 $0xB40B40B5, s12  }
0xec: {  	v16 =	vnsel vm4, $0x0, v16;
	s16 =	smulhi.u32 $0xB40B40B5, s21;
	s2 =	ssub.s32 s30, s2;
	s30 =	sld [smem:$0x7F3]  }
0xed: {  	v16 =	vsel vm1, s5, v16;
	s3 =	smulhi.u32 $0xB40B40B5, s18  }
0xee: {  	s19 =	sadd.s32 s19, s23;
	v16 =	vsel vm2, s8, v16;
	s16 =	ssub.s32 s16, s21;
	s21 =	smulhi.u32 $0xB40B40B5, s1  }
0xef: {  	v16 =	vsel vm3, s31, v16;
	s30 =	sadd.s32 s30, s2;
	s2 =	ssub.s32 s10, s12;
	s12 =	sld [smem:$0x7F4]  }
0xf0: {  	v16 =	vsel vm5, s11, v16;
	s23 =	smulhi.u32 $0xB40B40B5, s25;
	s11 =	rddreg [dreg:$0x1d];
	s18 =	ssub.s32 s3, s18  }
0xf1: {  	s0 =	ssub.s32 s21, s1;
	s21 =	smulhi.u32 $0xB40B40B5, s22;
	s8 =	sld [smem:$0x7F8]  }
0xf2: {  	s10 =	smulhi.u32 $0xB40B40B5, s17;
	s3 =	sadd.s32 s12, s16;
	s16 =	sadd.s32 s20, s18  }
0xf3: {  	s20 =	smulhi.u32 $0xB40B40B5, s4;
	s12 =	ssub.s32 s23, s25;
	s23 =	sld [smem:$0x7F5]  }
0xf4: {  	v16 =	vsel vm6, s14, v16;
	s10 =	ssub.s32 s10, s17;
	s17 =	smulhi.u32 $0xB40B40B5, s6;
	s25 =	sld [smem:$0x7F6]  }
0xf5: {  	v17 =	vmov s19;
	v16 =	vsel vm7, s30, v16;
	s30 =	sld [smem:$0x7FD];
	s1 =	ssub.s32 s20, s4;
	s20 =	smulhi.u32 $0xB40B40B5, s29  }
0xf6: {  	v17 =	vsel vm1, s7, v17;
	s7 =	sadd.s32 s8, s10;
	s4 =	ssub.s32 s17, s6;
	s6 =	smulhi.u32 $0xB40B40B5, s28  }
0xf7: {  	s17 =	sld [smem:$0x7F7];
	s18 =	sadd.s32 s23, s12;
	s25 =	sadd.s32 s25, s2  }
0xf8: {  	s12 =	ssub.s32 s21, s22;
	s22 =	sshra.s32 s28, $0x1F;
	s23 =	smulhi.u32 $0xB40B40B5, s24  }
0xf9: {  	s2 =	sshra.s32 s29, $0x1F;
	s5 =	ssub.s32 s20, s29;
	s20 =	sld [smem:$0x7F9]  }
0xfa: {  	s21 =	ssub.s32 s6, s28;
	s13 =	smul.u32 $0xB40B40B5, s22;
	s22 =	sld [smem:$0x7FA]  }
0xfb: {  	s19 =	smul.u32 $0xB40B40B5, s2;
	s28 =	rddreg [dreg:$0x1f];
	s2 =	sadd.s32 s30, s12  }
0xfc: {  	s12 =	sshra.s32 s11, $0x1F;
	s0 =	sadd.s32 s17, s0;
	s6 =	ssub.s32 s23, s24  }
0xfd: {  	s24 =	rddreg [dreg:$0x7];
	s29 =	smulhi.u32 $0xB40B40B5, s28;
	s17 =	smov.u32 s11  }
0xfe: {  	v17 =	vsel vm2, s24, v17;
	s13 =	sadd.s32 s13, s21;
	s24 =	rddreg [dreg:$0x1e];
	s23 =	smulhi.u32 $0xB40B40B5, s22  }
0xff: {  	s31 =	sshra.s32 s22, $0x1F;
	v17 =	vsel vm3, s15, v17;
	s15 =	sld [smem:$0x7FB];
	v18 =	vmov s13;
	s13 =	smulhi.u32 $0xB40B40B5, s11  }
0x100: {  	s10 =	ssub.s32 s23, s22;
	s22 =	ssub.s32 s29, s28;
	s29 =	sld [smem:$0x7FC]  }
0x101: {  	s5 =	sadd.s32 s19, s5;
	s8 =	sadd.s32 s20, s6;
	s21 =	smul.u32 $0xB40B40B5, s31;
	v18 =	vnsel vm4, $0x0, v18  }
0x102: {  	v15 =	vsel vm3, s9, v15;
	v20 =	vmov s0;
	s23 =	sshra.s32 s28, $0x1F;
	s28 =	smulhi.u32 $0xB40B40B5, s24;
	v18 =	vsel vm1, s8, v18;
	s4 =	sadd.s32 s15, s4  }
0x103: {  	v20 =	vsel vm1, s7, v20;
	s19 =	sshra.s32 s24, $0x1F;
	s31 =	smul.u32 $0xB40B40B5, s23;
	v18 =	vsel vm2, s2, v18;
	v19 =	vmov s4;
	s1 =	sadd.s32 s29, s1  }
0x104: {  	v20 =	vsel vm2, s3, v20;
	s10 =	sadd.s32 s21, s10;
	s2 =	ssub.s32 s13, s17;
	v18 =	vsel vm3, s25, v18;
	v19 =	vsel vm1, s1, v19;
	s1 =	smul.u32 $0xB40B40B5, s12  }
0x105: {  	v15 =	vcombine.low v15, v17;
	s21 =	smul.u32 $0xB40B40B5, s19;
	s20 =	sadd.s32 s31, s22;
	v18 =	vsel vm5, s5, v18;
	s22 =	rddreg [dreg:$0x1c];
	v19 =	vsel vm2, s16, v19  }
0x106: {  	s23 =	ssub.s32 s28, s24;
	v20 =	vsel vm3, s10, v20;
	s5 =	sadd.s32 s22, s26;
	v18 =	vsel vm6, s20, v18;
	v19 =	vsel vm3, s18, v19;
	s24 =	sadd.s32 s1, s2  }
0x107: {  	s25 =	sadd.s32 s21, s23;
	v16 =	vsel vm8, s5, v16;
	v56 =	vsel vm7, s24, v18;
	v57 =	vcombine.low v20, v19  }
0x108: {  	v15 =	vperm.xlane v15, v10;
	v16 =	vperm.xlane v16, v11;
	v17 =	vsel vm8, s25, v56  }
0x109: {  	v18 =	vperm.xlane v57, v10;
	v17 =	vperm.xlane v17, v11  }
0x10a: {  	v15 =	vsel vm9, v16, v15  }
0x10b: {  	v15 =	vadd.s32 v13, v15;
	v58 =	vsel vm9, v17, v18  }
0x10c: {  	v59 =	vshrl.u32 v15, $0x1F;
	v15 =	vshra.s32 v15, $0x6;
	v16 =	vadd.s32 v14, v58  }
0x10d: {  	v15 =	vadd.s32 v59, v15;
	v60 =	vshrl.u32 v16, $0x1F;
	v16 =	vshra.s32 v16, $0x6  }
0x10e: {  	v61 =	vmul.u32 $0xFFFFFFA5, v15;
	v16 =	vadd.s32 v60, v16  }
0x10f: {  	v62 =	vsub.s32 $0x0, v13;
	v63 =	vmul.u32 $0xFFFFFFA5, v16  }
0x110: {  	vm11 =	vlt.s32 v13, $0x1;
	v13 =	vsub.s32 $0x0, v14;
	vm10 =	vne.s32 v61, v62  }
0x111: {  	vm12 =	vlt.s32 v14, $0x1;
	vm10 =	vmand vm11, vm10;
	vm11 =	vne.s32 v63, v13  }
0x112: {  	v13 =	vsel vm10, $0xFFFFFFFF, v4;
	vm10 =	vmand vm12, vm11  }
0x113: {  	s26 =	simm.s32 $0x0;
	v13 =	vadd.s32 v13, v15;
	v14 =	vsel vm10, $0xFFFFFFFF, v4  }
0x114: {  	v15 =	vor.u32 s26, v0;
	vm10 =	vlt.s32 v13, $0x4E1F;
	v14 =	vadd.s32 v14, v16  }
0x115: {  	v15 =	vshrl.u32 v15, $0x2;
	v13 =	vnsel vm10, $0x4E1F, v13;
	vm10 =	vlt.s32 v14, $0x4E1F  }
0x116: {  	v13 =	vadd.s32 v1, v13;
	v14 =	vnsel vm10, $0x4E1F, v14  }
0x117: {  	s28 =	rddreg [dreg:$0x4];
	v13 =	vshll.u32 v13, $0x2;
	v14 =	vadd.s32 v1, v14  }
0x118: {  	s29 =	rddreg [dreg:$0x5];
	[tilespmem:s28+$0x6C80] =	vst v13;
	v13 =	vshll.u32 v14, $0x2  }
0x119: {  	s2 =	simm.s32 $0x6C80;
	[tilespmem:s29+$0x6C80] =	vst v13  }
0x11a: {  	s30 =	simm.s32 $0x10;
	v13 =	vld.idx.msk [tilespmem:v15+s2+$0x0], $0xffff  }
0x11b: {  	v14 =	vor.u32 s30, v0  }
0x11c: {  	v14 =	vshrl.u32 v14, $0x2;
	_ =	sdelay $0x2  }
0x11d: {  	s0 =	simm.s32 $0x6D80;
	v13 =	vadd.s32 v12, v13  }
0x11e: {  	[tilespmem:s0+$0x0] =	vst v13  }
0x11f: {  	s31 =	simm.s32 $0x20;
	v13 =	vld.idx.msk [tilespmem:v14+s2+$0x0], $0xffff  }
0x120: {  	s1 =	simm.s32 $0x30;
	v14 =	vor.u32 s31, v0  }
.LBB2_26:
0x121: {  	p0 =	sne.s32 s1, $0x3F0;
	v14 =	vshrl.u32 v14, $0x2;
	_ =	sdelay $0x2  }
.Ltmp4:
0x122: {  	s0 =	sadd.s32 $0x10, s0;
	v13 =	vadd.s32 v12, v13;
	(pc) =	sbr.rel @p0 .LBB2_26-.Ltmp4, $3  }
0x123: {  	[tilespmem:s0+$0x0] =	vst v13  }
0x124: {  	v13 =	vld.idx.msk [tilespmem:v14+s2+$0x0], $0xffff;
	_ =	sdelay $0x1  }
0x125: {  	v14 =	vor.u32 s1, v0;
	s1 =	sadd.s32 $0x10, s1  }
0x126: {  	v14 =	vshrl.u32 v14, $0x2;
	_ =	sdelay $0x2  }
0x127: {  	s0 =	sadd.s32 $0x10, s0;
	v13 =	vadd.s32 v12, v13  }
0x128: {  	[tilespmem:s0+$0x0] =	vst v13  }
0x129: {  	v13 =	vld.idx.msk [tilespmem:v14+s2+$0x0], $0xffff;
	_ =	sdelay $0x4  }
0x12a: {  	s24 =	rddreg [dreg:$0x13];
	s1 =	simm.s32 $0x400;
	s0 =	sadd.s32 $0x10, s0;
	v13 =	vadd.s32 v12, v13  }
0x12b: {  	s25 =	simm.s32 $0x6D80;
	s3 =	simm.s32 $0x7180;
	s12 =	simm.s32 $0x1;
	[tilespmem:s0+$0x0] =	vst v13  }
0x12c: {  	[tilespmem:s3], [sflag:$0x1] =	stream.indirect.gather [hbm4b:s24+s1], $0x1, s25, s1, $0xb8;
	[tilespmem:$0x7580] =	vst v63  }
0x12d: {  	_ =	swait.ge [sflag:s12], $0x400  }
0x12e: {  	s10 =	simm.s32 $0x0;
	[sflag:s12] =	ssyncset.done $0x0  }
0x12f: {  	s1 =	simm.s32 $0x2;
	s26 =	rddreg [dreg:$0x17];
	[sflag:s12] =	ssyncadd.s32 $0xFFFFFC00  }
0x130: {  	[hbm4b:s26+s10] =	stream.linear.scatter [tilespmem:s3], [sflag:$0x2], $0x400, $0x38;
	[tilespmem:$0x7580] =	vst v63  }
0x131: {  	_ =	swait.ge [sflag:s1], $0x400  }
0x132: {  	[sflag:s1] =	ssyncset.done $0x0  }
0x133: {  	s9 =	simm.s32 $0x6980;
	s28 =	rddreg [dreg:$0x18];
	[sflag:s1] =	ssyncadd.s32 $0xFFFFFC00  }
0x134: {  	[hbm4b:s28+s10] =	stream.linear.scatter [tilespmem:s9], [sflag:$0x2], $0x100, $0x38;
	[tilespmem:$0x7580] =	vst v63  }
0x135: {  	_ =	swait.ge [sflag:s1], $0x100  }
0x136: {  	[sflag:s1] =	ssyncset.done $0x0  }
0x137: {  	s14 =	simm.s32 $0x6B00;
	s29 =	rddreg [dreg:$0x19];
	[sflag:s1] =	ssyncadd.s32 $0xFFFFFF00  }
0x138: {  	[hbm4b:s29+s10] =	stream.linear.scatter [tilespmem:s14], [sflag:$0x2], $0x100, $0x38;
	[tilespmem:$0x7580] =	vst v63  }
0x139: {  	_ =	swait.ge [sflag:s1], $0x100  }
0x13a: {  	s30 =	rddreg [dreg:$0x1b]  }
0x13b: {  	s31 =	rddreg [dreg:$0x1a];
	s2 =	sadd.s32 $0x1, s30  }
0x13c: {  	p0 =	sne.s32 s2, s31  }
.Ltmp5:
0x13d: {  	_ = 	snop;
	(pc) =	sbr.rel @p0 .LBB2_1-.Ltmp5, $4  }
.Ltmp6:
0x13e: {  	_ = 	snop;
	(pc) =	sbr.rel @!p0 .LBB2_28-.Ltmp6, $4  }
0x13f: {  	_ = 	snop  }
0x140: {  	[sflag:s1] =	ssyncset.done $0x0;
	s11 =	rddreg [dreg:$0x12]  }
0x141: {  	s8 =	simm.s32 $0x2800;
	s13 =	rddreg [dreg:$0x16];
	[sflag:s1] =	ssyncadd.s32 $0xFFFFFF00  }
0x142: {  	_ = 	snop  }
.LBB2_17:
0x143: {  	s0 =	simm.s32 $0x2980  }
.LBB2_21:
0x144: {  	v15, _, _ =	vpop (xrf0)  }
0x145: {  	(v2sf) =	vpush v15, $0xF;
	_ =	sdelay $0xe  }
0x146: {  	s1 =	spop (v2sf)  }
0x147: {  	s0 =	sadd.s32 @p0 $0x400, s0;
	s1 =	sand.u32 $0x7, s1  }
0x148: {  	s31 =	smov.u32 @p0 s0;
	s19 =	sshll.u32 s1, $0x7  }
0x149: {  	s0 =	sadd.s32 s19, s31  }
0x14a: {  	v15 =	vld [tilespmem:s0+$0x0];
	_ =	sdelay $0x4  }
0x14b: {  	vm10 =	vge.f32 v15, v13  }
0x14c: {  	v16 =	vsel vm10, $0x1, v4  }
0x14d: {  	p1 =	por !p2, !p0;
	(xrf0) =	vadd.scan.msk.s32 $0xffff, v16  }
0x14e: {  	s5 =	simm.s32 @p1 $0x100  }
0x14f: {  	s30 =	smov.u32 @p0 s5  }
0x150: {  	v42 =	vmov s30  }
0x151: {  	v16 =	vadd.s32 $0xFFFFFFFF, v42  }
0x152: {  	v16 =	vbroadcast v16, $0x0  }
0x153: {  	v17, _, _ =	vpop (xrf0)  }
0x154: {  	v16 =	vadd.s32 v17, v16;
	v17 =	vxor.u32 $0x80000000, v17  }
0x155: {  	(xrf0) =	vmax.scan.msk.u32 $0xffff, v17;
	_ =	sdelay $0x3  }
0x156: {  	[tilespmem:v16+s9+$0x0] =	vst.idx.msk vm10, v15;
	v15 =	vadd.s32 v0, v14  }
0x157: {  	[tilespmem:v16+s14+$0x0] =	vst.idx.msk vm10, v15  }
0x158: {  	v15 =	vld [tilespmem:s0+$0x10];
	v43, _, _ =	vpop (xrf0)  }
0x159: {  	(v2sf) =	vpush v43, $0xF;
	_ =	sdelay $0x3  }
0x15a: {  	vm10 =	vge.f32 v15, v13  }
0x15b: {  	v44 =	vsel vm10, $0x1, v4  }
0x15c: {  	(xrf0) =	vadd.scan.msk.s32 $0xffff, v44;
	_ =	sdelay $0x5  }
0x15d: {  	v16, _, _ =	vpop (xrf0)  }
0x15e: {  	v45 =	vxor.u32 $0x80000000, v16  }
0x15f: {  	(xrf0) =	vmax.scan.msk.u32 $0xffff, v45  }
0x160: {  	s20 =	spop (v2sf)  }
0x161: {  	s1 =	sadd.s32 s20, s30  }
0x162: {  	s1 =	sadd.s32 $0x80000000, s1  }
0x163: {  	p0 =	slt.s32 s1, $0x100  }
0x164: {  	s1 =	simm.s32 @!p0 $0x100  }
0x165: {  	v46 =	vmov s1;
	v18, _, _ =	vpop (xrf0)  }
0x166: {  	v17 =	vadd.s32 $0xFFFFFFFF, v46;
	(v2sf) =	vpush v18, $0xF  }
0x167: {  	v17 =	vbroadcast v17, $0x0;
	_ =	sdelay $0x1  }
0x168: {  	v16 =	vadd.s32 v16, v17;
	_ =	sdelay $0x4  }
0x169: {  	[tilespmem:v16+s9+$0x0] =	vst.idx.msk vm10, v15;
	v15 =	vadd.s32 v5, v14  }
0x16a: {  	[tilespmem:v16+s14+$0x0] =	vst.idx.msk vm10, v15  }
0x16b: {  	v15 =	vld [tilespmem:s0+$0x20];
	_ =	sdelay $0x4  }
0x16c: {  	vm10 =	vge.f32 v15, v13;
	s2 =	spop (v2sf)  }
0x16d: {  	s1 =	sadd.s32 s2, s1;
	v47 =	vsel vm10, $0x1, v4  }
0x16e: {  	s1 =	sadd.s32 $0x80000000, s1;
	(xrf0) =	vadd.scan.msk.s32 $0xffff, v47  }
0x16f: {  	p0 =	slt.s32 s1, $0x100  }
0x170: {  	s1 =	simm.s32 @!p0 $0x100  }
0x171: {  	v48 =	vmov s1  }
0x172: {  	v16 =	vadd.s32 $0xFFFFFFFF, v48  }
0x173: {  	v16 =	vbroadcast v16, $0x0  }
0x174: {  	v49, _, _ =	vpop (xrf0)  }
0x175: {  	v16 =	vadd.s32 v49, v16;
	v17 =	vxor.u32 $0x80000000, v49  }
0x176: {  	(xrf0) =	vmax.scan.msk.u32 $0xffff, v17;
	_ =	sdelay $0x3  }
0x177: {  	[tilespmem:v16+s9+$0x0] =	vst.idx.msk vm10, v15;
	v15 =	vadd.s32 v6, v14  }
0x178: {  	[tilespmem:v16+s14+$0x0] =	vst.idx.msk vm10, v15  }
0x179: {  	v15 =	vld [tilespmem:s0+$0x30];
	v50, _, _ =	vpop (xrf0)  }
0x17a: {  	(v2sf) =	vpush v50, $0xF;
	_ =	sdelay $0x3  }
0x17b: {  	vm10 =	vge.f32 v15, v13  }
0x17c: {  	v51 =	vsel vm10, $0x1, v4  }
0x17d: {  	(xrf0) =	vadd.scan.msk.s32 $0xffff, v51;
	_ =	sdelay $0x5  }
0x17e: {  	v16, _, _ =	vpop (xrf0)  }
0x17f: {  	v52 =	vxor.u32 $0x80000000, v16  }
0x180: {  	(xrf0) =	vmax.scan.msk.u32 $0xffff, v52  }
0x181: {  	s21 =	spop (v2sf)  }
0x182: {  	s1 =	sadd.s32 s21, s1  }
0x183: {  	s1 =	sadd.s32 $0x80000000, s1  }
0x184: {  	p0 =	slt.s32 s1, $0x100  }
0x185: {  	s1 =	simm.s32 @!p0 $0x100  }
0x186: {  	v53 =	vmov s1;
	v54, _, _ =	vpop (xrf0)  }
0x187: {  	v17 =	vadd.s32 $0xFFFFFFFF, v53;
	(v2sf) =	vpush v54, $0xF  }
0x188: {  	v17 =	vbroadcast v17, $0x0;
	_ =	sdelay $0x1  }
0x189: {  	v16 =	vadd.s32 v16, v17;
	_ =	sdelay $0x4  }
0x18a: {  	[tilespmem:v16+s9+$0x0] =	vst.idx.msk vm10, v15;
	v15 =	vadd.s32 v7, v14  }
0x18b: {  	[tilespmem:v16+s14+$0x0] =	vst.idx.msk vm10, v15  }
0x18c: {  	v15 =	vld [tilespmem:s0+$0x40];
	_ =	sdelay $0x4  }
0x18d: {  	vm10 =	vge.f32 v15, v13;
	s22 =	spop (v2sf)  }
0x18e: {  	s1 =	sadd.s32 s22, s1;
	v55 =	vsel vm10, $0x1, v4  }
0x18f: {  	s1 =	sadd.s32 $0x80000000, s1;
	(xrf0) =	vadd.scan.msk.s32 $0xffff, v55  }
0x190: {  	p0 =	slt.s32 s1, $0x100  }
0x191: {  	s1 =	simm.s32 @!p0 $0x100  }
0x192: {  	v56 =	vmov s1  }
0x193: {  	v16 =	vadd.s32 $0xFFFFFFFF, v56  }
0x194: {  	v16 =	vbroadcast v16, $0x0  }
0x195: {  	v57, _, _ =	vpop (xrf0)  }
0x196: {  	v16 =	vadd.s32 v57, v16;
	_ =	sdelay $0x4  }
0x197: {  	[tilespmem:v16+s9+$0x0] =	vst.idx.msk vm10, v15;
	v15 =	vadd.s32 v8, v14  }
0x198: {  	[tilespmem:v16+s14+$0x0] =	vst.idx.msk vm10, v15  }
0x199: {  	v15 =	vld [tilespmem:s0+$0x4B];
	_ =	sdelay $0x3  }
0x19a: {  	v58 =	vxor.u32 $0x80000000, v57  }
0x19b: {  	(xrf0) =	vmax.scan.msk.u32 $0xffff, v58;
	vm10 =	vge.f32 v15, v13  }
0x19c: {  	vm10 =	vmand vm10, vm0  }
0x19d: {  	v59 =	vsel vm10, $0x1, v4  }
0x19e: {  	(xrf0) =	vadd.scan.msk.s32 $0xffff, v59;
	_ =	sdelay $0x2  }
0x19f: {  	v60, _, _ =	vpop (xrf0)  }
0x1a0: {  	(v2sf) =	vpush v60, $0xF;
	_ =	sdelay $0x1  }
0x1a1: {  	v61, _, _ =	vpop (xrf0)  }
0x1a2: {  	v62 =	vxor.u32 $0x80000000, v61  }
0x1a3: {  	(xrf0) =	vmax.scan.msk.u32 $0xffff, v62;
	_ =	sdelay $0x5  }
0x1a4: {  	v17, _, _ =	vpop (xrf0)  }
0x1a5: {  	(v2sf) =	vpush v17, $0xF;
	_ =	sdelay $0x3  }
0x1a6: {  	s23 =	spop (v2sf)  }
0x1a7: {  	s0 =	sadd.s32 s23, s1  }
0x1a8: {  	s0 =	sadd.s32 $0x80000000, s0  }
0x1a9: {  	p0 =	slt.s32 s0, $0x100  }
0x1aa: {  	s0 =	simm.s32 @!p0 $0x100  }
0x1ab: {  	v63 =	vmov s0  }
0x1ac: {  	v17 =	vadd.s32 $0xFFFFFFFF, v63  }
0x1ad: {  	v17 =	vbroadcast v17, $0x0;
	_ =	sdelay $0x1  }
0x1ae: {  	v16 =	vadd.s32 v61, v17;
	_ =	sdelay $0x1  }
0x1af: {  	s31 =	spop (v2sf)  }
0x1b0: {  	s0 =	sadd.s32 s31, s0  }
0x1b1: {  	s30 =	sadd.s32 $0x80000000, s0  }
0x1b2: {  	v14 =	vadd.s32 v9, v14;
	[tilespmem:v16+s9+$0x0] =	vst.idx.msk vm10, v15;
	p0 =	slt.s32 s30, $0x100  }
0x1b3: {  	[tilespmem:v16+s14+$0x0] =	vst.idx.msk vm10, v14;
	s30 =	simm.s32 @!p0 $0x100  }
.LBB2_22:
0x1b4: {  	s29 =	sadd.s32 $0x1, s29  }
0x1b5: {  	p0 =	sne.s32 s29, s25  }
.Ltmp7:
0x1b6: {  	_ = 	snop;
	(pc) =	sbr.rel @!p0 .LBB2_23-.Ltmp7, $2  }
0x1b7: {  	_ =	sdelay $0x2  }
0x1b8: {  	s28 =	sadd.s32 $0xFFFFFFF0, s28;
	s26 =	sadd.s32 $0x10, s26  }
.LBB2_6:
0x1b9: {  	s0 =	sshll.u32 s29, $0x4  }
0x1ba: {  	p0 =	sgt.s32 s28, $0x1;
	s1 =	smov.u32 s28;
	s0 =	ssub.s32 s24, s0  }
0x1bb: {  	s1 =	simm.s32 @!p0 $0x1;
	p0 =	slt.s32 s0, $0x1  }
.Ltmp8:
0x1bc: {  	_ = 	snop;
	(pc) =	sbr.rel @p0 .LBB2_22-.Ltmp8, $2  }
0x1bd: {  	_ =	sdelay $0x2  }
0x1be: {  	s0 =	smin.u32 s1, $0x10;
	s1 =	simm.s32 $0x2980  }
0x1bf: {  	p2 =	sne.s32 s0, $0x1  }
.Ltmp9:
0x1c0: {  	_ = 	snop;
	(pc) =	sbr.rel @!p2 .LBB2_8-.Ltmp9, $2  }
0x1c1: {  	_ =	sdelay $0x2  }
0x1c2: {  	v14 =	vmov s26;
	s3 =	sadd.s32 $0xFFFFFFFF, s0;
	p0 =	por $0x0, $0x0;
	p1 =	por $0x0, $0x0  }
0x1c3: {  	_ =	sdelay $0x3  }
0x1c4: {  	v14 =	vld.idx.msk [tilespmem:v14+s8+$0x0], $0xffff;
	_ =	sdelay $0x4  }
0x1c5: {  	v14 =	vxor.u32 $0x80000000, v14  }
0x1c6: {  	(xrf0) =	vmax.scan.msk.u32 $0xffff, v14;
	_ =	sdelay $0x5  }
0x1c7: {  	v14, _, _ =	vpop (xrf0)  }
0x1c8: {  	(v2sf) =	vpush v14, $0xF;
	_ =	sdelay $0xe  }
0x1c9: {  	p3 =	sne.s32 s3, $0x1;
	s2 =	spop (v2sf)  }
0x1ca: {  	s4 =	sxor.u32 $0x80000000, s2;
	p0 =	sgt.s32 s2, $0xFFFFFFFF;
	s23 =	sand.u32 $0x7, s2  }
0x1cb: {  	s5 =	sshra.s32 s4, $0x1F;
	p2 =	slt.s32 s4, $0x1;
	p6 =	sne.s32 s23, $0x0  }
.Ltmp10:
0x1cc: {  	s5 =	sshrl.u32 s5, $0x1D;
	p0 =	por p0, p2;
	(pc) =	sbr.rel @!p3 .LBB2_10-.Ltmp10, $4  }
0x1cd: {  	s2 =	sadd.s32 s5, s2;
	p0 =	por !p6, !p0  }
0x1ce: {  	s4 =	simm.s32 $0x1;
	s2 =	sshrl.u32 s2, $0x3;
	p0 =	por !p0, !p0  }
0x1cf: {  	s31 =	sadd.s32 s13, s2;
	s4 =	simm.s32 @!p0 $0x0;
	s2 =	sadd.s32 $0x1, s26  }
0x1d0: {  	s3 =	sadd.s32 $0xFFFFFFFF, s3;
	p0 =	por $0x1, $0x1;
	v14 =	vmov s2;
	s5 =	ssub.s32 s31, s4  }
0x1d1: {  	s4 =	sshll.u32 s5, $0x7  }
0x1d2: {  	s4 =	sand.u32 $0x1FFFFF80, s4  }
0x1d3: {  	s4 =	sadd.s32 s11, s4  }
0x1d4: {  	[tilespmem:s1], [sflag:$0x1] =	stream.linear.gather [hbm4b:s4+s10], $0x400, $0x38;
	[tilespmem:$0x7580] =	vst v63  }
0x1d5: {  	v14 =	vld.idx.msk [tilespmem:v14+s8+$0x0], $0xffff;
	_ =	sdelay $0x4  }
0x1d6: {  	v14 =	vxor.u32 $0x80000000, v14  }
0x1d7: {  	(xrf0) =	vmax.scan.msk.u32 $0xffff, v14;
	_ =	sdelay $0x5  }
0x1d8: {  	v14, _, _ =	vpop (xrf0)  }
0x1d9: {  	(v2sf) =	vpush v14, $0xF;
	_ =	sdelay $0xe  }
0x1da: {  	p3 =	sne.s32 s3, $0x1;
	s21 =	spop (v2sf)  }
0x1db: {  	s22 =	sxor.u32 $0x80000000, s21;
	p1 =	sgt.s32 s21, $0xFFFFFFFF;
	s23 =	sand.u32 $0x7, s21  }
0x1dc: {  	s6 =	sshra.s32 s22, $0x1F;
	p2 =	slt.s32 s22, $0x1;
	p6 =	sne.s32 s23, $0x0  }
.Ltmp11:
0x1dd: {  	s6 =	sshrl.u32 s6, $0x1D;
	p1 =	por p1, p2;
	(pc) =	sbr.rel @!p3 .LBB2_12-.Ltmp11, $4  }
0x1de: {  	s2 =	sadd.s32 $0x1, s2;
	s4 =	sadd.s32 s6, s21;
	p1 =	por !p6, !p1  }
0x1df: {  	s6 =	simm.s32 $0x1;
	s4 =	sshrl.u32 s4, $0x3;
	p1 =	por !p1, !p1  }
0x1e0: {  	s31 =	sadd.s32 s13, s4;
	s6 =	simm.s32 @!p1 $0x0;
	s4 =	sadd.s32 $0xFFFFFFFF, s3  }
0x1e1: {  	v14 =	vmov s2;
	p1 =	por $0x1, $0x1;
	s3 =	simm.s32 $0x2980;
	s5 =	ssub.s32 s31, s6  }
.LBB2_13:
0x1e2: {  	p2 =	sne.s32 s4, $0x1;
	s5 =	sshll.u32 s5, $0x7  }
0x1e3: {  	s5 =	sand.u32 $0x1FFFFF80, s5  }
0x1e4: {  	s3 =	sadd.s32 $0x400, s3;
	s5 =	sadd.s32 s11, s5  }
0x1e5: {  	[tilespmem:s3], [sflag:$0x1] =	stream.linear.gather [hbm4b:s5+s10], $0x400, $0x38;
	[tilespmem:$0x7580] =	vst v63  }
0x1e6: {  	v14 =	vld.idx.msk [tilespmem:v14+s8+$0x0], $0xffff;
	_ =	sdelay $0x5  }
0x1e7: {  	v14 =	vxor.u32 $0x80000000, v14  }
0x1e8: {  	(xrf0) =	vmax.scan.msk.u32 $0xffff, v14;
	_ =	sdelay $0x5  }
0x1e9: {  	v14, _, _ =	vpop (xrf0)  }
0x1ea: {  	(v2sf) =	vpush v14, $0xF;
	_ =	sdelay $0xe  }
0x1eb: {  	s5 =	spop (v2sf)  }
0x1ec: {  	s6 =	sxor.u32 $0x80000000, s5  }
0x1ed: {  	p3 =	sgt.s32 s5, $0xFFFFFFFF;
	s7 =	sshra.s32 s6, $0x1F  }
0x1ee: {  	p4 =	slt.s32 s6, $0x1;
	s6 =	sand.u32 $0x7, s5;
	s7 =	sshrl.u32 s7, $0x1D  }
.Ltmp12:
0x1ef: {  	p3 =	por p3, p4;
	p4 =	sne.s32 s6, $0x0;
	(pc) =	sbr.rel @p2 .LBB2_13-.Ltmp12, $4  }
0x1f0: {  	s5 =	sadd.s32 s7, s5;
	p3 =	por !p4, !p3  }
0x1f1: {  	s6 =	simm.s32 $0x1;
	s5 =	sshrl.u32 s5, $0x3;
	p3 =	por !p3, !p3  }
0x1f2: {  	s2 =	sadd.s32 $0x1, s2;
	s5 =	sadd.s32 s13, s5;
	s6 =	simm.s32 @!p3 $0x0  }
0x1f3: {  	s4 =	sadd.s32 $0xFFFFFFFF, s4;
	v14 =	vmov s2;
	s5 =	ssub.s32 s5, s6  }
.LBB2_14:
0x1f4: {  	s2 =	sshll.u32 @p0 s5, $0x7  }
0x1f5: {  	s3 =	sadd.s32 @p1 $0x400, s3;
	s4 =	simm.s32 $0x2980;
	s2 =	sand.u32 @p0 $0x1FFFFF80, s2  }
0x1f6: {  	s4 =	smov.u32 @p1 s3;
	s2 =	sadd.s32 @p0 s11, s2  }
0x1f7: {  	[tilespmem:s4], [sflag:$0x1] =	stream.linear.gather @p0 [hbm4b:s2+s10], $0x400, $0x38;
	[tilespmem:$0x7580] =	vst v63  }
0x1f8: {  	v14 =	vld.idx.msk [tilespmem:v14+s8+$0x0], $0xffff;
	_ =	sdelay $0x4  }
0x1f9: {  	v14 =	vxor.u32 $0x80000000, v14  }
0x1fa: {  	(xrf0) =	vmax.scan.msk.u32 $0xffff, v14;
	_ =	sdelay $0x5  }
0x1fb: {  	v14, _, _ =	vpop (xrf0)  }
0x1fc: {  	(v2sf) =	vpush v14, $0xF;
	_ =	sdelay $0xe  }
0x1fd: {  	s21 =	spop (v2sf)  }
0x1fe: {  	s22 =	sxor.u32 $0x80000000, s21;
	p5 =	sgt.s32 s21, $0xFFFFFFFF  }
0x1ff: {  	s31 =	sand.u32 $0x7, s21;
	s23 =	sshra.s32 s22, $0x1F;
	p2 =	slt.s32 s22, $0x1  }
0x200: {  	p6 =	sne.s32 s31, $0x0;
	s5 =	sshrl.u32 s23, $0x1D;
	p1 =	por p5, p2  }
0x201: {  	s2 =	sadd.s32 s5, s21;
	p1 =	por !p6, !p1  }
0x202: {  	s3 =	simm.s32 $0x1;
	s2 =	sshrl.u32 s2, $0x3;
	p1 =	por !p1, !p1  }
0x203: {  	s2 =	sadd.s32 s13, s2;
	s3 =	simm.s32 @!p1 $0x0  }
0x204: {  	s2 =	ssub.s32 s2, s3  }
0x205: {  	s2 =	sshll.u32 s2, $0x7  }
0x206: {  	s3 =	sadd.s32 @p0 $0x400, s4;
	s2 =	sand.u32 $0x1FFFFF80, s2  }
0x207: {  	s1 =	smov.u32 @p0 s3;
	s2 =	sadd.s32 s11, s2  }
0x208: {  	[tilespmem:s1], [sflag:$0x1] =	stream.linear.gather [hbm4b:s2+s10], $0x400, $0x38;
	[tilespmem:$0x7580] =	vst v63  }
0x209: {  	s1 =	smov.u32 s0  }
.LBB2_15:
0x20a: {  	p0 =	sne.s32 s1, $0x1  }
.Ltmp13:
0x20b: {  	_ = 	snop;
	(pc) =	sbr.rel @p0 .LBB2_15-.Ltmp13, $4  }
0x20c: {  	_ = 	snop  }
0x20d: {  	_ =	swait.ge [sflag:s12], $0x400  }
0x20e: {  	[sflag:s12] =	ssyncset.done $0x0  }
0x20f: {  	s1 =	sadd.s32 $0xFFFFFFFF, s1;
	[sflag:s12] =	ssyncadd.s32 $0xFFFFFC00  }
0x210: {  	v14 =	vmov s26;
	_ =	sdelay $0x4  }
0x211: {  	v14 =	vld.idx.msk [tilespmem:v14+s8+$0x0], $0xffff;
	_ =	sdelay $0x4  }
0x212: {  	v15 =	vxor.u32 $0x80000000, v14  }
0x213: {  	p1 =	sne.s32 s0, $0x1;
	(xrf0) =	vmax.scan.msk.u32 $0xffff, v15  }
.Ltmp14:
0x214: {  	_ = 	snop;
	(pc) =	sbr.rel @!p1 .LBB2_17-.Ltmp14, $2  }
0x215: {  	_ =	sdelay $0x2  }
0x216: {  	s31 =	simm.s32 $0x2980;
	s0 =	sadd.s32 $0xFFFFFFFF, s0;
	p0 =	por $0x0, $0x0;
	v14 =	vmul.u32 $0x5B, v14  }
0x217: {  	v15, _, _ =	vpop (xrf0)  }
0x218: {  	(v2sf) =	vpush v15, $0xF;
	_ =	sdelay $0xe  }
0x219: {  	s1 =	spop (v2sf)  }
0x21a: {  	s1 =	sand.u32 $0x7, s1  }
0x21b: {  	s1 =	sshll.u32 s1, $0x7  }
0x21c: {  	s1 =	sadd.s32 $0x2980, s1  }
0x21d: {  	v15 =	vld [tilespmem:s1+$0x0];
	_ =	sdelay $0x4  }
0x21e: {  	vm10 =	vge.f32 v15, v13  }
0x21f: {  	v16 =	vsel vm10, $0x1, v4  }
0x220: {  	(xrf0) =	vadd.scan.msk.s32 $0xffff, v16;
	_ =	sdelay $0x2  }
0x221: {  	v43 =	vmov s30  }
0x222: {  	v16 =	vadd.s32 $0xFFFFFFFF, v43  }
0x223: {  	v16 =	vbroadcast v16, $0x0  }
0x224: {  	v17, _, _ =	vpop (xrf0)  }
0x225: {  	v16 =	vadd.s32 v17, v16;
	v17 =	vxor.u32 $0x80000000, v17  }
0x226: {  	(xrf0) =	vmax.scan.msk.u32 $0xffff, v17;
	_ =	sdelay $0x3  }
0x227: {  	[tilespmem:v16+s9+$0x0] =	vst.idx.msk vm10, v15;
	v15 =	vadd.s32 v0, v14  }
0x228: {  	[tilespmem:v16+s14+$0x0] =	vst.idx.msk vm10, v15  }
0x229: {  	v15 =	vld [tilespmem:s1+$0x10];
	v44, _, _ =	vpop (xrf0)  }
0x22a: {  	(v2sf) =	vpush v44, $0xF;
	_ =	sdelay $0x3  }
0x22b: {  	vm10 =	vge.f32 v15, v13  }
0x22c: {  	v45 =	vsel vm10, $0x1, v4  }
0x22d: {  	(xrf0) =	vadd.scan.msk.s32 $0xffff, v45;
	_ =	sdelay $0x5  }
0x22e: {  	v16, _, _ =	vpop (xrf0)  }
0x22f: {  	v46 =	vxor.u32 $0x80000000, v16  }
0x230: {  	(xrf0) =	vmax.scan.msk.u32 $0xffff, v46  }
0x231: {  	s2 =	spop (v2sf)  }
0x232: {  	s2 =	sadd.s32 s2, s30  }
0x233: {  	s2 =	sadd.s32 $0x80000000, s2  }
0x234: {  	p0 =	slt.s32 s2, $0x100  }
0x235: {  	s2 =	simm.s32 @!p0 $0x100  }
0x236: {  	v47 =	vmov s2;
	v18, _, _ =	vpop (xrf0)  }
0x237: {  	v17 =	vadd.s32 $0xFFFFFFFF, v47;
	(v2sf) =	vpush v18, $0xF  }
0x238: {  	v17 =	vbroadcast v17, $0x0;
	_ =	sdelay $0x1  }
0x239: {  	v16 =	vadd.s32 v16, v17;
	_ =	sdelay $0x4  }
0x23a: {  	[tilespmem:v16+s9+$0x0] =	vst.idx.msk vm10, v15;
	v15 =	vadd.s32 v5, v14  }
0x23b: {  	[tilespmem:v16+s14+$0x0] =	vst.idx.msk vm10, v15  }
0x23c: {  	v15 =	vld [tilespmem:s1+$0x20];
	_ =	sdelay $0x4  }
0x23d: {  	vm10 =	vge.f32 v15, v13;
	s3 =	spop (v2sf)  }
0x23e: {  	s2 =	sadd.s32 s3, s2;
	v48 =	vsel vm10, $0x1, v4  }
0x23f: {  	s2 =	sadd.s32 $0x80000000, s2;
	(xrf0) =	vadd.scan.msk.s32 $0xffff, v48  }
0x240: {  	p0 =	slt.s32 s2, $0x100  }
0x241: {  	s2 =	simm.s32 @!p0 $0x100  }
0x242: {  	v49 =	vmov s2  }
0x243: {  	v16 =	vadd.s32 $0xFFFFFFFF, v49  }
0x244: {  	v16 =	vbroadcast v16, $0x0  }
0x245: {  	v50, _, _ =	vpop (xrf0)  }
0x246: {  	v16 =	vadd.s32 v50, v16;
	v17 =	vxor.u32 $0x80000000, v50  }
0x247: {  	(xrf0) =	vmax.scan.msk.u32 $0xffff, v17;
	_ =	sdelay $0x3  }
0x248: {  	[tilespmem:v16+s9+$0x0] =	vst.idx.msk vm10, v15;
	v15 =	vadd.s32 v6, v14  }
0x249: {  	[tilespmem:v16+s14+$0x0] =	vst.idx.msk vm10, v15  }
0x24a: {  	v15 =	vld [tilespmem:s1+$0x30];
	v51, _, _ =	vpop (xrf0)  }
0x24b: {  	(v2sf) =	vpush v51, $0xF;
	_ =	sdelay $0x3  }
0x24c: {  	vm10 =	vge.f32 v15, v13  }
0x24d: {  	v52 =	vsel vm10, $0x1, v4  }
0x24e: {  	(xrf0) =	vadd.scan.msk.s32 $0xffff, v52;
	_ =	sdelay $0x5  }
0x24f: {  	v16, _, _ =	vpop (xrf0)  }
0x250: {  	v53 =	vxor.u32 $0x80000000, v16  }
0x251: {  	(xrf0) =	vmax.scan.msk.u32 $0xffff, v53  }
0x252: {  	s20 =	spop (v2sf)  }
0x253: {  	s2 =	sadd.s32 s20, s2  }
0x254: {  	s2 =	sadd.s32 $0x80000000, s2  }
0x255: {  	p0 =	slt.s32 s2, $0x100  }
0x256: {  	s2 =	simm.s32 @!p0 $0x100  }
0x257: {  	v54 =	vmov s2;
	v55, _, _ =	vpop (xrf0)  }
0x258: {  	v17 =	vadd.s32 $0xFFFFFFFF, v54;
	(v2sf) =	vpush v55, $0xF  }
0x259: {  	v17 =	vbroadcast v17, $0x0;
	_ =	sdelay $0x1  }
0x25a: {  	v16 =	vadd.s32 v16, v17;
	_ =	sdelay $0x4  }
0x25b: {  	[tilespmem:v16+s9+$0x0] =	vst.idx.msk vm10, v15;
	v15 =	vadd.s32 v7, v14  }
0x25c: {  	[tilespmem:v16+s14+$0x0] =	vst.idx.msk vm10, v15  }
0x25d: {  	v15 =	vld [tilespmem:s1+$0x40];
	_ =	sdelay $0x4  }
0x25e: {  	vm10 =	vge.f32 v15, v13;
	s21 =	spop (v2sf)  }
0x25f: {  	s2 =	sadd.s32 s21, s2;
	v56 =	vsel vm10, $0x1, v4  }
0x260: {  	s2 =	sadd.s32 $0x80000000, s2;
	(xrf0) =	vadd.scan.msk.s32 $0xffff, v56  }
0x261: {  	p0 =	slt.s32 s2, $0x100  }
0x262: {  	s2 =	simm.s32 @!p0 $0x100  }
0x263: {  	v57 =	vmov s2  }
0x264: {  	v16 =	vadd.s32 $0xFFFFFFFF, v57  }
0x265: {  	v16 =	vbroadcast v16, $0x0  }
0x266: {  	v58, _, _ =	vpop (xrf0)  }
0x267: {  	v16 =	vadd.s32 v58, v16  }
0x268: {  	v17 =	vxor.u32 $0x80000000, v58  }
0x269: {  	(xrf0) =	vmax.scan.msk.u32 $0xffff, v17;
	_ =	sdelay $0x2  }
0x26a: {  	[tilespmem:v16+s9+$0x0] =	vst.idx.msk vm10, v15;
	v15 =	vadd.s32 v8, v14  }
0x26b: {  	[tilespmem:v16+s14+$0x0] =	vst.idx.msk vm10, v15  }
0x26c: {  	v15 =	vld [tilespmem:s1+$0x4B]  }
0x26d: {  	v59, _, _ =	vpop (xrf0)  }
0x26e: {  	(v2sf) =	vpush v59, $0xF;
	_ =	sdelay $0x2  }
0x26f: {  	vm10 =	vge.f32 v15, v13  }
0x270: {  	vm10 =	vmand vm10, vm0  }
0x271: {  	v60 =	vsel vm10, $0x1, v4  }
0x272: {  	(xrf0) =	vadd.scan.msk.s32 $0xffff, v60;
	_ =	sdelay $0x5  }
0x273: {  	v16, _, _ =	vpop (xrf0)  }
0x274: {  	v61 =	vxor.u32 $0x80000000, v16  }
0x275: {  	(xrf0) =	vmax.scan.msk.u32 $0xffff, v61  }
0x276: {  	s22 =	spop (v2sf)  }
0x277: {  	s1 =	sadd.s32 s22, s2  }
0x278: {  	s2 =	sadd.s32 $0x80000000, s1  }
0x279: {  	p0 =	slt.s32 s2, $0x100  }
0x27a: {  	s2 =	simm.s32 @!p0 $0x100  }
0x27b: {  	v62 =	vmov s2;
	v17, _, _ =	vpop (xrf0)  }
0x27c: {  	(v2sf) =	vpush v17, $0xF;
	v17 =	vadd.s32 $0xFFFFFFFF, v62  }
0x27d: {  	v17 =	vbroadcast v17, $0x0;
	_ =	sdelay $0x1  }
0x27e: {  	v16 =	vadd.s32 v16, v17  }
0x27f: {  	s1 =	sadd.s32 $0x1, s26  }
0x280: {  	v63 =	vmov s1;
	_ =	sdelay $0x2  }
0x281: {  	v14 =	vadd.s32 v9, v14;
	[tilespmem:v16+s9+$0x0] =	vst.idx.msk vm10, v15  }
0x282: {  	[tilespmem:v16+s14+$0x0] =	vst.idx.msk vm10, v14  }
0x283: {  	v14 =	vld.idx.msk [tilespmem:v63+s8+$0x0], $0xffff;
	_ =	sdelay $0x4  }
0x284: {  	v15 =	vxor.u32 $0x80000000, v14  }
0x285: {  	p1 =	sne.s32 s0, $0x1;
	(xrf0) =	vmax.scan.msk.u32 $0xffff, v15  }
.Ltmp15:
0x286: {  	_ = 	snop;
	(pc) =	sbr.rel @!p1 .LBB2_19-.Ltmp15, $4  }
0x287: {  	s23 =	spop (v2sf)  }
0x288: {  	s2 =	sadd.s32 s23, s2  }
0x289: {  	s15 =	sadd.s32 $0xFFFFFFFF, s0;
	s5 =	sadd.s32 $0x80000000, s2  }
0x28a: {  	s0 =	simm.s32 $0x2980;
	p0 =	por $0x1, $0x1;
	v14 =	vmul.u32 $0x5B, v14;
	p2 =	slt.s32 s5, $0x100  }
.LBB2_20:
0x28b: {  	p1 =	sne.s32 s15, $0x1;
	s5 =	simm.s32 @!p2 $0x100;
	s0 =	sadd.s32 $0x400, s0  }
0x28c: {  	s15 =	sadd.s32 $0xFFFFFFFF, s15;
	v15 =	vmov s5  }
0x28d: {  	v15 =	vadd.s32 $0xFFFFFFFF, v15  }
0x28e: {  	v16, _, _ =	vpop (xrf0)  }
0x28f: {  	(v2sf) =	vpush v16, $0xF;
	_ =	sdelay $0xe  }
0x290: {  	s2 =	spop (v2sf)  }
0x291: {  	s2 =	sand.u32 $0x7, s2  }
0x292: {  	s2 =	sshll.u32 s2, $0x7  }
0x293: {  	s20 =	sadd.s32 s2, s0  }
0x294: {  	v16 =	vld [tilespmem:s20+$0x0];
	_ =	sdelay $0x4  }
0x295: {  	vm10 =	vge.f32 v16, v13  }
0x296: {  	v17 =	vsel vm10, $0x1, v4  }
0x297: {  	(xrf0) =	vadd.scan.msk.s32 $0xffff, v17;
	_ =	sdelay $0x4  }
0x298: {  	v15 =	vbroadcast v15, $0x0  }
0x299: {  	v17, _, _ =	vpop (xrf0)  }
0x29a: {  	v15 =	vadd.s32 v17, v15;
	v17 =	vxor.u32 $0x80000000, v17  }
0x29b: {  	(xrf0) =	vmax.scan.msk.u32 $0xffff, v17;
	_ =	sdelay $0x3  }
0x29c: {  	v17 =	vadd.s32 v0, v14;
	[tilespmem:v15+s9+$0x0] =	vst.idx.msk vm10, v16  }
0x29d: {  	[tilespmem:v15+s14+$0x0] =	vst.idx.msk vm10, v17  }
0x29e: {  	v15 =	vld [tilespmem:s20+$0x10];
	v16, _, _ =	vpop (xrf0)  }
0x29f: {  	(v2sf) =	vpush v16, $0xF;
	_ =	sdelay $0x3  }
0x2a0: {  	vm10 =	vge.f32 v15, v13  }
0x2a1: {  	v16 =	vsel vm10, $0x1, v4  }
0x2a2: {  	(xrf0) =	vadd.scan.msk.s32 $0xffff, v16;
	_ =	sdelay $0x5  }
0x2a3: {  	v16, _, _ =	vpop (xrf0)  }
0x2a4: {  	v17 =	vxor.u32 $0x80000000, v16  }
0x2a5: {  	(xrf0) =	vmax.scan.msk.u32 $0xffff, v17  }
0x2a6: {  	s2 =	spop (v2sf)  }
0x2a7: {  	s2 =	sadd.s32 s2, s5  }
0x2a8: {  	s2 =	sadd.s32 $0x80000000, s2  }
0x2a9: {  	p2 =	slt.s32 s2, $0x100  }
0x2aa: {  	s2 =	simm.s32 @!p2 $0x100  }
0x2ab: {  	v17 =	vmov s2;
	v18, _, _ =	vpop (xrf0)  }
0x2ac: {  	v17 =	vadd.s32 $0xFFFFFFFF, v17;
	(v2sf) =	vpush v18, $0xF  }
0x2ad: {  	v17 =	vbroadcast v17, $0x0;
	_ =	sdelay $0x1  }
0x2ae: {  	v16 =	vadd.s32 v16, v17;
	_ =	sdelay $0x4  }
0x2af: {  	[tilespmem:v16+s9+$0x0] =	vst.idx.msk vm10, v15;
	v15 =	vadd.s32 v5, v14  }
0x2b0: {  	[tilespmem:v16+s14+$0x0] =	vst.idx.msk vm10, v15  }
0x2b1: {  	v15 =	vld [tilespmem:s20+$0x20];
	_ =	sdelay $0x4  }
0x2b2: {  	vm10 =	vge.f32 v15, v13;
	s3 =	spop (v2sf)  }
0x2b3: {  	s2 =	sadd.s32 s3, s2;
	v16 =	vsel vm10, $0x1, v4  }
0x2b4: {  	s2 =	sadd.s32 $0x80000000, s2;
	(xrf0) =	vadd.scan.msk.s32 $0xffff, v16  }
0x2b5: {  	p2 =	slt.s32 s2, $0x100  }
0x2b6: {  	s2 =	simm.s32 @!p2 $0x100  }
0x2b7: {  	v16 =	vmov s2  }
0x2b8: {  	v16 =	vadd.s32 $0xFFFFFFFF, v16  }
0x2b9: {  	v16 =	vbroadcast v16, $0x0  }
0x2ba: {  	v17, _, _ =	vpop (xrf0)  }
0x2bb: {  	v16 =	vadd.s32 v17, v16;
	v17 =	vxor.u32 $0x80000000, v17  }
0x2bc: {  	(xrf0) =	vmax.scan.msk.u32 $0xffff, v17;
	_ =	sdelay $0x3  }
0x2bd: {  	[tilespmem:v16+s9+$0x0] =	vst.idx.msk vm10, v15;
	v15 =	vadd.s32 v6, v14  }
0x2be: {  	[tilespmem:v16+s14+$0x0] =	vst.idx.msk vm10, v15  }
0x2bf: {  	v15 =	vld [tilespmem:s20+$0x30];
	v16, _, _ =	vpop (xrf0)  }
0x2c0: {  	(v2sf) =	vpush v16, $0xF;
	_ =	sdelay $0x3  }
0x2c1: {  	vm10 =	vge.f32 v15, v13  }
0x2c2: {  	v16 =	vsel vm10, $0x1, v4  }
0x2c3: {  	(xrf0) =	vadd.scan.msk.s32 $0xffff, v16;
	_ =	sdelay $0x5  }
0x2c4: {  	v16, _, _ =	vpop (xrf0)  }
0x2c5: {  	v17 =	vxor.u32 $0x80000000, v16  }
0x2c6: {  	(xrf0) =	vmax.scan.msk.u32 $0xffff, v17  }
0x2c7: {  	s3 =	spop (v2sf)  }
0x2c8: {  	s2 =	sadd.s32 s3, s2  }
0x2c9: {  	s2 =	sadd.s32 $0x80000000, s2  }
0x2ca: {  	p2 =	slt.s32 s2, $0x100  }
0x2cb: {  	s2 =	simm.s32 @!p2 $0x100  }
0x2cc: {  	v17 =	vmov s2;
	v18, _, _ =	vpop (xrf0)  }
0x2cd: {  	v17 =	vadd.s32 $0xFFFFFFFF, v17;
	(v2sf) =	vpush v18, $0xF  }
0x2ce: {  	v17 =	vbroadcast v17, $0x0;
	_ =	sdelay $0x1  }
0x2cf: {  	v16 =	vadd.s32 v16, v17;
	_ =	sdelay $0x4  }
0x2d0: {  	[tilespmem:v16+s9+$0x0] =	vst.idx.msk vm10, v15;
	v15 =	vadd.s32 v7, v14  }
0x2d1: {  	[tilespmem:v16+s14+$0x0] =	vst.idx.msk vm10, v15  }
0x2d2: {  	v15 =	vld [tilespmem:s20+$0x40];
	_ =	sdelay $0x4  }
0x2d3: {  	vm10 =	vge.f32 v15, v13;
	s3 =	spop (v2sf)  }
0x2d4: {  	s2 =	sadd.s32 s3, s2;
	v16 =	vsel vm10, $0x1, v4  }
0x2d5: {  	s2 =	sadd.s32 $0x80000000, s2;
	(xrf0) =	vadd.scan.msk.s32 $0xffff, v16  }
0x2d6: {  	p2 =	slt.s32 s2, $0x100  }
0x2d7: {  	s2 =	simm.s32 @!p2 $0x100  }
0x2d8: {  	v16 =	vmov s2  }
0x2d9: {  	v16 =	vadd.s32 $0xFFFFFFFF, v16  }
0x2da: {  	v16 =	vbroadcast v16, $0x0  }
0x2db: {  	v17, _, _ =	vpop (xrf0)  }
0x2dc: {  	v16 =	vadd.s32 v17, v16;
	v17 =	vxor.u32 $0x80000000, v17  }
0x2dd: {  	(xrf0) =	vmax.scan.msk.u32 $0xffff, v17;
	_ =	sdelay $0x3  }
0x2de: {  	[tilespmem:v16+s9+$0x0] =	vst.idx.msk vm10, v15;
	v15 =	vadd.s32 v8, v14  }
0x2df: {  	[tilespmem:v16+s14+$0x0] =	vst.idx.msk vm10, v15  }
0x2e0: {  	v15 =	vld [tilespmem:s20+$0x4B];
	v16, _, _ =	vpop (xrf0)  }
0x2e1: {  	(v2sf) =	vpush v16, $0xF;
	_ =	sdelay $0x3  }
0x2e2: {  	vm10 =	vge.f32 v15, v13  }
0x2e3: {  	vm10 =	vmand vm10, vm0  }
0x2e4: {  	v16 =	vsel vm10, $0x1, v4  }
0x2e5: {  	(xrf0) =	vadd.scan.msk.s32 $0xffff, v16;
	_ =	sdelay $0x5  }
0x2e6: {  	v16, _, _ =	vpop (xrf0)  }
0x2e7: {  	v17 =	vxor.u32 $0x80000000, v16  }
0x2e8: {  	s3 =	spop (v2sf);
	(xrf0) =	vmax.scan.msk.u32 $0xffff, v17  }
0x2e9: {  	s2 =	sadd.s32 s3, s2  }
0x2ea: {  	s2 =	sadd.s32 $0x80000000, s2  }
0x2eb: {  	p2 =	slt.s32 s2, $0x100  }
0x2ec: {  	s2 =	simm.s32 @!p2 $0x100  }
0x2ed: {  	v17 =	vmov s2  }
0x2ee: {  	v17 =	vadd.s32 $0xFFFFFFFF, v17;
	v18, _, _ =	vpop (xrf0)  }
0x2ef: {  	v17 =	vbroadcast v17, $0x0;
	(v2sf) =	vpush v18, $0xF;
	_ =	sdelay $0x1  }
0x2f0: {  	v16 =	vadd.s32 v16, v17  }
0x2f1: {  	s1 =	sadd.s32 $0x1, s1  }
0x2f2: {  	v17 =	vmov s1;
	_ =	sdelay $0x2  }
0x2f3: {  	v14 =	vadd.s32 v9, v14;
	[tilespmem:v16+s9+$0x0] =	vst.idx.msk vm10, v15  }
0x2f4: {  	[tilespmem:v16+s14+$0x0] =	vst.idx.msk vm10, v14  }
0x2f5: {  	v14 =	vld.idx.msk [tilespmem:v17+s8+$0x0], $0xffff;
	_ =	sdelay $0x4  }
.Ltmp16:
0x2f6: {  	(pc) =	sbr.rel @p1 .LBB2_20-.Ltmp16, $4  }
0x2f7: {  	v15 =	vxor.u32 $0x80000000, v14;
	v14 =	vmul.u32 $0x5B, v14;
	s3 =	spop (v2sf)  }
0x2f8: {  	(xrf0) =	vmax.scan.msk.u32 $0xffff, v15;
	s2 =	sadd.s32 s3, s2  }
0x2f9: {  	s5 =	sadd.s32 $0x80000000, s2  }
0x2fa: {  	p2 =	slt.s32 s5, $0x100  }
.Ltmp17:
0x2fb: {  	_ = 	snop;
	(pc) =	sbr.rel .LBB2_21-.Ltmp17, $1  }
0x2fc: {  	_ =	sdelay $0x3  }
.LBB2_8:
.Ltmp18:
0x2fd: {  	(pc) =	sbr.rel .LBB2_14-.Ltmp18, $2  }
0x2fe: {  	_ =	sdelay $0x2  }
0x2ff: {  	s3 =	simm.s32 $0x2980  }
.LBB2_10:
.Ltmp19:
0x300: {  	(pc) =	sbr.rel .LBB2_14-.Ltmp19, $2  }
0x301: {  	_ =	sdelay $0x2  }
0x302: {  	s3 =	simm.s32 $0x2980  }
.LBB2_19:
.Ltmp20:
0x303: {  	(pc) =	sbr.rel .LBB2_21-.Ltmp20, $2  }
0x304: {  	_ =	sdelay $0x2  }
0x305: {  	s0 =	simm.s32 $0x2980  }
.LBB2_12:
.Ltmp21:
0x306: {  	(pc) =	sbr.rel .LBB2_14-.Ltmp21, $2  }
0x307: {  	_ =	sdelay $0x2  }
0x308: {  	s3 =	simm.s32 $0x2980  }
.LBB2_28:
0x309: {  	_ =	sfence.sel $0x180000  }
0x30a: {  	[bflag:$0x0] =	sbarrier.arrive $0xFFFF  }
0x30b: {  	_ =	strace $0x90000047  }
0x30c: {  	s0 =	stileid.u32;
	[bflag:$0x2] =	sbarrier.arrive $0xFFFF  }
0x30d: {  	p0 =	sne.s32 s0, $0x0;
	s0 =	rddreg [dreg:$0x3]  }
0x30e: {  	s0 =	sadd.s32 @!p0 $0x100000, s0  }
0x30f: {  	[sflag:s0] =	ssyncadd.tile.s32 @!p0 $0x1;
	_ =	shalt  }
.Lfunc_end2:
_tile_overlayer_lowered:
.L_overlay_start_2:
0x310: {  	(tag) =	ssettag $0x2  }
0x311: {  	s0 =	rddreg [dreg:$0x0];
	s2 =	stileid.u32  }
0x312: {  	s1 =	rddreg [dreg:$0x1];
	p0 =	sne.s32 s2, $0x0  }
0x313: {  	s3 =	rddreg [dreg:$0x2];
	[bflag:$0x3] =	sbarrier.arrive $0xFFFF;
	s2 =	simm.s32 @!p0 $0x1C02  }
0x314: {  	[timem:s3], [sflag:s2] =	dma.local @!p0 [hbm:s0], s1  }
0x315: {  	s0 =	simm.s32 @!p0 $0x2  }
0x316: {  	_ =	swait.ge @!p0 [sflag:s0], s1  }
0x317: {  	s1 =	ssub.s32 @!p0 $0x0, s1;
	[sflag:s0] =	ssyncset.done @!p0 $0x0  }
0x318: {  	[sflag:s0] =	ssyncadd.s32 @!p0 s1  }
0x319: {  	[bflag:$0x3] =	sbarrier.arrive $0xFFFF  }
0x31a: {  	_ =	shalt  }

</sc_bundles>
